<compile_context>
chip_gen: v7x
topology: tpu7x:2x2x1
jax: 0.10.2.dev20260603
libtpu: 0.0.44.dev20260713+nightly
codegen_flags: <defaults>
</compile_context>

<pallas_src>
import functools

import jax
import jax.numpy as jnp
from jax import lax
from jax.experimental import pallas as pl
from jax.experimental.pallas import tpu as pltpu
from jax.experimental.pallas import tpu_sc as plsc

_L = 16
_NW = 32
_RS = 32
_C = 6
_V = 20


def _sc_lookup(n_rows, n_cols, row_lo=0, sub_rows=None):
    sub_rows = n_rows if sub_rows is None else sub_rows
    rows_w = sub_rows // _NW
    steps = rows_w // _RS
    assert steps % 2 == 0 and steps >= 4
    ch = _RS * n_cols
    n_total = sub_rows * n_cols
    mesh = plsc.VectorSubcoreMesh(core_axis_name="c", subcore_axis_name="s")

    @functools.partial(
        pl.kernel,
        mesh=mesh,
        compiler_params=pltpu.CompilerParams(needs_layout_passes=False),
        out_type=jax.ShapeDtypeStruct((_C, n_total), jnp.float32),
        scratch_types=[
            pltpu.VMEM((2, _RS, n_cols), jnp.int32),
            pltpu.VMEM((2, _C, ch), jnp.float32),
            pltpu.VMEM((128,), jnp.float32),
            pltpu.SemaphoreType.DMA,
            pltpu.SemaphoreType.DMA,
            pltpu.SemaphoreType.DMA,
            pltpu.SemaphoreType.DMA,
        ],
    )
    def k(idx_hbm, tab_hbm, out_hbm, idx_v, out_v, tab_v,
          in0, in1, o0, o1):
        in_sems = (in0, in1)
        out_sems = (o0, o1)
        wid = lax.axis_index("s") * 2 + lax.axis_index("c")
        row0 = row_lo + wid * rows_w
        out0 = wid * rows_w * n_cols
        pltpu.sync_copy(tab_hbm, tab_v)

        def issue_in(s, b):
            sw = lax.rem(s, steps)
            pltpu.async_copy(
                idx_hbm.at[pl.ds(row0 + sw * _RS, _RS), :], idx_v.at[b],
                in_sems[b])

        def wait_in(b):
            pltpu.make_async_copy(
                idx_hbm.at[pl.ds(0, _RS), :], idx_v.at[b], in_sems[b]).wait()

        def issue_out(s, b):
            base = out0 + s * ch
            pltpu.async_copy(
                out_v.at[b], out_hbm.at[:, pl.ds(base, ch)], out_sems[b])

        def wait_out(b):
            pltpu.make_async_copy(
                out_v.at[b], out_hbm.at[:, pl.ds(0, ch)], out_sems[b]).wait()

        iota = jnp.arange(_L, dtype=jnp.int32)

        def compute(b):
            bfull = iota * 0 + b

            @plsc.parallel_loop(0, ch // _L, 1, unroll=2)
            def g_body(i):
                e0 = i * _L
                e = iota + e0
                r = e // n_cols
                col = e - r * n_cols
                idx_vec = plsc.load_gather(idx_v, [bfull, r, col])
                for c in range(_C):
                    o = idx_vec + (c * _V) if c else idx_vec
                    out_v[b, c, pl.ds(e0, _L)] = plsc.load_gather(tab_v, [o])

        issue_in(0, 0)
        issue_in(1, 1)

        for b in range(2):
            wait_in(b)
            compute(b)
            issue_in(2 + b, b)
            issue_out(b, b)

        def pair(t, carry):
            s = t * 2
            for b in range(2):
                wait_in(b)
                wait_out(b)
                compute(b)
                issue_in(s + 2 + b, b)
                issue_out(s + b, b)
            return carry

        lax.fori_loop(1, steps // 2, pair, 0)

        for b in range(2):
            wait_in(b)
            wait_out(b)

    return k


def kernel(primary, table):
    n_rows, n_cols = primary.shape
    tab_t = jnp.zeros((128,), jnp.float32).at[: _C * _V].set(
        table.T.reshape(-1))
    idx = primary.astype(jnp.int32)
    out = _sc_lookup(n_rows, n_cols)(idx, tab_t)
    return out.reshape(1, _C, n_rows * n_cols)

# --- scband reference (transcript-rebuilt; emitter-appended) ---
"""Pipeline reference for scband-embedding-network-13048110645353 (READ-ONLY COPY).

The authoritative reference and input builder live on the scoring server;
editing this copy changes nothing except your own understanding.
"""

import jax, jax.numpy as jnp
import numpy as np


def setup_inputs(seed: int = 0) -> dict:
    key = jax.random.key(seed)
    k_idx, k_tab = jax.random.split(key)
    primary = jax.random.randint(k_idx, (16384, 200), 0, 20, dtype=jnp.int64 if jax.config.read('jax_enable_x64') else jnp.int32)
    table = jax.random.normal(k_tab, (20, 6), dtype=jnp.float32)
    return {"primary": primary, "table": table}


def reference(primary, table):
    # primary = primary.reshape(1, -1)
    idx = primary.reshape(1, -1)
    # nn.Embedding lookup -> (1, N, 6)
    embeds = jnp.take(table, idx, axis=0)
    # permute(0, 2, 1) -> (1, 6, N)
    return jnp.transpose(embeds, (0, 2, 1))

if __name__ == "__main__":
    import jax
    _d = setup_inputs()
    print(jax.jit(kernel)(*tuple(_d.values())))

</pallas_src>

<mosaic_0001>
#map = affine_map<(d0, d1) -> (0, 0)>
#map1 = affine_map<(d0, d1) -> (0)>
module attributes {stable_mosaic.version = 14 : i64} {
  func.func @k(%arg0: i32, %arg1: i32, %arg2: memref<16384x200xi32, #tpu.memory_space<hbm>>, %arg3: memref<128xf32, #tpu.memory_space<hbm>>, %arg4: memref<6x3276800xf32, #tpu.memory_space<hbm>>, %arg5: memref<2x32x200xi32, #tpu.memory_space<vmem>>, %arg6: memref<2x6x6400xf32, #tpu.memory_space<vmem>>, %arg7: memref<128xf32, #tpu.memory_space<vmem>>, %arg8: memref<!tpu.dma_semaphore, #tpu.memory_space<semaphore_mem>>, %arg9: memref<!tpu.dma_semaphore, #tpu.memory_space<semaphore_mem>>, %arg10: memref<!tpu.dma_semaphore, #tpu.memory_space<semaphore_mem>>, %arg11: memref<!tpu.dma_semaphore, #tpu.memory_space<semaphore_mem>>) attributes {dimension_semantics = [#tpu.dimension_semantics<core_parallel>, #tpu.dimension_semantics<subcore_parallel>], iteration_bounds = array<i64: 2, 16>, scalar_prefetch = 0 : i64, scratch_operands = 7 : i64, tpu.core_type = #tpu.core_type<sc_vector_subcore>, window_params = [{transform_indices = #map}, {transform_indices = #map1}, {transform_indices = #map}]} {
    %mul3A = arith.constant 2 : i32
    %mul3A_0 = arith.muli %arg1, %mul3A : i32
    %add3A = arith.addi %mul3A_0, %arg0 : i32
    %mul3A_1 = arith.constant 512 : i32
    %mul3A_2 = arith.muli %add3A, %mul3A_1 : i32
    %add3A_3 = arith.constant 0 : i32
    %add3A_4 = arith.addi %add3A_3, %mul3A_2 : i32
    %mul3A_5 = arith.constant 512 : i32
    %mul3A_6 = arith.muli %add3A, %mul3A_5 : i32
    %mul3A_7 = arith.constant 200 : i32
    %mul3A_8 = arith.muli %mul3A_6, %mul3A_7 : i32
    "tpu.region"() ({
      %run_scoped3A = tpu.sem_alloc : memref<!tpu.dma_semaphore, #tpu.memory_space<semaphore_mem>>
      tpu.enqueue_dma source(%arg3 : memref<128xf32, #tpu.memory_space<hbm>>) target(%arg7 : memref<128xf32, #tpu.memory_space<vmem>>) target_semaphore(%run_scoped3A : memref<!tpu.dma_semaphore, #tpu.memory_space<semaphore_mem>>)
      tpu.wait_dma2 semaphore(%run_scoped3A : memref<!tpu.dma_semaphore, #tpu.memory_space<semaphore_mem>>) src(%arg3 : memref<128xf32, #tpu.memory_space<hbm>>) dst(%arg7 : memref<128xf32, #tpu.memory_space<vmem>>)
      tpu.yield
    }) : () -> ()
    %iota3A = tpu.iota {dimensions = array<i32: 0>} : vector<16xi32>
    %rem3A = arith.constant 0 : i32
    %rem3A_9 = arith.constant 16 : i32
    %rem3A_10 = arith.remsi %rem3A, %rem3A_9 : i32
    %mul3A_11 = arith.constant 32 : i32
    %mul3A_12 = arith.muli %rem3A_10, %mul3A_11 : i32
    %add3A_13 = arith.addi %add3A_4, %mul3A_12 : i32
    %dma_start3A = arith.constant 0 : i32
    %dma_start3A_14 = arith.constant 0 : i32
    %dma_start3A_15 = arith.constant 0 : i32
    %dma_start3A_16 = tpu.memref_slice %arg5[%dma_start3A, %dma_start3A_14, %dma_start3A_15] : memref<2x32x200xi32, #tpu.memory_space<vmem>> -> memref<1x32x200xi32, #tpu.memory_space<vmem>>
    %dma_start3A_17 = tpu.memref_squeeze %dma_start3A_16 : memref<1x32x200xi32, #tpu.memory_space<vmem>> -> memref<32x200xi32, #tpu.memory_space<vmem>>
    %dma_start3A_18 = arith.constant 0 : i32
    %dma_start3A_19 = tpu.memref_slice %arg2[%add3A_13, %dma_start3A_18] : memref<16384x200xi32, #tpu.memory_space<hbm>> -> memref<32x200xi32, #tpu.memory_space<hbm>>
    %dma_start3A_20 = arith.constant 0 : i32
    %dma_start3A_21 = arith.constant 0 : i32
    %dma_start3A_22 = tpu.memref_slice %arg5[%dma_start3A, %dma_start3A_20, %dma_start3A_21] : memref<2x32x200xi32, #tpu.memory_space<vmem>> -> memref<1x32x200xi32, #tpu.memory_space<vmem>>
    %dma_start3A_23 = tpu.memref_squeeze %dma_start3A_22 : memref<1x32x200xi32, #tpu.memory_space<vmem>> -> memref<32x200xi32, #tpu.memory_space<vmem>>
    %dma_start3A_24 = arith.constant 0 : i32
    %dma_start3A_25 = tpu.memref_slice %arg2[%add3A_13, %dma_start3A_24] : memref<16384x200xi32, #tpu.memory_space<hbm>> -> memref<32x200xi32, #tpu.memory_space<hbm>>
    tpu.enqueue_dma source(%dma_start3A_25 : memref<32x200xi32, #tpu.memory_space<hbm>>) target(%dma_start3A_23 : memref<32x200xi32, #tpu.memory_space<vmem>>) target_semaphore(%arg8 : memref<!tpu.dma_semaphore, #tpu.memory_space<semaphore_mem>>)
    %rem3A_26 = arith.constant 1 : i32
    %rem3A_27 = arith.constant 16 : i32
    %rem3A_28 = arith.remsi %rem3A_26, %rem3A_27 : i32
    %mul3A_29 = arith.constant 32 : i32
    %mul3A_30 = arith.muli %rem3A_28, %mul3A_29 : i32
    %add3A_31 = arith.addi %add3A_4, %mul3A_30 : i32
    %dma_start3A_32 = arith.constant 1 : i32
    %dma_start3A_33 = arith.constant 0 : i32
    %dma_start3A_34 = arith.constant 0 : i32
    %dma_start3A_35 = tpu.memref_slice %arg5[%dma_start3A_32, %dma_start3A_33, %dma_start3A_34] : memref<2x32x200xi32, #tpu.memory_space<vmem>> -> memref<1x32x200xi32, #tpu.memory_space<vmem>>
    %dma_start3A_36 = tpu.memref_squeeze %dma_start3A_35 : memref<1x32x200xi32, #tpu.memory_space<vmem>> -> memref<32x200xi32, #tpu.memory_space<vmem>>
    %dma_start3A_37 = arith.constant 0 : i32
    %dma_start3A_38 = tpu.memref_slice %arg2[%add3A_31, %dma_start3A_37] : memref<16384x200xi32, #tpu.memory_space<hbm>> -> memref<32x200xi32, #tpu.memory_space<hbm>>
    %dma_start3A_39 = arith.constant 0 : i32
    %dma_start3A_40 = arith.constant 0 : i32
    %dma_start3A_41 = tpu.memref_slice %arg5[%dma_start3A_32, %dma_start3A_39, %dma_start3A_40] : memref<2x32x200xi32, #tpu.memory_space<vmem>> -> memref<1x32x200xi32, #tpu.memory_space<vmem>>
    %dma_start3A_42 = tpu.memref_squeeze %dma_start3A_41 : memref<1x32x200xi32, #tpu.memory_space<vmem>> -> memref<32x200xi32, #tpu.memory_space<vmem>>
    %dma_start3A_43 = arith.constant 0 : i32
    %dma_start3A_44 = tpu.memref_slice %arg2[%add3A_31, %dma_start3A_43] : memref<16384x200xi32, #tpu.memory_space<hbm>> -> memref<32x200xi32, #tpu.memory_space<hbm>>
    tpu.enqueue_dma source(%dma_start3A_44 : memref<32x200xi32, #tpu.memory_space<hbm>>) target(%dma_start3A_42 : memref<32x200xi32, #tpu.memory_space<vmem>>) target_semaphore(%arg9 : memref<!tpu.dma_semaphore, #tpu.memory_space<semaphore_mem>>)
    %dma_wait3A = arith.constant 0 : i32
    %dma_wait3A_45 = arith.constant 0 : i32
    %dma_wait3A_46 = arith.constant 0 : i32
    %dma_wait3A_47 = tpu.memref_slice %arg5[%dma_wait3A, %dma_wait3A_45, %dma_wait3A_46] : memref<2x32x200xi32, #tpu.memory_space<vmem>> -> memref<1x32x200xi32, #tpu.memory_space<vmem>>
    %dma_wait3A_48 = tpu.memref_squeeze %dma_wait3A_47 : memref<1x32x200xi32, #tpu.memory_space<vmem>> -> memref<32x200xi32, #tpu.memory_space<vmem>>
    %dma_wait3A_49 = arith.constant 0 : i32
    %dma_wait3A_50 = arith.constant 0 : i32
    %dma_wait3A_51 = tpu.memref_slice %arg2[%dma_wait3A_49, %dma_wait3A_50] : memref<16384x200xi32, #tpu.memory_space<hbm>> -> memref<32x200xi32, #tpu.memory_space<hbm>>
    %dma_wait3A_52 = arith.constant 0 : i32
    %dma_wait3A_53 = arith.constant 0 : i32
    %dma_wait3A_54 = tpu.memref_slice %arg5[%dma_wait3A, %dma_wait3A_52, %dma_wait3A_53] : memref<2x32x200xi32, #tpu.memory_space<vmem>> -> memref<1x32x200xi32, #tpu.memory_space<vmem>>
    %dma_wait3A_55 = tpu.memref_squeeze %dma_wait3A_54 : memref<1x32x200xi32, #tpu.memory_space<vmem>> -> memref<32x200xi32, #tpu.memory_space<vmem>>
    %dma_wait3A_56 = arith.constant 0 : i32
    %dma_wait3A_57 = arith.constant 0 : i32
    %dma_wait3A_58 = tpu.memref_slice %arg2[%dma_wait3A_56, %dma_wait3A_57] : memref<16384x200xi32, #tpu.memory_space<hbm>> -> memref<32x200xi32, #tpu.memory_space<hbm>>
    tpu.wait_dma2 semaphore(%arg8 : memref<!tpu.dma_semaphore, #tpu.memory_space<semaphore_mem>>) src(%dma_wait3A_58 : memref<32x200xi32, #tpu.memory_space<hbm>>) dst(%dma_wait3A_55 : memref<32x200xi32, #tpu.memory_space<vmem>>)
    %mul3A_59 = arith.constant 0 : i32
    %mul3A_60 = vector.broadcast %mul3A_59 : i32 to vector<16xi32>
    %mul3A_61 = arith.muli %iota3A, %mul3A_60 : vector<16xi32>
    %add3A_62 = arith.constant 0 : i32
    %add3A_63 = vector.broadcast %add3A_62 : i32 to vector<16xi32>
    %add3A_64 = arith.addi %mul3A_61, %add3A_63 : vector<16xi32>
    %parallel_loop3A = arith.constant 0 : i32
    %parallel_loop3A_65 = arith.constant 400 : i32
    %parallel_loop3A_66 = arith.constant 1 : i32
    scf.for %parallel_loop3A_224 = %parallel_loop3A to %parallel_loop3A_65 step %parallel_loop3A_66  : i32 {
      %parallel_loop3A_225 = arith.constant 16 : i32
      %parallel_loop3A_226 = arith.muli %parallel_loop3A_224, %parallel_loop3A_225 : i32
      %parallel_loop3A_227 = vector.broadcast %parallel_loop3A_226 : i32 to vector<16xi32>
      %parallel_loop3A_228 = arith.addi %iota3A, %parallel_loop3A_227 : vector<16xi32>
      %parallel_loop3A_229 = arith.constant 200 : i32
      %parallel_loop3A_230 = vector.broadcast %parallel_loop3A_229 : i32 to vector<16xi32>
      %parallel_loop3A_231 = arith.divsi %parallel_loop3A_228, %parallel_loop3A_230 : vector<16xi32>
      %parallel_loop3A_232 = arith.constant 0 : i32
      %parallel_loop3A_233 = vector.broadcast %parallel_loop3A_232 : i32 to vector<16xi32>
      %parallel_loop3A_234 = arith.cmpi sgt, %parallel_loop3A_228, %parallel_loop3A_233 : vector<16xi32>
      %parallel_loop3A_235 = arith.extui %parallel_loop3A_234 : vector<16xi1> to vector<16xi32>
      %parallel_loop3A_236 = arith.constant 0 : i32
      %parallel_loop3A_237 = vector.broadcast %parallel_loop3A_236 : i32 to vector<16xi32>
      %parallel_loop3A_238 = arith.cmpi slt, %parallel_loop3A_228, %parallel_loop3A_237 : vector<16xi32>
      %parallel_loop3A_239 = arith.extui %parallel_loop3A_238 : vector<16xi1> to vector<16xi32>
      %parallel_loop3A_240 = arith.subi %parallel_loop3A_235, %parallel_loop3A_239 : vector<16xi32>
      %parallel_loop3A_241 = arith.constant 0 : i32
      %parallel_loop3A_242 = arith.cmpi sgt, %parallel_loop3A_229, %parallel_loop3A_241 : i32
      %parallel_loop3A_243 = arith.extui %parallel_loop3A_242 : i1 to i32
      %parallel_loop3A_244 = arith.constant 0 : i32
      %parallel_loop3A_245 = arith.cmpi slt, %parallel_loop3A_229, %parallel_loop3A_244 : i32
      %parallel_loop3A_246 = arith.extui %parallel_loop3A_245 : i1 to i32
      %parallel_loop3A_247 = arith.subi %parallel_loop3A_243, %parallel_loop3A_246 : i32
      %parallel_loop3A_248 = vector.broadcast %parallel_loop3A_247 : i32 to vector<16xi32>
      %parallel_loop3A_249 = arith.cmpi ne, %parallel_loop3A_240, %parallel_loop3A_248 : vector<16xi32>
      %parallel_loop3A_250 = vector.broadcast %parallel_loop3A_229 : i32 to vector<16xi32>
      %parallel_loop3A_251 = arith.remsi %parallel_loop3A_228, %parallel_loop3A_250 : vector<16xi32>
      %parallel_loop3A_252 = arith.constant 0 : i32
      %parallel_loop3A_253 = vector.broadcast %parallel_loop3A_252 : i32 to vector<16xi32>
      %parallel_loop3A_254 = arith.cmpi ne, %parallel_loop3A_251, %parallel_loop3A_253 : vector<16xi32>
      %parallel_loop3A_255 = arith.andi %parallel_loop3A_249, %parallel_loop3A_254 : vector<16xi1>
      %parallel_loop3A_256 = arith.constant 1 : i32
      %parallel_loop3A_257 = vector.broadcast %parallel_loop3A_256 : i32 to vector<16xi32>
      %parallel_loop3A_258 = arith.subi %parallel_loop3A_231, %parallel_loop3A_257 : vector<16xi32>
      %parallel_loop3A_259 = arith.select %parallel_loop3A_255, %parallel_loop3A_258, %parallel_loop3A_231 : vector<16xi1>, vector<16xi32>
      %parallel_loop3A_260 = arith.constant 200 : i32
      %parallel_loop3A_261 = vector.broadcast %parallel_loop3A_260 : i32 to vector<16xi32>
      %parallel_loop3A_262 = arith.muli %parallel_loop3A_259, %parallel_loop3A_261 : vector<16xi32>
      %parallel_loop3A_263 = arith.subi %parallel_loop3A_228, %parallel_loop3A_262 : vector<16xi32>
      %parallel_loop3A_264 = tpu.vector_load_idx %arg5[%add3A_64, %parallel_loop3A_259, %parallel_loop3A_263] : memref<2x32x200xi32, #tpu.memory_space<vmem>>[vector<16xi32>, vector<16xi32>, vector<16xi32>], vector<16xi32>,
      %parallel_loop3A_265 = tpu.vector_load_idx %arg7[%parallel_loop3A_264] : memref<128xf32, #tpu.memory_space<vmem>>[vector<16xi32>], vector<16xf32>,
      %parallel_loop3A_266 = arith.constant 0 : i32
      %parallel_loop3A_267 = arith.constant 0 : i32
      %parallel_loop3A_268 = arith.index_cast %parallel_loop3A_266 : i32 to index
      %parallel_loop3A_269 = arith.index_cast %parallel_loop3A_267 : i32 to index
      %parallel_loop3A_270 = arith.index_cast %parallel_loop3A_226 : i32 to index
      %parallel_loop3A_271 = tpu.vector_load %arg6[%parallel_loop3A_268, %parallel_loop3A_269, %parallel_loop3A_270] {strides = array<i32>} : memref<2x6x6400xf32, #tpu.memory_space<vmem>>, vector<16xf32>,
      tpu.vector_store %arg6[%parallel_loop3A_268, %parallel_loop3A_269, %parallel_loop3A_270], %parallel_loop3A_265 {strides = array<i32>} : memref<2x6x6400xf32, #tpu.memory_space<vmem>>, vector<16xf32>,
      %parallel_loop3A_272 = arith.constant 20 : i32
      %parallel_loop3A_273 = vector.broadcast %parallel_loop3A_272 : i32 to vector<16xi32>
      %parallel_loop3A_274 = arith.addi %parallel_loop3A_264, %parallel_loop3A_273 : vector<16xi32>
      %parallel_loop3A_275 = tpu.vector_load_idx %arg7[%parallel_loop3A_274] : memref<128xf32, #tpu.memory_space<vmem>>[vector<16xi32>], vector<16xf32>,
      %parallel_loop3A_276 = arith.constant 0 : i32
      %parallel_loop3A_277 = arith.constant 1 : i32
      %parallel_loop3A_278 = arith.index_cast %parallel_loop3A_276 : i32 to index
      %parallel_loop3A_279 = arith.index_cast %parallel_loop3A_277 : i32 to index
      %parallel_loop3A_280 = arith.index_cast %parallel_loop3A_226 : i32 to index
      %parallel_loop3A_281 = tpu.vector_load %arg6[%parallel_loop3A_278, %parallel_loop3A_279, %parallel_loop3A_280] {strides = array<i32>} : memref<2x6x6400xf32, #tpu.memory_space<vmem>>, vector<16xf32>,
      tpu.vector_store %arg6[%parallel_loop3A_278, %parallel_loop3A_279, %parallel_loop3A_280], %parallel_loop3A_275 {strides = array<i32>} : memref<2x6x6400xf32, #tpu.memory_space<vmem>>, vector<16xf32>,
      %parallel_loop3A_282 = arith.constant 40 : i32
      %parallel_loop3A_283 = vector.broadcast %parallel_loop3A_282 : i32 to vector<16xi32>
      %parallel_loop3A_284 = arith.addi %parallel_loop3A_264, %parallel_loop3A_283 : vector<16xi32>
      %parallel_loop3A_285 = tpu.vector_load_idx %arg7[%parallel_loop3A_284] : memref<128xf32, #tpu.memory_space<vmem>>[vector<16xi32>], vector<16xf32>,
      %parallel_loop3A_286 = arith.constant 0 : i32
      %parallel_loop3A_287 = arith.constant 2 : i32
      %parallel_loop3A_288 = arith.index_cast %parallel_loop3A_286 : i32 to index
      %parallel_loop3A_289 = arith.index_cast %parallel_loop3A_287 : i32 to index
      %parallel_loop3A_290 = arith.index_cast %parallel_loop3A_226 : i32 to index
      %parallel_loop3A_291 = tpu.vector_load %arg6[%parallel_loop3A_288, %parallel_loop3A_289, %parallel_loop3A_290] {strides = array<i32>} : memref<2x6x6400xf32, #tpu.memory_space<vmem>>, vector<16xf32>,
      tpu.vector_store %arg6[%parallel_loop3A_288, %parallel_loop3A_289, %parallel_loop3A_290], %parallel_loop3A_285 {strides = array<i32>} : memref<2x6x6400xf32, #tpu.memory_space<vmem>>, vector<16xf32>,
      %parallel_loop3A_292 = arith.constant 60 : i32
      %parallel_loop3A_293 = vector.broadcast %parallel_loop3A_292 : i32 to vector<16xi32>
      %parallel_loop3A_294 = arith.addi %parallel_loop3A_264, %parallel_loop3A_293 : vector<16xi32>
      %parallel_loop3A_295 = tpu.vector_load_idx %arg7[%parallel_loop3A_294] : memref<128xf32, #tpu.memory_space<vmem>>[vector<16xi32>], vector<16xf32>,
      %parallel_loop3A_296 = arith.constant 0 : i32
      %parallel_loop3A_297 = arith.constant 3 : i32
      %parallel_loop3A_298 = arith.index_cast %parallel_loop3A_296 : i32 to index
      %parallel_loop3A_299 = arith.index_cast %parallel_loop3A_297 : i32 to index
      %parallel_loop3A_300 = arith.index_cast %parallel_loop3A_226 : i32 to index
      %parallel_loop3A_301 = tpu.vector_load %arg6[%parallel_loop3A_298, %parallel_loop3A_299, %parallel_loop3A_300] {strides = array<i32>} : memref<2x6x6400xf32, #tpu.memory_space<vmem>>, vector<16xf32>,
      tpu.vector_store %arg6[%parallel_loop3A_298, %parallel_loop3A_299, %parallel_loop3A_300], %parallel_loop3A_295 {strides = array<i32>} : memref<2x6x6400xf32, #tpu.memory_space<vmem>>, vector<16xf32>,
      %parallel_loop3A_302 = arith.constant 80 : i32
      %parallel_loop3A_303 = vector.broadcast %parallel_loop3A_302 : i32 to vector<16xi32>
      %parallel_loop3A_304 = arith.addi %parallel_loop3A_264, %parallel_loop3A_303 : vector<16xi32>
      %parallel_loop3A_305 = tpu.vector_load_idx %arg7[%parallel_loop3A_304] : memref<128xf32, #tpu.memory_space<vmem>>[vector<16xi32>], vector<16xf32>,
      %parallel_loop3A_306 = arith.constant 0 : i32
      %parallel_loop3A_307 = arith.constant 4 : i32
      %parallel_loop3A_308 = arith.index_cast %parallel_loop3A_306 : i32 to index
      %parallel_loop3A_309 = arith.index_cast %parallel_loop3A_307 : i32 to index
      %parallel_loop3A_310 = arith.index_cast %parallel_loop3A_226 : i32 to index
      %parallel_loop3A_311 = tpu.vector_load %arg6[%parallel_loop3A_308, %parallel_loop3A_309, %parallel_loop3A_310] {strides = array<i32>} : memref<2x6x6400xf32, #tpu.memory_space<vmem>>, vector<16xf32>,
      tpu.vector_store %arg6[%parallel_loop3A_308, %parallel_loop3A_309, %parallel_loop3A_310], %parallel_loop3A_305 {strides = array<i32>} : memref<2x6x6400xf32, #tpu.memory_space<vmem>>, vector<16xf32>,
      %parallel_loop3A_312 = arith.constant 100 : i32
      %parallel_loop3A_313 = vector.broadcast %parallel_loop3A_312 : i32 to vector<16xi32>
      %parallel_loop3A_314 = arith.addi %parallel_loop3A_264, %parallel_loop3A_313 : vector<16xi32>
      %parallel_loop3A_315 = tpu.vector_load_idx %arg7[%parallel_loop3A_314] : memref<128xf32, #tpu.memory_space<vmem>>[vector<16xi32>], vector<16xf32>,
      %parallel_loop3A_316 = arith.constant 0 : i32
      %parallel_loop3A_317 = arith.constant 5 : i32
      %parallel_loop3A_318 = arith.index_cast %parallel_loop3A_316 : i32 to index
      %parallel_loop3A_319 = arith.index_cast %parallel_loop3A_317 : i32 to index
      %parallel_loop3A_320 = arith.index_cast %parallel_loop3A_226 : i32 to index
      %parallel_loop3A_321 = tpu.vector_load %arg6[%parallel_loop3A_318, %parallel_loop3A_319, %parallel_loop3A_320] {strides = array<i32>} : memref<2x6x6400xf32, #tpu.memory_space<vmem>>, vector<16xf32>,
      tpu.vector_store %arg6[%parallel_loop3A_318, %parallel_loop3A_319, %parallel_loop3A_320], %parallel_loop3A_315 {strides = array<i32>} : memref<2x6x6400xf32, #tpu.memory_space<vmem>>, vector<16xf32>,
    } {sc.loop_unroll_factor = 2 : i64, sc.parallel_access}
    %rem3A_67 = arith.constant 2 : i32
    %rem3A_68 = arith.constant 16 : i32
    %rem3A_69 = arith.remsi %rem3A_67, %rem3A_68 : i32
    %mul3A_70 = arith.constant 32 : i32
    %mul3A_71 = arith.muli %rem3A_69, %mul3A_70 : i32
    %add3A_72 = arith.addi %add3A_4, %mul3A_71 : i32
    %dma_start3A_73 = arith.constant 0 : i32
    %dma_start3A_74 = arith.constant 0 : i32
    %dma_start3A_75 = arith.constant 0 : i32
    %dma_start3A_76 = tpu.memref_slice %arg5[%dma_start3A_73, %dma_start3A_74, %dma_start3A_75] : memref<2x32x200xi32, #tpu.memory_space<vmem>> -> memref<1x32x200xi32, #tpu.memory_space<vmem>>
    %dma_start3A_77 = tpu.memref_squeeze %dma_start3A_76 : memref<1x32x200xi32, #tpu.memory_space<vmem>> -> memref<32x200xi32, #tpu.memory_space<vmem>>
    %dma_start3A_78 = arith.constant 0 : i32
    %dma_start3A_79 = tpu.memref_slice %arg2[%add3A_72, %dma_start3A_78] : memref<16384x200xi32, #tpu.memory_space<hbm>> -> memref<32x200xi32, #tpu.memory_space<hbm>>
    %dma_start3A_80 = arith.constant 0 : i32
    %dma_start3A_81 = arith.constant 0 : i32
    %dma_start3A_82 = tpu.memref_slice %arg5[%dma_start3A_73, %dma_start3A_80, %dma_start3A_81] : memref<2x32x200xi32, #tpu.memory_space<vmem>> -> memref<1x32x200xi32, #tpu.memory_space<vmem>>
    %dma_start3A_83 = tpu.memref_squeeze %dma_start3A_82 : memref<1x32x200xi32, #tpu.memory_space<vmem>> -> memref<32x200xi32, #tpu.memory_space<vmem>>
    %dma_start3A_84 = arith.constant 0 : i32
    %dma_start3A_85 = tpu.memref_slice %arg2[%add3A_72, %dma_start3A_84] : memref<16384x200xi32, #tpu.memory_space<hbm>> -> memref<32x200xi32, #tpu.memory_space<hbm>>
    tpu.enqueue_dma source(%dma_start3A_85 : memref<32x200xi32, #tpu.memory_space<hbm>>) target(%dma_start3A_83 : memref<32x200xi32, #tpu.memory_space<vmem>>) target_semaphore(%arg8 : memref<!tpu.dma_semaphore, #tpu.memory_space<semaphore_mem>>)
    %add3A_86 = arith.constant 0 : i32
    %add3A_87 = arith.addi %mul3A_8, %add3A_86 : i32
    %dma_start3A_88 = arith.constant 0 : i32
    %dma_start3A_89 = arith.constant 0 : i32
    %dma_start3A_90 = arith.constant 0 : i32
    %dma_start3A_91 = tpu.memref_slice %arg6[%dma_start3A_88, %dma_start3A_89, %dma_start3A_90] : memref<2x6x6400xf32, #tpu.memory_space<vmem>> -> memref<1x6x6400xf32, #tpu.memory_space<vmem>>
    %dma_start3A_92 = tpu.memref_squeeze %dma_start3A_91 : memref<1x6x6400xf32, #tpu.memory_space<vmem>> -> memref<6x6400xf32, #tpu.memory_space<vmem>>
    %dma_start3A_93 = arith.constant 0 : i32
    %dma_start3A_94 = tpu.memref_slice %arg4[%dma_start3A_93, %add3A_87] : memref<6x3276800xf32, #tpu.memory_space<hbm>> -> memref<6x6400xf32, #tpu.memory_space<hbm>>
    %dma_start3A_95 = arith.constant 0 : i32
    %dma_start3A_96 = tpu.memref_slice %arg4[%dma_start3A_95, %add3A_87] : memref<6x3276800xf32, #tpu.memory_space<hbm>> -> memref<6x6400xf32, #tpu.memory_space<hbm>>
    %dma_start3A_97 = arith.constant 0 : i32
    %dma_start3A_98 = arith.constant 0 : i32
    %dma_start3A_99 = tpu.memref_slice %arg6[%dma_start3A_88, %dma_start3A_97, %dma_start3A_98] : memref<2x6x6400xf32, #tpu.memory_space<vmem>> -> memref<1x6x6400xf32, #tpu.memory_space<vmem>>
    %dma_start3A_100 = tpu.memref_squeeze %dma_start3A_99 : memref<1x6x6400xf32, #tpu.memory_space<vmem>> -> memref<6x6400xf32, #tpu.memory_space<vmem>>
    tpu.enqueue_dma source(%dma_start3A_100 : memref<6x6400xf32, #tpu.memory_space<vmem>>) target(%dma_start3A_96 : memref<6x6400xf32, #tpu.memory_space<hbm>>) target_semaphore(%arg10 : memref<!tpu.dma_semaphore, #tpu.memory_space<semaphore_mem>>)
    %dma_wait3A_101 = arith.constant 1 : i32
    %dma_wait3A_102 = arith.constant 0 : i32
    %dma_wait3A_103 = arith.constant 0 : i32
    %dma_wait3A_104 = tpu.memref_slice %arg5[%dma_wait3A_101, %dma_wait3A_102, %dma_wait3A_103] : memref<2x32x200xi32, #tpu.memory_space<vmem>> -> memref<1x32x200xi32, #tpu.memory_space<vmem>>
    %dma_wait3A_105 = tpu.memref_squeeze %dma_wait3A_104 : memref<1x32x200xi32, #tpu.memory_space<vmem>> -> memref<32x200xi32, #tpu.memory_space<vmem>>
    %dma_wait3A_106 = arith.constant 0 : i32
    %dma_wait3A_107 = arith.constant 0 : i32
    %dma_wait3A_108 = tpu.memref_slice %arg2[%dma_wait3A_106, %dma_wait3A_107] : memref<16384x200xi32, #tpu.memory_space<hbm>> -> memref<32x200xi32, #tpu.memory_space<hbm>>
    %dma_wait3A_109 = arith.constant 0 : i32
    %dma_wait3A_110 = arith.constant 0 : i32
    %dma_wait3A_111 = tpu.memref_slice %arg5[%dma_wait3A_101, %dma_wait3A_109, %dma_wait3A_110] : memref<2x32x200xi32, #tpu.memory_space<vmem>> -> memref<1x32x200xi32, #tpu.memory_space<vmem>>
    %dma_wait3A_112 = tpu.memref_squeeze %dma_wait3A_111 : memref<1x32x200xi32, #tpu.memory_space<vmem>> -> memref<32x200xi32, #tpu.memory_space<vmem>>
    %dma_wait3A_113 = arith.constant 0 : i32
    %dma_wait3A_114 = arith.constant 0 : i32
    %dma_wait3A_115 = tpu.memref_slice %arg2[%dma_wait3A_113, %dma_wait3A_114] : memref<16384x200xi32, #tpu.memory_space<hbm>> -> memref<32x200xi32, #tpu.memory_space<hbm>>
    tpu.wait_dma2 semaphore(%arg9 : memref<!tpu.dma_semaphore, #tpu.memory_space<semaphore_mem>>) src(%dma_wait3A_115 : memref<32x200xi32, #tpu.memory_space<hbm>>) dst(%dma_wait3A_112 : memref<32x200xi32, #tpu.memory_space<vmem>>)
    %mul3A_116 = arith.constant 0 : i32
    %mul3A_117 = vector.broadcast %mul3A_116 : i32 to vector<16xi32>
    %mul3A_118 = arith.muli %iota3A, %mul3A_117 : vector<16xi32>
    %add3A_119 = arith.constant 1 : i32
    %add3A_120 = vector.broadcast %add3A_119 : i32 to vector<16xi32>
    %add3A_121 = arith.addi %mul3A_118, %add3A_120 : vector<16xi32>
    %parallel_loop3A_122 = arith.constant 0 : i32
    %parallel_loop3A_123 = arith.constant 400 : i32
    %parallel_loop3A_124 = arith.constant 1 : i32
    scf.for %parallel_loop3A_224 = %parallel_loop3A_122 to %parallel_loop3A_123 step %parallel_loop3A_124  : i32 {
      %parallel_loop3A_225 = arith.constant 16 : i32
      %parallel_loop3A_226 = arith.muli %parallel_loop3A_224, %parallel_loop3A_225 : i32
      %parallel_loop3A_227 = vector.broadcast %parallel_loop3A_226 : i32 to vector<16xi32>
      %parallel_loop3A_228 = arith.addi %iota3A, %parallel_loop3A_227 : vector<16xi32>
      %parallel_loop3A_229 = arith.constant 200 : i32
      %parallel_loop3A_230 = vector.broadcast %parallel_loop3A_229 : i32 to vector<16xi32>
      %parallel_loop3A_231 = arith.divsi %parallel_loop3A_228, %parallel_loop3A_230 : vector<16xi32>
      %parallel_loop3A_232 = arith.constant 0 : i32
      %parallel_loop3A_233 = vector.broadcast %parallel_loop3A_232 : i32 to vector<16xi32>
      %parallel_loop3A_234 = arith.cmpi sgt, %parallel_loop3A_228, %parallel_loop3A_233 : vector<16xi32>
      %parallel_loop3A_235 = arith.extui %parallel_loop3A_234 : vector<16xi1> to vector<16xi32>
      %parallel_loop3A_236 = arith.constant 0 : i32
      %parallel_loop3A_237 = vector.broadcast %parallel_loop3A_236 : i32 to vector<16xi32>
      %parallel_loop3A_238 = arith.cmpi slt, %parallel_loop3A_228, %parallel_loop3A_237 : vector<16xi32>
      %parallel_loop3A_239 = arith.extui %parallel_loop3A_238 : vector<16xi1> to vector<16xi32>
      %parallel_loop3A_240 = arith.subi %parallel_loop3A_235, %parallel_loop3A_239 : vector<16xi32>
      %parallel_loop3A_241 = arith.constant 0 : i32
      %parallel_loop3A_242 = arith.cmpi sgt, %parallel_loop3A_229, %parallel_loop3A_241 : i32
      %parallel_loop3A_243 = arith.extui %parallel_loop3A_242 : i1 to i32
      %parallel_loop3A_244 = arith.constant 0 : i32
      %parallel_loop3A_245 = arith.cmpi slt, %parallel_loop3A_229, %parallel_loop3A_244 : i32
      %parallel_loop3A_246 = arith.extui %parallel_loop3A_245 : i1 to i32
      %parallel_loop3A_247 = arith.subi %parallel_loop3A_243, %parallel_loop3A_246 : i32
      %parallel_loop3A_248 = vector.broadcast %parallel_loop3A_247 : i32 to vector<16xi32>
      %parallel_loop3A_249 = arith.cmpi ne, %parallel_loop3A_240, %parallel_loop3A_248 : vector<16xi32>
      %parallel_loop3A_250 = vector.broadcast %parallel_loop3A_229 : i32 to vector<16xi32>
      %parallel_loop3A_251 = arith.remsi %parallel_loop3A_228, %parallel_loop3A_250 : vector<16xi32>
      %parallel_loop3A_252 = arith.constant 0 : i32
      %parallel_loop3A_253 = vector.broadcast %parallel_loop3A_252 : i32 to vector<16xi32>
      %parallel_loop3A_254 = arith.cmpi ne, %parallel_loop3A_251, %parallel_loop3A_253 : vector<16xi32>
      %parallel_loop3A_255 = arith.andi %parallel_loop3A_249, %parallel_loop3A_254 : vector<16xi1>
      %parallel_loop3A_256 = arith.constant 1 : i32
      %parallel_loop3A_257 = vector.broadcast %parallel_loop3A_256 : i32 to vector<16xi32>
      %parallel_loop3A_258 = arith.subi %parallel_loop3A_231, %parallel_loop3A_257 : vector<16xi32>
      %parallel_loop3A_259 = arith.select %parallel_loop3A_255, %parallel_loop3A_258, %parallel_loop3A_231 : vector<16xi1>, vector<16xi32>
      %parallel_loop3A_260 = arith.constant 200 : i32
      %parallel_loop3A_261 = vector.broadcast %parallel_loop3A_260 : i32 to vector<16xi32>
      %parallel_loop3A_262 = arith.muli %parallel_loop3A_259, %parallel_loop3A_261 : vector<16xi32>
      %parallel_loop3A_263 = arith.subi %parallel_loop3A_228, %parallel_loop3A_262 : vector<16xi32>
      %parallel_loop3A_264 = tpu.vector_load_idx %arg5[%add3A_121, %parallel_loop3A_259, %parallel_loop3A_263] : memref<2x32x200xi32, #tpu.memory_space<vmem>>[vector<16xi32>, vector<16xi32>, vector<16xi32>], vector<16xi32>,
      %parallel_loop3A_265 = tpu.vector_load_idx %arg7[%parallel_loop3A_264] : memref<128xf32, #tpu.memory_space<vmem>>[vector<16xi32>], vector<16xf32>,
      %parallel_loop3A_266 = arith.constant 1 : i32
      %parallel_loop3A_267 = arith.constant 0 : i32
      %parallel_loop3A_268 = arith.index_cast %parallel_loop3A_266 : i32 to index
      %parallel_loop3A_269 = arith.index_cast %parallel_loop3A_267 : i32 to index
      %parallel_loop3A_270 = arith.index_cast %parallel_loop3A_226 : i32 to index
      %parallel_loop3A_271 = tpu.vector_load %arg6[%parallel_loop3A_268, %parallel_loop3A_269, %parallel_loop3A_270] {strides = array<i32>} : memref<2x6x6400xf32, #tpu.memory_space<vmem>>, vector<16xf32>,
      tpu.vector_store %arg6[%parallel_loop3A_268, %parallel_loop3A_269, %parallel_loop3A_270], %parallel_loop3A_265 {strides = array<i32>} : memref<2x6x6400xf32, #tpu.memory_space<vmem>>, vector<16xf32>,
      %parallel_loop3A_272 = arith.constant 20 : i32
      %parallel_loop3A_273 = vector.broadcast %parallel_loop3A_272 : i32 to vector<16xi32>
      %parallel_loop3A_274 = arith.addi %parallel_loop3A_264, %parallel_loop3A_273 : vector<16xi32>
      %parallel_loop3A_275 = tpu.vector_load_idx %arg7[%parallel_loop3A_274] : memref<128xf32, #tpu.memory_space<vmem>>[vector<16xi32>], vector<16xf32>,
      %parallel_loop3A_276 = arith.constant 1 : i32
      %parallel_loop3A_277 = arith.constant 1 : i32
      %parallel_loop3A_278 = arith.index_cast %parallel_loop3A_276 : i32 to index
      %parallel_loop3A_279 = arith.index_cast %parallel_loop3A_277 : i32 to index
      %parallel_loop3A_280 = arith.index_cast %parallel_loop3A_226 : i32 to index
      %parallel_loop3A_281 = tpu.vector_load %arg6[%parallel_loop3A_278, %parallel_loop3A_279, %parallel_loop3A_280] {strides = array<i32>} : memref<2x6x6400xf32, #tpu.memory_space<vmem>>, vector<16xf32>,
      tpu.vector_store %arg6[%parallel_loop3A_278, %parallel_loop3A_279, %parallel_loop3A_280], %parallel_loop3A_275 {strides = array<i32>} : memref<2x6x6400xf32, #tpu.memory_space<vmem>>, vector<16xf32>,
      %parallel_loop3A_282 = arith.constant 40 : i32
      %parallel_loop3A_283 = vector.broadcast %parallel_loop3A_282 : i32 to vector<16xi32>
      %parallel_loop3A_284 = arith.addi %parallel_loop3A_264, %parallel_loop3A_283 : vector<16xi32>
      %parallel_loop3A_285 = tpu.vector_load_idx %arg7[%parallel_loop3A_284] : memref<128xf32, #tpu.memory_space<vmem>>[vector<16xi32>], vector<16xf32>,
      %parallel_loop3A_286 = arith.constant 1 : i32
      %parallel_loop3A_287 = arith.constant 2 : i32
      %parallel_loop3A_288 = arith.index_cast %parallel_loop3A_286 : i32 to index
      %parallel_loop3A_289 = arith.index_cast %parallel_loop3A_287 : i32 to index
      %parallel_loop3A_290 = arith.index_cast %parallel_loop3A_226 : i32 to index
      %parallel_loop3A_291 = tpu.vector_load %arg6[%parallel_loop3A_288, %parallel_loop3A_289, %parallel_loop3A_290] {strides = array<i32>} : memref<2x6x6400xf32, #tpu.memory_space<vmem>>, vector<16xf32>,
      tpu.vector_store %arg6[%parallel_loop3A_288, %parallel_loop3A_289, %parallel_loop3A_290], %parallel_loop3A_285 {strides = array<i32>} : memref<2x6x6400xf32, #tpu.memory_space<vmem>>, vector<16xf32>,
      %parallel_loop3A_292 = arith.constant 60 : i32
      %parallel_loop3A_293 = vector.broadcast %parallel_loop3A_292 : i32 to vector<16xi32>
      %parallel_loop3A_294 = arith.addi %parallel_loop3A_264, %parallel_loop3A_293 : vector<16xi32>
      %parallel_loop3A_295 = tpu.vector_load_idx %arg7[%parallel_loop3A_294] : memref<128xf32, #tpu.memory_space<vmem>>[vector<16xi32>], vector<16xf32>,
      %parallel_loop3A_296 = arith.constant 1 : i32
      %parallel_loop3A_297 = arith.constant 3 : i32
      %parallel_loop3A_298 = arith.index_cast %parallel_loop3A_296 : i32 to index
      %parallel_loop3A_299 = arith.index_cast %parallel_loop3A_297 : i32 to index
      %parallel_loop3A_300 = arith.index_cast %parallel_loop3A_226 : i32 to index
      %parallel_loop3A_301 = tpu.vector_load %arg6[%parallel_loop3A_298, %parallel_loop3A_299, %parallel_loop3A_300] {strides = array<i32>} : memref<2x6x6400xf32, #tpu.memory_space<vmem>>, vector<16xf32>,
      tpu.vector_store %arg6[%parallel_loop3A_298, %parallel_loop3A_299, %parallel_loop3A_300], %parallel_loop3A_295 {strides = array<i32>} : memref<2x6x6400xf32, #tpu.memory_space<vmem>>, vector<16xf32>,
      %parallel_loop3A_302 = arith.constant 80 : i32
      %parallel_loop3A_303 = vector.broadcast %parallel_loop3A_302 : i32 to vector<16xi32>
      %parallel_loop3A_304 = arith.addi %parallel_loop3A_264, %parallel_loop3A_303 : vector<16xi32>
      %parallel_loop3A_305 = tpu.vector_load_idx %arg7[%parallel_loop3A_304] : memref<128xf32, #tpu.memory_space<vmem>>[vector<16xi32>], vector<16xf32>,
      %parallel_loop3A_306 = arith.constant 1 : i32
      %parallel_loop3A_307 = arith.constant 4 : i32
      %parallel_loop3A_308 = arith.index_cast %parallel_loop3A_306 : i32 to index
      %parallel_loop3A_309 = arith.index_cast %parallel_loop3A_307 : i32 to index
      %parallel_loop3A_310 = arith.index_cast %parallel_loop3A_226 : i32 to index
      %parallel_loop3A_311 = tpu.vector_load %arg6[%parallel_loop3A_308, %parallel_loop3A_309, %parallel_loop3A_310] {strides = array<i32>} : memref<2x6x6400xf32, #tpu.memory_space<vmem>>, vector<16xf32>,
      tpu.vector_store %arg6[%parallel_loop3A_308, %parallel_loop3A_309, %parallel_loop3A_310], %parallel_loop3A_305 {strides = array<i32>} : memref<2x6x6400xf32, #tpu.memory_space<vmem>>, vector<16xf32>,
      %parallel_loop3A_312 = arith.constant 100 : i32
      %parallel_loop3A_313 = vector.broadcast %parallel_loop3A_312 : i32 to vector<16xi32>
      %parallel_loop3A_314 = arith.addi %parallel_loop3A_264, %parallel_loop3A_313 : vector<16xi32>
      %parallel_loop3A_315 = tpu.vector_load_idx %arg7[%parallel_loop3A_314] : memref<128xf32, #tpu.memory_space<vmem>>[vector<16xi32>], vector<16xf32>,
      %parallel_loop3A_316 = arith.constant 1 : i32
      %parallel_loop3A_317 = arith.constant 5 : i32
      %parallel_loop3A_318 = arith.index_cast %parallel_loop3A_316 : i32 to index
      %parallel_loop3A_319 = arith.index_cast %parallel_loop3A_317 : i32 to index
      %parallel_loop3A_320 = arith.index_cast %parallel_loop3A_226 : i32 to index
      %parallel_loop3A_321 = tpu.vector_load %arg6[%parallel_loop3A_318, %parallel_loop3A_319, %parallel_loop3A_320] {strides = array<i32>} : memref<2x6x6400xf32, #tpu.memory_space<vmem>>, vector<16xf32>,
      tpu.vector_store %arg6[%parallel_loop3A_318, %parallel_loop3A_319, %parallel_loop3A_320], %parallel_loop3A_315 {strides = array<i32>} : memref<2x6x6400xf32, #tpu.memory_space<vmem>>, vector<16xf32>,
    } {sc.loop_unroll_factor = 2 : i64, sc.parallel_access}
    %rem3A_125 = arith.constant 3 : i32
    %rem3A_126 = arith.constant 16 : i32
    %rem3A_127 = arith.remsi %rem3A_125, %rem3A_126 : i32
    %mul3A_128 = arith.constant 32 : i32
    %mul3A_129 = arith.muli %rem3A_127, %mul3A_128 : i32
    %add3A_130 = arith.addi %add3A_4, %mul3A_129 : i32
    %dma_start3A_131 = arith.constant 1 : i32
    %dma_start3A_132 = arith.constant 0 : i32
    %dma_start3A_133 = arith.constant 0 : i32
    %dma_start3A_134 = tpu.memref_slice %arg5[%dma_start3A_131, %dma_start3A_132, %dma_start3A_133] : memref<2x32x200xi32, #tpu.memory_space<vmem>> -> memref<1x32x200xi32, #tpu.memory_space<vmem>>
    %dma_start3A_135 = tpu.memref_squeeze %dma_start3A_134 : memref<1x32x200xi32, #tpu.memory_space<vmem>> -> memref<32x200xi32, #tpu.memory_space<vmem>>
    %dma_start3A_136 = arith.constant 0 : i32
    %dma_start3A_137 = tpu.memref_slice %arg2[%add3A_130, %dma_start3A_136] : memref<16384x200xi32, #tpu.memory_space<hbm>> -> memref<32x200xi32, #tpu.memory_space<hbm>>
    %dma_start3A_138 = arith.constant 0 : i32
    %dma_start3A_139 = arith.constant 0 : i32
    %dma_start3A_140 = tpu.memref_slice %arg5[%dma_start3A_131, %dma_start3A_138, %dma_start3A_139] : memref<2x32x200xi32, #tpu.memory_space<vmem>> -> memref<1x32x200xi32, #tpu.memory_space<vmem>>
    %dma_start3A_141 = tpu.memref_squeeze %dma_start3A_140 : memref<1x32x200xi32, #tpu.memory_space<vmem>> -> memref<32x200xi32, #tpu.memory_space<vmem>>
    %dma_start3A_142 = arith.constant 0 : i32
    %dma_start3A_143 = tpu.memref_slice %arg2[%add3A_130, %dma_start3A_142] : memref<16384x200xi32, #tpu.memory_space<hbm>> -> memref<32x200xi32, #tpu.memory_space<hbm>>
    tpu.enqueue_dma source(%dma_start3A_143 : memref<32x200xi32, #tpu.memory_space<hbm>>) target(%dma_start3A_141 : memref<32x200xi32, #tpu.memory_space<vmem>>) target_semaphore(%arg9 : memref<!tpu.dma_semaphore, #tpu.memory_space<semaphore_mem>>)
    %add3A_144 = arith.constant 6400 : i32
    %add3A_145 = arith.addi %mul3A_8, %add3A_144 : i32
    %dma_start3A_146 = arith.constant 1 : i32
    %dma_start3A_147 = arith.constant 0 : i32
    %dma_start3A_148 = arith.constant 0 : i32
    %dma_start3A_149 = tpu.memref_slice %arg6[%dma_start3A_146, %dma_start3A_147, %dma_start3A_148] : memref<2x6x6400xf32, #tpu.memory_space<vmem>> -> memref<1x6x6400xf32, #tpu.memory_space<vmem>>
    %dma_start3A_150 = tpu.memref_squeeze %dma_start3A_149 : memref<1x6x6400xf32, #tpu.memory_space<vmem>> -> memref<6x6400xf32, #tpu.memory_space<vmem>>
    %dma_start3A_151 = arith.constant 0 : i32
    %dma_start3A_152 = tpu.memref_slice %arg4[%dma_start3A_151, %add3A_145] : memref<6x3276800xf32, #tpu.memory_space<hbm>> -> memref<6x6400xf32, #tpu.memory_space<hbm>>
    %dma_start3A_153 = arith.constant 0 : i32
    %dma_start3A_154 = tpu.memref_slice %arg4[%dma_start3A_153, %add3A_145] : memref<6x3276800xf32, #tpu.memory_space<hbm>> -> memref<6x6400xf32, #tpu.memory_space<hbm>>
    %dma_start3A_155 = arith.constant 0 : i32
    %dma_start3A_156 = arith.constant 0 : i32
    %dma_start3A_157 = tpu.memref_slice %arg6[%dma_start3A_146, %dma_start3A_155, %dma_start3A_156] : memref<2x6x6400xf32, #tpu.memory_space<vmem>> -> memref<1x6x6400xf32, #tpu.memory_space<vmem>>
    %dma_start3A_158 = tpu.memref_squeeze %dma_start3A_157 : memref<1x6x6400xf32, #tpu.memory_space<vmem>> -> memref<6x6400xf32, #tpu.memory_space<vmem>>
    tpu.enqueue_dma source(%dma_start3A_158 : memref<6x6400xf32, #tpu.memory_space<vmem>>) target(%dma_start3A_154 : memref<6x6400xf32, #tpu.memory_space<hbm>>) target_semaphore(%arg11 : memref<!tpu.dma_semaphore, #tpu.memory_space<semaphore_mem>>)
    %scan3A = arith.constant 0 : i32
    %scan3A_159 = arith.constant 1 : i32
    %scan3A_160 = arith.constant 7 : i32
    %scan3A_161 = arith.addi %scan3A_159, %scan3A_160 : i32
    %scan3A_162 = arith.constant 1 : i32
    scf.for %scan3A_224 = %scan3A_159 to %scan3A_161 step %scan3A_162  : i32 {
      %mul3A_225 = arith.constant 2 : i32
      %mul3A_226 = arith.muli %scan3A_224, %mul3A_225 : i32
      %dma_wait3A_227 = arith.constant 0 : i32
      %dma_wait3A_228 = arith.constant 0 : i32
      %dma_wait3A_229 = arith.constant 0 : i32
      %dma_wait3A_230 = tpu.memref_slice %arg5[%dma_wait3A_227, %dma_wait3A_228, %dma_wait3A_229] : memref<2x32x200xi32, #tpu.memory_space<vmem>> -> memref<1x32x200xi32, #tpu.memory_space<vmem>>
      %dma_wait3A_231 = tpu.memref_squeeze %dma_wait3A_230 : memref<1x32x200xi32, #tpu.memory_space<vmem>> -> memref<32x200xi32, #tpu.memory_space<vmem>>
      %dma_wait3A_232 = arith.constant 0 : i32
      %dma_wait3A_233 = arith.constant 0 : i32
      %dma_wait3A_234 = tpu.memref_slice %arg2[%dma_wait3A_232, %dma_wait3A_233] : memref<16384x200xi32, #tpu.memory_space<hbm>> -> memref<32x200xi32, #tpu.memory_space<hbm>>
      %dma_wait3A_235 = arith.constant 0 : i32
      %dma_wait3A_236 = arith.constant 0 : i32
      %dma_wait3A_237 = tpu.memref_slice %arg5[%dma_wait3A_227, %dma_wait3A_235, %dma_wait3A_236] : memref<2x32x200xi32, #tpu.memory_space<vmem>> -> memref<1x32x200xi32, #tpu.memory_space<vmem>>
      %dma_wait3A_238 = tpu.memref_squeeze %dma_wait3A_237 : memref<1x32x200xi32, #tpu.memory_space<vmem>> -> memref<32x200xi32, #tpu.memory_space<vmem>>
      %dma_wait3A_239 = arith.constant 0 : i32
      %dma_wait3A_240 = arith.constant 0 : i32
      %dma_wait3A_241 = tpu.memref_slice %arg2[%dma_wait3A_239, %dma_wait3A_240] : memref<16384x200xi32, #tpu.memory_space<hbm>> -> memref<32x200xi32, #tpu.memory_space<hbm>>
      tpu.wait_dma2 semaphore(%arg8 : memref<!tpu.dma_semaphore, #tpu.memory_space<semaphore_mem>>) src(%dma_wait3A_241 : memref<32x200xi32, #tpu.memory_space<hbm>>) dst(%dma_wait3A_238 : memref<32x200xi32, #tpu.memory_space<vmem>>)
      %dma_wait3A_242 = arith.constant 0 : i32
      %dma_wait3A_243 = arith.constant 0 : i32
      %dma_wait3A_244 = arith.constant 0 : i32
      %dma_wait3A_245 = tpu.memref_slice %arg6[%dma_wait3A_242, %dma_wait3A_243, %dma_wait3A_244] : memref<2x6x6400xf32, #tpu.memory_space<vmem>> -> memref<1x6x6400xf32, #tpu.memory_space<vmem>>
      %dma_wait3A_246 = tpu.memref_squeeze %dma_wait3A_245 : memref<1x6x6400xf32, #tpu.memory_space<vmem>> -> memref<6x6400xf32, #tpu.memory_space<vmem>>
      %dma_wait3A_247 = arith.constant 0 : i32
      %dma_wait3A_248 = arith.constant 0 : i32
      %dma_wait3A_249 = tpu.memref_slice %arg4[%dma_wait3A_247, %dma_wait3A_248] : memref<6x3276800xf32, #tpu.memory_space<hbm>> -> memref<6x6400xf32, #tpu.memory_space<hbm>>
      %dma_wait3A_250 = arith.constant 0 : i32
      %dma_wait3A_251 = arith.constant 0 : i32
      %dma_wait3A_252 = tpu.memref_slice %arg4[%dma_wait3A_250, %dma_wait3A_251] : memref<6x3276800xf32, #tpu.memory_space<hbm>> -> memref<6x6400xf32, #tpu.memory_space<hbm>>
      %dma_wait3A_253 = arith.constant 0 : i32
      %dma_wait3A_254 = arith.constant 0 : i32
      %dma_wait3A_255 = tpu.memref_slice %arg6[%dma_wait3A_242, %dma_wait3A_253, %dma_wait3A_254] : memref<2x6x6400xf32, #tpu.memory_space<vmem>> -> memref<1x6x6400xf32, #tpu.memory_space<vmem>>
      %dma_wait3A_256 = tpu.memref_squeeze %dma_wait3A_255 : memref<1x6x6400xf32, #tpu.memory_space<vmem>> -> memref<6x6400xf32, #tpu.memory_space<vmem>>
      tpu.wait_dma2 semaphore(%arg10 : memref<!tpu.dma_semaphore, #tpu.memory_space<semaphore_mem>>) src(%dma_wait3A_256 : memref<6x6400xf32, #tpu.memory_space<vmem>>) dst(%dma_wait3A_252 : memref<6x6400xf32, #tpu.memory_space<hbm>>)
      %mul3A_257 = arith.constant 0 : i32
      %mul3A_258 = vector.broadcast %mul3A_257 : i32 to vector<16xi32>
      %mul3A_259 = arith.muli %iota3A, %mul3A_258 : vector<16xi32>
      %add3A_260 = arith.constant 0 : i32
      %add3A_261 = vector.broadcast %add3A_260 : i32 to vector<16xi32>
      %add3A_262 = arith.addi %mul3A_259, %add3A_261 : vector<16xi32>
      %parallel_loop3A_263 = arith.constant 0 : i32
      %parallel_loop3A_264 = arith.constant 400 : i32
      %parallel_loop3A_265 = arith.constant 1 : i32
      scf.for %parallel_loop3A_385 = %parallel_loop3A_263 to %parallel_loop3A_264 step %parallel_loop3A_265  : i32 {
        %parallel_loop3A_386 = arith.constant 16 : i32
        %parallel_loop3A_387 = arith.muli %parallel_loop3A_385, %parallel_loop3A_386 : i32
        %parallel_loop3A_388 = vector.broadcast %parallel_loop3A_387 : i32 to vector<16xi32>
        %parallel_loop3A_389 = arith.addi %iota3A, %parallel_loop3A_388 : vector<16xi32>
        %parallel_loop3A_390 = arith.constant 200 : i32
        %parallel_loop3A_391 = vector.broadcast %parallel_loop3A_390 : i32 to vector<16xi32>
        %parallel_loop3A_392 = arith.divsi %parallel_loop3A_389, %parallel_loop3A_391 : vector<16xi32>
        %parallel_loop3A_393 = arith.constant 0 : i32
        %parallel_loop3A_394 = vector.broadcast %parallel_loop3A_393 : i32 to vector<16xi32>
        %parallel_loop3A_395 = arith.cmpi sgt, %parallel_loop3A_389, %parallel_loop3A_394 : vector<16xi32>
        %parallel_loop3A_396 = arith.extui %parallel_loop3A_395 : vector<16xi1> to vector<16xi32>
        %parallel_loop3A_397 = arith.constant 0 : i32
        %parallel_loop3A_398 = vector.broadcast %parallel_loop3A_397 : i32 to vector<16xi32>
        %parallel_loop3A_399 = arith.cmpi slt, %parallel_loop3A_389, %parallel_loop3A_398 : vector<16xi32>
        %parallel_loop3A_400 = arith.extui %parallel_loop3A_399 : vector<16xi1> to vector<16xi32>
        %parallel_loop3A_401 = arith.subi %parallel_loop3A_396, %parallel_loop3A_400 : vector<16xi32>
        %parallel_loop3A_402 = arith.constant 0 : i32
        %parallel_loop3A_403 = arith.cmpi sgt, %parallel_loop3A_390, %parallel_loop3A_402 : i32
        %parallel_loop3A_404 = arith.extui %parallel_loop3A_403 : i1 to i32
        %parallel_loop3A_405 = arith.constant 0 : i32
        %parallel_loop3A_406 = arith.cmpi slt, %parallel_loop3A_390, %parallel_loop3A_405 : i32
        %parallel_loop3A_407 = arith.extui %parallel_loop3A_406 : i1 to i32
        %parallel_loop3A_408 = arith.subi %parallel_loop3A_404, %parallel_loop3A_407 : i32
        %parallel_loop3A_409 = vector.broadcast %parallel_loop3A_408 : i32 to vector<16xi32>
        %parallel_loop3A_410 = arith.cmpi ne, %parallel_loop3A_401, %parallel_loop3A_409 : vector<16xi32>
        %parallel_loop3A_411 = vector.broadcast %parallel_loop3A_390 : i32 to vector<16xi32>
        %parallel_loop3A_412 = arith.remsi %parallel_loop3A_389, %parallel_loop3A_411 : vector<16xi32>
        %parallel_loop3A_413 = arith.constant 0 : i32
        %parallel_loop3A_414 = vector.broadcast %parallel_loop3A_413 : i32 to vector<16xi32>
        %parallel_loop3A_415 = arith.cmpi ne, %parallel_loop3A_412, %parallel_loop3A_414 : vector<16xi32>
        %parallel_loop3A_416 = arith.andi %parallel_loop3A_410, %parallel_loop3A_415 : vector<16xi1>
        %parallel_loop3A_417 = arith.constant 1 : i32
        %parallel_loop3A_418 = vector.broadcast %parallel_loop3A_417 : i32 to vector<16xi32>
        %parallel_loop3A_419 = arith.subi %parallel_loop3A_392, %parallel_loop3A_418 : vector<16xi32>
        %parallel_loop3A_420 = arith.select %parallel_loop3A_416, %parallel_loop3A_419, %parallel_loop3A_392 : vector<16xi1>, vector<16xi32>
        %parallel_loop3A_421 = arith.constant 200 : i32
        %parallel_loop3A_422 = vector.broadcast %parallel_loop3A_421 : i32 to vector<16xi32>
        %parallel_loop3A_423 = arith.muli %parallel_loop3A_420, %parallel_loop3A_422 : vector<16xi32>
        %parallel_loop3A_424 = arith.subi %parallel_loop3A_389, %parallel_loop3A_423 : vector<16xi32>
        %parallel_loop3A_425 = tpu.vector_load_idx %arg5[%add3A_262, %parallel_loop3A_420, %parallel_loop3A_424] : memref<2x32x200xi32, #tpu.memory_space<vmem>>[vector<16xi32>, vector<16xi32>, vector<16xi32>], vector<16xi32>,
        %parallel_loop3A_426 = tpu.vector_load_idx %arg7[%parallel_loop3A_425] : memref<128xf32, #tpu.memory_space<vmem>>[vector<16xi32>], vector<16xf32>,
        %parallel_loop3A_427 = arith.constant 0 : i32
        %parallel_loop3A_428 = arith.constant 0 : i32
        %parallel_loop3A_429 = arith.index_cast %parallel_loop3A_427 : i32 to index
        %parallel_loop3A_430 = arith.index_cast %parallel_loop3A_428 : i32 to index
        %parallel_loop3A_431 = arith.index_cast %parallel_loop3A_387 : i32 to index
        %parallel_loop3A_432 = tpu.vector_load %arg6[%parallel_loop3A_429, %parallel_loop3A_430, %parallel_loop3A_431] {strides = array<i32>} : memref<2x6x6400xf32, #tpu.memory_space<vmem>>, vector<16xf32>,
        tpu.vector_store %arg6[%parallel_loop3A_429, %parallel_loop3A_430, %parallel_loop3A_431], %parallel_loop3A_426 {strides = array<i32>} : memref<2x6x6400xf32, #tpu.memory_space<vmem>>, vector<16xf32>,
        %parallel_loop3A_433 = arith.constant 20 : i32
        %parallel_loop3A_434 = vector.broadcast %parallel_loop3A_433 : i32 to vector<16xi32>
        %parallel_loop3A_435 = arith.addi %parallel_loop3A_425, %parallel_loop3A_434 : vector<16xi32>
        %parallel_loop3A_436 = tpu.vector_load_idx %arg7[%parallel_loop3A_435] : memref<128xf32, #tpu.memory_space<vmem>>[vector<16xi32>], vector<16xf32>,
        %parallel_loop3A_437 = arith.constant 0 : i32
        %parallel_loop3A_438 = arith.constant 1 : i32
        %parallel_loop3A_439 = arith.index_cast %parallel_loop3A_437 : i32 to index
        %parallel_loop3A_440 = arith.index_cast %parallel_loop3A_438 : i32 to index
        %parallel_loop3A_441 = arith.index_cast %parallel_loop3A_387 : i32 to index
        %parallel_loop3A_442 = tpu.vector_load %arg6[%parallel_loop3A_439, %parallel_loop3A_440, %parallel_loop3A_441] {strides = array<i32>} : memref<2x6x6400xf32, #tpu.memory_space<vmem>>, vector<16xf32>,
        tpu.vector_store %arg6[%parallel_loop3A_439, %parallel_loop3A_440, %parallel_loop3A_441], %parallel_loop3A_436 {strides = array<i32>} : memref<2x6x6400xf32, #tpu.memory_space<vmem>>, vector<16xf32>,
        %parallel_loop3A_443 = arith.constant 40 : i32
        %parallel_loop3A_444 = vector.broadcast %parallel_loop3A_443 : i32 to vector<16xi32>
        %parallel_loop3A_445 = arith.addi %parallel_loop3A_425, %parallel_loop3A_444 : vector<16xi32>
        %parallel_loop3A_446 = tpu.vector_load_idx %arg7[%parallel_loop3A_445] : memref<128xf32, #tpu.memory_space<vmem>>[vector<16xi32>], vector<16xf32>,
        %parallel_loop3A_447 = arith.constant 0 : i32
        %parallel_loop3A_448 = arith.constant 2 : i32
        %parallel_loop3A_449 = arith.index_cast %parallel_loop3A_447 : i32 to index
        %parallel_loop3A_450 = arith.index_cast %parallel_loop3A_448 : i32 to index
        %parallel_loop3A_451 = arith.index_cast %parallel_loop3A_387 : i32 to index
        %parallel_loop3A_452 = tpu.vector_load %arg6[%parallel_loop3A_449, %parallel_loop3A_450, %parallel_loop3A_451] {strides = array<i32>} : memref<2x6x6400xf32, #tpu.memory_space<vmem>>, vector<16xf32>,
        tpu.vector_store %arg6[%parallel_loop3A_449, %parallel_loop3A_450, %parallel_loop3A_451], %parallel_loop3A_446 {strides = array<i32>} : memref<2x6x6400xf32, #tpu.memory_space<vmem>>, vector<16xf32>,
        %parallel_loop3A_453 = arith.constant 60 : i32
        %parallel_loop3A_454 = vector.broadcast %parallel_loop3A_453 : i32 to vector<16xi32>
        %parallel_loop3A_455 = arith.addi %parallel_loop3A_425, %parallel_loop3A_454 : vector<16xi32>
        %parallel_loop3A_456 = tpu.vector_load_idx %arg7[%parallel_loop3A_455] : memref<128xf32, #tpu.memory_space<vmem>>[vector<16xi32>], vector<16xf32>,
        %parallel_loop3A_457 = arith.constant 0 : i32
        %parallel_loop3A_458 = arith.constant 3 : i32
        %parallel_loop3A_459 = arith.index_cast %parallel_loop3A_457 : i32 to index
        %parallel_loop3A_460 = arith.index_cast %parallel_loop3A_458 : i32 to index
        %parallel_loop3A_461 = arith.index_cast %parallel_loop3A_387 : i32 to index
        %parallel_loop3A_462 = tpu.vector_load %arg6[%parallel_loop3A_459, %parallel_loop3A_460, %parallel_loop3A_461] {strides = array<i32>} : memref<2x6x6400xf32, #tpu.memory_space<vmem>>, vector<16xf32>,
        tpu.vector_store %arg6[%parallel_loop3A_459, %parallel_loop3A_460, %parallel_loop3A_461], %parallel_loop3A_456 {strides = array<i32>} : memref<2x6x6400xf32, #tpu.memory_space<vmem>>, vector<16xf32>,
        %parallel_loop3A_463 = arith.constant 80 : i32
        %parallel_loop3A_464 = vector.broadcast %parallel_loop3A_463 : i32 to vector<16xi32>
        %parallel_loop3A_465 = arith.addi %parallel_loop3A_425, %parallel_loop3A_464 : vector<16xi32>
        %parallel_loop3A_466 = tpu.vector_load_idx %arg7[%parallel_loop3A_465] : memref<128xf32, #tpu.memory_space<vmem>>[vector<16xi32>], vector<16xf32>,
        %parallel_loop3A_467 = arith.constant 0 : i32
        %parallel_loop3A_468 = arith.constant 4 : i32
        %parallel_loop3A_469 = arith.index_cast %parallel_loop3A_467 : i32 to index
        %parallel_loop3A_470 = arith.index_cast %parallel_loop3A_468 : i32 to index
        %parallel_loop3A_471 = arith.index_cast %parallel_loop3A_387 : i32 to index
        %parallel_loop3A_472 = tpu.vector_load %arg6[%parallel_loop3A_469, %parallel_loop3A_470, %parallel_loop3A_471] {strides = array<i32>} : memref<2x6x6400xf32, #tpu.memory_space<vmem>>, vector<16xf32>,
        tpu.vector_store %arg6[%parallel_loop3A_469, %parallel_loop3A_470, %parallel_loop3A_471], %parallel_loop3A_466 {strides = array<i32>} : memref<2x6x6400xf32, #tpu.memory_space<vmem>>, vector<16xf32>,
        %parallel_loop3A_473 = arith.constant 100 : i32
        %parallel_loop3A_474 = vector.broadcast %parallel_loop3A_473 : i32 to vector<16xi32>
        %parallel_loop3A_475 = arith.addi %parallel_loop3A_425, %parallel_loop3A_474 : vector<16xi32>
        %parallel_loop3A_476 = tpu.vector_load_idx %arg7[%parallel_loop3A_475] : memref<128xf32, #tpu.memory_space<vmem>>[vector<16xi32>], vector<16xf32>,
        %parallel_loop3A_477 = arith.constant 0 : i32
        %parallel_loop3A_478 = arith.constant 5 : i32
        %parallel_loop3A_479 = arith.index_cast %parallel_loop3A_477 : i32 to index
        %parallel_loop3A_480 = arith.index_cast %parallel_loop3A_478 : i32 to index
        %parallel_loop3A_481 = arith.index_cast %parallel_loop3A_387 : i32 to index
        %parallel_loop3A_482 = tpu.vector_load %arg6[%parallel_loop3A_479, %parallel_loop3A_480, %parallel_loop3A_481] {strides = array<i32>} : memref<2x6x6400xf32, #tpu.memory_space<vmem>>, vector<16xf32>,
        tpu.vector_store %arg6[%parallel_loop3A_479, %parallel_loop3A_480, %parallel_loop3A_481], %parallel_loop3A_476 {strides = array<i32>} : memref<2x6x6400xf32, #tpu.memory_space<vmem>>, vector<16xf32>,
      } {sc.loop_unroll_factor = 2 : i64, sc.parallel_access}
      %add3A_266 = arith.constant 2 : i32
      %add3A_267 = arith.addi %mul3A_226, %add3A_266 : i32
      %add3A_268 = arith.constant 0 : i32
      %add3A_269 = arith.addi %add3A_267, %add3A_268 : i32
      %rem3A_270 = arith.constant 16 : i32
      %rem3A_271 = arith.remsi %add3A_269, %rem3A_270 : i32
      %mul3A_272 = arith.constant 32 : i32
      %mul3A_273 = arith.muli %rem3A_271, %mul3A_272 : i32
      %add3A_274 = arith.addi %add3A_4, %mul3A_273 : i32
      %dma_start3A_275 = arith.constant 0 : i32
      %dma_start3A_276 = arith.constant 0 : i32
      %dma_start3A_277 = arith.constant 0 : i32
      %dma_start3A_278 = tpu.memref_slice %arg5[%dma_start3A_275, %dma_start3A_276, %dma_start3A_277] : memref<2x32x200xi32, #tpu.memory_space<vmem>> -> memref<1x32x200xi32, #tpu.memory_space<vmem>>
      %dma_start3A_279 = tpu.memref_squeeze %dma_start3A_278 : memref<1x32x200xi32, #tpu.memory_space<vmem>> -> memref<32x200xi32, #tpu.memory_space<vmem>>
      %dma_start3A_280 = arith.constant 0 : i32
      %dma_start3A_281 = tpu.memref_slice %arg2[%add3A_274, %dma_start3A_280] : memref<16384x200xi32, #tpu.memory_space<hbm>> -> memref<32x200xi32, #tpu.memory_space<hbm>>
      %dma_start3A_282 = arith.constant 0 : i32
      %dma_start3A_283 = arith.constant 0 : i32
      %dma_start3A_284 = tpu.memref_slice %arg5[%dma_start3A_275, %dma_start3A_282, %dma_start3A_283] : memref<2x32x200xi32, #tpu.memory_space<vmem>> -> memref<1x32x200xi32, #tpu.memory_space<vmem>>
      %dma_start3A_285 = tpu.memref_squeeze %dma_start3A_284 : memref<1x32x200xi32, #tpu.memory_space<vmem>> -> memref<32x200xi32, #tpu.memory_space<vmem>>
      %dma_start3A_286 = arith.constant 0 : i32
      %dma_start3A_287 = tpu.memref_slice %arg2[%add3A_274, %dma_start3A_286] : memref<16384x200xi32, #tpu.memory_space<hbm>> -> memref<32x200xi32, #tpu.memory_space<hbm>>
      tpu.enqueue_dma source(%dma_start3A_287 : memref<32x200xi32, #tpu.memory_space<hbm>>) target(%dma_start3A_285 : memref<32x200xi32, #tpu.memory_space<vmem>>) target_semaphore(%arg8 : memref<!tpu.dma_semaphore, #tpu.memory_space<semaphore_mem>>)
      %add3A_288 = arith.constant 0 : i32
      %add3A_289 = arith.addi %mul3A_226, %add3A_288 : i32
      %mul3A_290 = arith.constant 6400 : i32
      %mul3A_291 = arith.muli %add3A_289, %mul3A_290 : i32
      %add3A_292 = arith.addi %mul3A_8, %mul3A_291 : i32
      %dma_start3A_293 = arith.constant 0 : i32
      %dma_start3A_294 = arith.constant 0 : i32
      %dma_start3A_295 = arith.constant 0 : i32
      %dma_start3A_296 = tpu.memref_slice %arg6[%dma_start3A_293, %dma_start3A_294, %dma_start3A_295] : memref<2x6x6400xf32, #tpu.memory_space<vmem>> -> memref<1x6x6400xf32, #tpu.memory_space<vmem>>
      %dma_start3A_297 = tpu.memref_squeeze %dma_start3A_296 : memref<1x6x6400xf32, #tpu.memory_space<vmem>> -> memref<6x6400xf32, #tpu.memory_space<vmem>>
      %dma_start3A_298 = arith.constant 0 : i32
      %dma_start3A_299 = tpu.memref_slice %arg4[%dma_start3A_298, %add3A_292] : memref<6x3276800xf32, #tpu.memory_space<hbm>> -> memref<6x6400xf32, #tpu.memory_space<hbm>>
      %dma_start3A_300 = arith.constant 0 : i32
      %dma_start3A_301 = tpu.memref_slice %arg4[%dma_start3A_300, %add3A_292] : memref<6x3276800xf32, #tpu.memory_space<hbm>> -> memref<6x6400xf32, #tpu.memory_space<hbm>>
      %dma_start3A_302 = arith.constant 0 : i32
      %dma_start3A_303 = arith.constant 0 : i32
      %dma_start3A_304 = tpu.memref_slice %arg6[%dma_start3A_293, %dma_start3A_302, %dma_start3A_303] : memref<2x6x6400xf32, #tpu.memory_space<vmem>> -> memref<1x6x6400xf32, #tpu.memory_space<vmem>>
      %dma_start3A_305 = tpu.memref_squeeze %dma_start3A_304 : memref<1x6x6400xf32, #tpu.memory_space<vmem>> -> memref<6x6400xf32, #tpu.memory_space<vmem>>
      tpu.enqueue_dma source(%dma_start3A_305 : memref<6x6400xf32, #tpu.memory_space<vmem>>) target(%dma_start3A_301 : memref<6x6400xf32, #tpu.memory_space<hbm>>) target_semaphore(%arg10 : memref<!tpu.dma_semaphore, #tpu.memory_space<semaphore_mem>>)
      %dma_wait3A_306 = arith.constant 1 : i32
      %dma_wait3A_307 = arith.constant 0 : i32
      %dma_wait3A_308 = arith.constant 0 : i32
      %dma_wait3A_309 = tpu.memref_slice %arg5[%dma_wait3A_306, %dma_wait3A_307, %dma_wait3A_308] : memref<2x32x200xi32, #tpu.memory_space<vmem>> -> memref<1x32x200xi32, #tpu.memory_space<vmem>>
      %dma_wait3A_310 = tpu.memref_squeeze %dma_wait3A_309 : memref<1x32x200xi32, #tpu.memory_space<vmem>> -> memref<32x200xi32, #tpu.memory_space<vmem>>
      %dma_wait3A_311 = arith.constant 0 : i32
      %dma_wait3A_312 = arith.constant 0 : i32
      %dma_wait3A_313 = tpu.memref_slice %arg2[%dma_wait3A_311, %dma_wait3A_312] : memref<16384x200xi32, #tpu.memory_space<hbm>> -> memref<32x200xi32, #tpu.memory_space<hbm>>
      %dma_wait3A_314 = arith.constant 0 : i32
      %dma_wait3A_315 = arith.constant 0 : i32
      %dma_wait3A_316 = tpu.memref_slice %arg5[%dma_wait3A_306, %dma_wait3A_314, %dma_wait3A_315] : memref<2x32x200xi32, #tpu.memory_space<vmem>> -> memref<1x32x200xi32, #tpu.memory_space<vmem>>
      %dma_wait3A_317 = tpu.memref_squeeze %dma_wait3A_316 : memref<1x32x200xi32, #tpu.memory_space<vmem>> -> memref<32x200xi32, #tpu.memory_space<vmem>>
      %dma_wait3A_318 = arith.constant 0 : i32
      %dma_wait3A_319 = arith.constant 0 : i32
      %dma_wait3A_320 = tpu.memref_slice %arg2[%dma_wait3A_318, %dma_wait3A_319] : memref<16384x200xi32, #tpu.memory_space<hbm>> -> memref<32x200xi32, #tpu.memory_space<hbm>>
      tpu.wait_dma2 semaphore(%arg9 : memref<!tpu.dma_semaphore, #tpu.memory_space<semaphore_mem>>) src(%dma_wait3A_320 : memref<32x200xi32, #tpu.memory_space<hbm>>) dst(%dma_wait3A_317 : memref<32x200xi32, #tpu.memory_space<vmem>>)
      %dma_wait3A_321 = arith.constant 1 : i32
      %dma_wait3A_322 = arith.constant 0 : i32
      %dma_wait3A_323 = arith.constant 0 : i32
      %dma_wait3A_324 = tpu.memref_slice %arg6[%dma_wait3A_321, %dma_wait3A_322, %dma_wait3A_323] : memref<2x6x6400xf32, #tpu.memory_space<vmem>> -> memref<1x6x6400xf32, #tpu.memory_space<vmem>>
      %dma_wait3A_325 = tpu.memref_squeeze %dma_wait3A_324 : memref<1x6x6400xf32, #tpu.memory_space<vmem>> -> memref<6x6400xf32, #tpu.memory_space<vmem>>
      %dma_wait3A_326 = arith.constant 0 : i32
      %dma_wait3A_327 = arith.constant 0 : i32
      %dma_wait3A_328 = tpu.memref_slice %arg4[%dma_wait3A_326, %dma_wait3A_327] : memref<6x3276800xf32, #tpu.memory_space<hbm>> -> memref<6x6400xf32, #tpu.memory_space<hbm>>
      %dma_wait3A_329 = arith.constant 0 : i32
      %dma_wait3A_330 = arith.constant 0 : i32
      %dma_wait3A_331 = tpu.memref_slice %arg4[%dma_wait3A_329, %dma_wait3A_330] : memref<6x3276800xf32, #tpu.memory_space<hbm>> -> memref<6x6400xf32, #tpu.memory_space<hbm>>
      %dma_wait3A_332 = arith.constant 0 : i32
      %dma_wait3A_333 = arith.constant 0 : i32
      %dma_wait3A_334 = tpu.memref_slice %arg6[%dma_wait3A_321, %dma_wait3A_332, %dma_wait3A_333] : memref<2x6x6400xf32, #tpu.memory_space<vmem>> -> memref<1x6x6400xf32, #tpu.memory_space<vmem>>
      %dma_wait3A_335 = tpu.memref_squeeze %dma_wait3A_334 : memref<1x6x6400xf32, #tpu.memory_space<vmem>> -> memref<6x6400xf32, #tpu.memory_space<vmem>>
      tpu.wait_dma2 semaphore(%arg11 : memref<!tpu.dma_semaphore, #tpu.memory_space<semaphore_mem>>) src(%dma_wait3A_335 : memref<6x6400xf32, #tpu.memory_space<vmem>>) dst(%dma_wait3A_331 : memref<6x6400xf32, #tpu.memory_space<hbm>>)
      %mul3A_336 = arith.constant 0 : i32
      %mul3A_337 = vector.broadcast %mul3A_336 : i32 to vector<16xi32>
      %mul3A_338 = arith.muli %iota3A, %mul3A_337 : vector<16xi32>
      %add3A_339 = arith.constant 1 : i32
      %add3A_340 = vector.broadcast %add3A_339 : i32 to vector<16xi32>
      %add3A_341 = arith.addi %mul3A_338, %add3A_340 : vector<16xi32>
      %parallel_loop3A_342 = arith.constant 0 : i32
      %parallel_loop3A_343 = arith.constant 400 : i32
      %parallel_loop3A_344 = arith.constant 1 : i32
      scf.for %parallel_loop3A_385 = %parallel_loop3A_342 to %parallel_loop3A_343 step %parallel_loop3A_344  : i32 {
        %parallel_loop3A_386 = arith.constant 16 : i32
        %parallel_loop3A_387 = arith.muli %parallel_loop3A_385, %parallel_loop3A_386 : i32
        %parallel_loop3A_388 = vector.broadcast %parallel_loop3A_387 : i32 to vector<16xi32>
        %parallel_loop3A_389 = arith.addi %iota3A, %parallel_loop3A_388 : vector<16xi32>
        %parallel_loop3A_390 = arith.constant 200 : i32
        %parallel_loop3A_391 = vector.broadcast %parallel_loop3A_390 : i32 to vector<16xi32>
        %parallel_loop3A_392 = arith.divsi %parallel_loop3A_389, %parallel_loop3A_391 : vector<16xi32>
        %parallel_loop3A_393 = arith.constant 0 : i32
        %parallel_loop3A_394 = vector.broadcast %parallel_loop3A_393 : i32 to vector<16xi32>
        %parallel_loop3A_395 = arith.cmpi sgt, %parallel_loop3A_389, %parallel_loop3A_394 : vector<16xi32>
        %parallel_loop3A_396 = arith.extui %parallel_loop3A_395 : vector<16xi1> to vector<16xi32>
        %parallel_loop3A_397 = arith.constant 0 : i32
        %parallel_loop3A_398 = vector.broadcast %parallel_loop3A_397 : i32 to vector<16xi32>
        %parallel_loop3A_399 = arith.cmpi slt, %parallel_loop3A_389, %parallel_loop3A_398 : vector<16xi32>
        %parallel_loop3A_400 = arith.extui %parallel_loop3A_399 : vector<16xi1> to vector<16xi32>
        %parallel_loop3A_401 = arith.subi %parallel_loop3A_396, %parallel_loop3A_400 : vector<16xi32>
        %parallel_loop3A_402 = arith.constant 0 : i32
        %parallel_loop3A_403 = arith.cmpi sgt, %parallel_loop3A_390, %parallel_loop3A_402 : i32
        %parallel_loop3A_404 = arith.extui %parallel_loop3A_403 : i1 to i32
        %parallel_loop3A_405 = arith.constant 0 : i32
        %parallel_loop3A_406 = arith.cmpi slt, %parallel_loop3A_390, %parallel_loop3A_405 : i32
        %parallel_loop3A_407 = arith.extui %parallel_loop3A_406 : i1 to i32
        %parallel_loop3A_408 = arith.subi %parallel_loop3A_404, %parallel_loop3A_407 : i32
        %parallel_loop3A_409 = vector.broadcast %parallel_loop3A_408 : i32 to vector<16xi32>
        %parallel_loop3A_410 = arith.cmpi ne, %parallel_loop3A_401, %parallel_loop3A_409 : vector<16xi32>
        %parallel_loop3A_411 = vector.broadcast %parallel_loop3A_390 : i32 to vector<16xi32>
        %parallel_loop3A_412 = arith.remsi %parallel_loop3A_389, %parallel_loop3A_411 : vector<16xi32>
        %parallel_loop3A_413 = arith.constant 0 : i32
        %parallel_loop3A_414 = vector.broadcast %parallel_loop3A_413 : i32 to vector<16xi32>
        %parallel_loop3A_415 = arith.cmpi ne, %parallel_loop3A_412, %parallel_loop3A_414 : vector<16xi32>
        %parallel_loop3A_416 = arith.andi %parallel_loop3A_410, %parallel_loop3A_415 : vector<16xi1>
        %parallel_loop3A_417 = arith.constant 1 : i32
        %parallel_loop3A_418 = vector.broadcast %parallel_loop3A_417 : i32 to vector<16xi32>
        %parallel_loop3A_419 = arith.subi %parallel_loop3A_392, %parallel_loop3A_418 : vector<16xi32>
        %parallel_loop3A_420 = arith.select %parallel_loop3A_416, %parallel_loop3A_419, %parallel_loop3A_392 : vector<16xi1>, vector<16xi32>
        %parallel_loop3A_421 = arith.constant 200 : i32
        %parallel_loop3A_422 = vector.broadcast %parallel_loop3A_421 : i32 to vector<16xi32>
        %parallel_loop3A_423 = arith.muli %parallel_loop3A_420, %parallel_loop3A_422 : vector<16xi32>
        %parallel_loop3A_424 = arith.subi %parallel_loop3A_389, %parallel_loop3A_423 : vector<16xi32>
        %parallel_loop3A_425 = tpu.vector_load_idx %arg5[%add3A_341, %parallel_loop3A_420, %parallel_loop3A_424] : memref<2x32x200xi32, #tpu.memory_space<vmem>>[vector<16xi32>, vector<16xi32>, vector<16xi32>], vector<16xi32>,
        %parallel_loop3A_426 = tpu.vector_load_idx %arg7[%parallel_loop3A_425] : memref<128xf32, #tpu.memory_space<vmem>>[vector<16xi32>], vector<16xf32>,
        %parallel_loop3A_427 = arith.constant 1 : i32
        %parallel_loop3A_428 = arith.constant 0 : i32
        %parallel_loop3A_429 = arith.index_cast %parallel_loop3A_427 : i32 to index
        %parallel_loop3A_430 = arith.index_cast %parallel_loop3A_428 : i32 to index
        %parallel_loop3A_431 = arith.index_cast %parallel_loop3A_387 : i32 to index
        %parallel_loop3A_432 = tpu.vector_load %arg6[%parallel_loop3A_429, %parallel_loop3A_430, %parallel_loop3A_431] {strides = array<i32>} : memref<2x6x6400xf32, #tpu.memory_space<vmem>>, vector<16xf32>,
        tpu.vector_store %arg6[%parallel_loop3A_429, %parallel_loop3A_430, %parallel_loop3A_431], %parallel_loop3A_426 {strides = array<i32>} : memref<2x6x6400xf32, #tpu.memory_space<vmem>>, vector<16xf32>,
        %parallel_loop3A_433 = arith.constant 20 : i32
        %parallel_loop3A_434 = vector.broadcast %parallel_loop3A_433 : i32 to vector<16xi32>
        %parallel_loop3A_435 = arith.addi %parallel_loop3A_425, %parallel_loop3A_434 : vector<16xi32>
        %parallel_loop3A_436 = tpu.vector_load_idx %arg7[%parallel_loop3A_435] : memref<128xf32, #tpu.memory_space<vmem>>[vector<16xi32>], vector<16xf32>,
        %parallel_loop3A_437 = arith.constant 1 : i32
        %parallel_loop3A_438 = arith.constant 1 : i32
        %parallel_loop3A_439 = arith.index_cast %parallel_loop3A_437 : i32 to index
        %parallel_loop3A_440 = arith.index_cast %parallel_loop3A_438 : i32 to index
        %parallel_loop3A_441 = arith.index_cast %parallel_loop3A_387 : i32 to index
        %parallel_loop3A_442 = tpu.vector_load %arg6[%parallel_loop3A_439, %parallel_loop3A_440, %parallel_loop3A_441] {strides = array<i32>} : memref<2x6x6400xf32, #tpu.memory_space<vmem>>, vector<16xf32>,
        tpu.vector_store %arg6[%parallel_loop3A_439, %parallel_loop3A_440, %parallel_loop3A_441], %parallel_loop3A_436 {strides = array<i32>} : memref<2x6x6400xf32, #tpu.memory_space<vmem>>, vector<16xf32>,
        %parallel_loop3A_443 = arith.constant 40 : i32
        %parallel_loop3A_444 = vector.broadcast %parallel_loop3A_443 : i32 to vector<16xi32>
        %parallel_loop3A_445 = arith.addi %parallel_loop3A_425, %parallel_loop3A_444 : vector<16xi32>
        %parallel_loop3A_446 = tpu.vector_load_idx %arg7[%parallel_loop3A_445] : memref<128xf32, #tpu.memory_space<vmem>>[vector<16xi32>], vector<16xf32>,
        %parallel_loop3A_447 = arith.constant 1 : i32
        %parallel_loop3A_448 = arith.constant 2 : i32
        %parallel_loop3A_449 = arith.index_cast %parallel_loop3A_447 : i32 to index
        %parallel_loop3A_450 = arith.index_cast %parallel_loop3A_448 : i32 to index
        %parallel_loop3A_451 = arith.index_cast %parallel_loop3A_387 : i32 to index
        %parallel_loop3A_452 = tpu.vector_load %arg6[%parallel_loop3A_449, %parallel_loop3A_450, %parallel_loop3A_451] {strides = array<i32>} : memref<2x6x6400xf32, #tpu.memory_space<vmem>>, vector<16xf32>,
        tpu.vector_store %arg6[%parallel_loop3A_449, %parallel_loop3A_450, %parallel_loop3A_451], %parallel_loop3A_446 {strides = array<i32>} : memref<2x6x6400xf32, #tpu.memory_space<vmem>>, vector<16xf32>,
        %parallel_loop3A_453 = arith.constant 60 : i32
        %parallel_loop3A_454 = vector.broadcast %parallel_loop3A_453 : i32 to vector<16xi32>
        %parallel_loop3A_455 = arith.addi %parallel_loop3A_425, %parallel_loop3A_454 : vector<16xi32>
        %parallel_loop3A_456 = tpu.vector_load_idx %arg7[%parallel_loop3A_455] : memref<128xf32, #tpu.memory_space<vmem>>[vector<16xi32>], vector<16xf32>,
        %parallel_loop3A_457 = arith.constant 1 : i32
        %parallel_loop3A_458 = arith.constant 3 : i32
        %parallel_loop3A_459 = arith.index_cast %parallel_loop3A_457 : i32 to index
        %parallel_loop3A_460 = arith.index_cast %parallel_loop3A_458 : i32 to index
        %parallel_loop3A_461 = arith.index_cast %parallel_loop3A_387 : i32 to index
        %parallel_loop3A_462 = tpu.vector_load %arg6[%parallel_loop3A_459, %parallel_loop3A_460, %parallel_loop3A_461] {strides = array<i32>} : memref<2x6x6400xf32, #tpu.memory_space<vmem>>, vector<16xf32>,
        tpu.vector_store %arg6[%parallel_loop3A_459, %parallel_loop3A_460, %parallel_loop3A_461], %parallel_loop3A_456 {strides = array<i32>} : memref<2x6x6400xf32, #tpu.memory_space<vmem>>, vector<16xf32>,
        %parallel_loop3A_463 = arith.constant 80 : i32
        %parallel_loop3A_464 = vector.broadcast %parallel_loop3A_463 : i32 to vector<16xi32>
        %parallel_loop3A_465 = arith.addi %parallel_loop3A_425, %parallel_loop3A_464 : vector<16xi32>
        %parallel_loop3A_466 = tpu.vector_load_idx %arg7[%parallel_loop3A_465] : memref<128xf32, #tpu.memory_space<vmem>>[vector<16xi32>], vector<16xf32>,
        %parallel_loop3A_467 = arith.constant 1 : i32
        %parallel_loop3A_468 = arith.constant 4 : i32
        %parallel_loop3A_469 = arith.index_cast %parallel_loop3A_467 : i32 to index
        %parallel_loop3A_470 = arith.index_cast %parallel_loop3A_468 : i32 to index
        %parallel_loop3A_471 = arith.index_cast %parallel_loop3A_387 : i32 to index
        %parallel_loop3A_472 = tpu.vector_load %arg6[%parallel_loop3A_469, %parallel_loop3A_470, %parallel_loop3A_471] {strides = array<i32>} : memref<2x6x6400xf32, #tpu.memory_space<vmem>>, vector<16xf32>,
        tpu.vector_store %arg6[%parallel_loop3A_469, %parallel_loop3A_470, %parallel_loop3A_471], %parallel_loop3A_466 {strides = array<i32>} : memref<2x6x6400xf32, #tpu.memory_space<vmem>>, vector<16xf32>,
        %parallel_loop3A_473 = arith.constant 100 : i32
        %parallel_loop3A_474 = vector.broadcast %parallel_loop3A_473 : i32 to vector<16xi32>
        %parallel_loop3A_475 = arith.addi %parallel_loop3A_425, %parallel_loop3A_474 : vector<16xi32>
        %parallel_loop3A_476 = tpu.vector_load_idx %arg7[%parallel_loop3A_475] : memref<128xf32, #tpu.memory_space<vmem>>[vector<16xi32>], vector<16xf32>,
        %parallel_loop3A_477 = arith.constant 1 : i32
        %parallel_loop3A_478 = arith.constant 5 : i32
        %parallel_loop3A_479 = arith.index_cast %parallel_loop3A_477 : i32 to index
        %parallel_loop3A_480 = arith.index_cast %parallel_loop3A_478 : i32 to index
        %parallel_loop3A_481 = arith.index_cast %parallel_loop3A_387 : i32 to index
        %parallel_loop3A_482 = tpu.vector_load %arg6[%parallel_loop3A_479, %parallel_loop3A_480, %parallel_loop3A_481] {strides = array<i32>} : memref<2x6x6400xf32, #tpu.memory_space<vmem>>, vector<16xf32>,
        tpu.vector_store %arg6[%parallel_loop3A_479, %parallel_loop3A_480, %parallel_loop3A_481], %parallel_loop3A_476 {strides = array<i32>} : memref<2x6x6400xf32, #tpu.memory_space<vmem>>, vector<16xf32>,
      } {sc.loop_unroll_factor = 2 : i64, sc.parallel_access}
      %add3A_345 = arith.constant 2 : i32
      %add3A_346 = arith.addi %mul3A_226, %add3A_345 : i32
      %add3A_347 = arith.constant 1 : i32
      %add3A_348 = arith.addi %add3A_346, %add3A_347 : i32
      %rem3A_349 = arith.constant 16 : i32
      %rem3A_350 = arith.remsi %add3A_348, %rem3A_349 : i32
      %mul3A_351 = arith.constant 32 : i32
      %mul3A_352 = arith.muli %rem3A_350, %mul3A_351 : i32
      %add3A_353 = arith.addi %add3A_4, %mul3A_352 : i32
      %dma_start3A_354 = arith.constant 1 : i32
      %dma_start3A_355 = arith.constant 0 : i32
      %dma_start3A_356 = arith.constant 0 : i32
      %dma_start3A_357 = tpu.memref_slice %arg5[%dma_start3A_354, %dma_start3A_355, %dma_start3A_356] : memref<2x32x200xi32, #tpu.memory_space<vmem>> -> memref<1x32x200xi32, #tpu.memory_space<vmem>>
      %dma_start3A_358 = tpu.memref_squeeze %dma_start3A_357 : memref<1x32x200xi32, #tpu.memory_space<vmem>> -> memref<32x200xi32, #tpu.memory_space<vmem>>
      %dma_start3A_359 = arith.constant 0 : i32
      %dma_start3A_360 = tpu.memref_slice %arg2[%add3A_353, %dma_start3A_359] : memref<16384x200xi32, #tpu.memory_space<hbm>> -> memref<32x200xi32, #tpu.memory_space<hbm>>
      %dma_start3A_361 = arith.constant 0 : i32
      %dma_start3A_362 = arith.constant 0 : i32
      %dma_start3A_363 = tpu.memref_slice %arg5[%dma_start3A_354, %dma_start3A_361, %dma_start3A_362] : memref<2x32x200xi32, #tpu.memory_space<vmem>> -> memref<1x32x200xi32, #tpu.memory_space<vmem>>
      %dma_start3A_364 = tpu.memref_squeeze %dma_start3A_363 : memref<1x32x200xi32, #tpu.memory_space<vmem>> -> memref<32x200xi32, #tpu.memory_space<vmem>>
      %dma_start3A_365 = arith.constant 0 : i32
      %dma_start3A_366 = tpu.memref_slice %arg2[%add3A_353, %dma_start3A_365] : memref<16384x200xi32, #tpu.memory_space<hbm>> -> memref<32x200xi32, #tpu.memory_space<hbm>>
      tpu.enqueue_dma source(%dma_start3A_366 : memref<32x200xi32, #tpu.memory_space<hbm>>) target(%dma_start3A_364 : memref<32x200xi32, #tpu.memory_space<vmem>>) target_semaphore(%arg9 : memref<!tpu.dma_semaphore, #tpu.memory_space<semaphore_mem>>)
      %add3A_367 = arith.constant 1 : i32
      %add3A_368 = arith.addi %mul3A_226, %add3A_367 : i32
      %mul3A_369 = arith.constant 6400 : i32
      %mul3A_370 = arith.muli %add3A_368, %mul3A_369 : i32
      %add3A_371 = arith.addi %mul3A_8, %mul3A_370 : i32
      %dma_start3A_372 = arith.constant 1 : i32
      %dma_start3A_373 = arith.constant 0 : i32
      %dma_start3A_374 = arith.constant 0 : i32
      %dma_start3A_375 = tpu.memref_slice %arg6[%dma_start3A_372, %dma_start3A_373, %dma_start3A_374] : memref<2x6x6400xf32, #tpu.memory_space<vmem>> -> memref<1x6x6400xf32, #tpu.memory_space<vmem>>
      %dma_start3A_376 = tpu.memref_squeeze %dma_start3A_375 : memref<1x6x6400xf32, #tpu.memory_space<vmem>> -> memref<6x6400xf32, #tpu.memory_space<vmem>>
      %dma_start3A_377 = arith.constant 0 : i32
      %dma_start3A_378 = tpu.memref_slice %arg4[%dma_start3A_377, %add3A_371] : memref<6x3276800xf32, #tpu.memory_space<hbm>> -> memref<6x6400xf32, #tpu.memory_space<hbm>>
      %dma_start3A_379 = arith.constant 0 : i32
      %dma_start3A_380 = tpu.memref_slice %arg4[%dma_start3A_379, %add3A_371] : memref<6x3276800xf32, #tpu.memory_space<hbm>> -> memref<6x6400xf32, #tpu.memory_space<hbm>>
      %dma_start3A_381 = arith.constant 0 : i32
      %dma_start3A_382 = arith.constant 0 : i32
      %dma_start3A_383 = tpu.memref_slice %arg6[%dma_start3A_372, %dma_start3A_381, %dma_start3A_382] : memref<2x6x6400xf32, #tpu.memory_space<vmem>> -> memref<1x6x6400xf32, #tpu.memory_space<vmem>>
      %dma_start3A_384 = tpu.memref_squeeze %dma_start3A_383 : memref<1x6x6400xf32, #tpu.memory_space<vmem>> -> memref<6x6400xf32, #tpu.memory_space<vmem>>
      tpu.enqueue_dma source(%dma_start3A_384 : memref<6x6400xf32, #tpu.memory_space<vmem>>) target(%dma_start3A_380 : memref<6x6400xf32, #tpu.memory_space<hbm>>) target_semaphore(%arg11 : memref<!tpu.dma_semaphore, #tpu.memory_space<semaphore_mem>>)
    }
    %scan3A_163 = arith.constant 7 : i32
    %dma_wait3A_164 = arith.constant 0 : i32
    %dma_wait3A_165 = arith.constant 0 : i32
    %dma_wait3A_166 = arith.constant 0 : i32
    %dma_wait3A_167 = tpu.memref_slice %arg5[%dma_wait3A_164, %dma_wait3A_165, %dma_wait3A_166] : memref<2x32x200xi32, #tpu.memory_space<vmem>> -> memref<1x32x200xi32, #tpu.memory_space<vmem>>
    %dma_wait3A_168 = tpu.memref_squeeze %dma_wait3A_167 : memref<1x32x200xi32, #tpu.memory_space<vmem>> -> memref<32x200xi32, #tpu.memory_space<vmem>>
    %dma_wait3A_169 = arith.constant 0 : i32
    %dma_wait3A_170 = arith.constant 0 : i32
    %dma_wait3A_171 = tpu.memref_slice %arg2[%dma_wait3A_169, %dma_wait3A_170] : memref<16384x200xi32, #tpu.memory_space<hbm>> -> memref<32x200xi32, #tpu.memory_space<hbm>>
    %dma_wait3A_172 = arith.constant 0 : i32
    %dma_wait3A_173 = arith.constant 0 : i32
    %dma_wait3A_174 = tpu.memref_slice %arg5[%dma_wait3A_164, %dma_wait3A_172, %dma_wait3A_173] : memref<2x32x200xi32, #tpu.memory_space<vmem>> -> memref<1x32x200xi32, #tpu.memory_space<vmem>>
    %dma_wait3A_175 = tpu.memref_squeeze %dma_wait3A_174 : memref<1x32x200xi32, #tpu.memory_space<vmem>> -> memref<32x200xi32, #tpu.memory_space<vmem>>
    %dma_wait3A_176 = arith.constant 0 : i32
    %dma_wait3A_177 = arith.constant 0 : i32
    %dma_wait3A_178 = tpu.memref_slice %arg2[%dma_wait3A_176, %dma_wait3A_177] : memref<16384x200xi32, #tpu.memory_space<hbm>> -> memref<32x200xi32, #tpu.memory_space<hbm>>
    tpu.wait_dma2 semaphore(%arg8 : memref<!tpu.dma_semaphore, #tpu.memory_space<semaphore_mem>>) src(%dma_wait3A_178 : memref<32x200xi32, #tpu.memory_space<hbm>>) dst(%dma_wait3A_175 : memref<32x200xi32, #tpu.memory_space<vmem>>)
    %dma_wait3A_179 = arith.constant 0 : i32
    %dma_wait3A_180 = arith.constant 0 : i32
    %dma_wait3A_181 = arith.constant 0 : i32
    %dma_wait3A_182 = tpu.memref_slice %arg6[%dma_wait3A_179, %dma_wait3A_180, %dma_wait3A_181] : memref<2x6x6400xf32, #tpu.memory_space<vmem>> -> memref<1x6x6400xf32, #tpu.memory_space<vmem>>
    %dma_wait3A_183 = tpu.memref_squeeze %dma_wait3A_182 : memref<1x6x6400xf32, #tpu.memory_space<vmem>> -> memref<6x6400xf32, #tpu.memory_space<vmem>>
    %dma_wait3A_184 = arith.constant 0 : i32
    %dma_wait3A_185 = arith.constant 0 : i32
    %dma_wait3A_186 = tpu.memref_slice %arg4[%dma_wait3A_184, %dma_wait3A_185] : memref<6x3276800xf32, #tpu.memory_space<hbm>> -> memref<6x6400xf32, #tpu.memory_space<hbm>>
    %dma_wait3A_187 = arith.constant 0 : i32
    %dma_wait3A_188 = arith.constant 0 : i32
    %dma_wait3A_189 = tpu.memref_slice %arg4[%dma_wait3A_187, %dma_wait3A_188] : memref<6x3276800xf32, #tpu.memory_space<hbm>> -> memref<6x6400xf32, #tpu.memory_space<hbm>>
    %dma_wait3A_190 = arith.constant 0 : i32
    %dma_wait3A_191 = arith.constant 0 : i32
    %dma_wait3A_192 = tpu.memref_slice %arg6[%dma_wait3A_179, %dma_wait3A_190, %dma_wait3A_191] : memref<2x6x6400xf32, #tpu.memory_space<vmem>> -> memref<1x6x6400xf32, #tpu.memory_space<vmem>>
    %dma_wait3A_193 = tpu.memref_squeeze %dma_wait3A_192 : memref<1x6x6400xf32, #tpu.memory_space<vmem>> -> memref<6x6400xf32, #tpu.memory_space<vmem>>
    tpu.wait_dma2 semaphore(%arg10 : memref<!tpu.dma_semaphore, #tpu.memory_space<semaphore_mem>>) src(%dma_wait3A_193 : memref<6x6400xf32, #tpu.memory_space<vmem>>) dst(%dma_wait3A_189 : memref<6x6400xf32, #tpu.memory_space<hbm>>)
    %dma_wait3A_194 = arith.constant 1 : i32
    %dma_wait3A_195 = arith.constant 0 : i32
    %dma_wait3A_196 = arith.constant 0 : i32
    %dma_wait3A_197 = tpu.memref_slice %arg5[%dma_wait3A_194, %dma_wait3A_195, %dma_wait3A_196] : memref<2x32x200xi32, #tpu.memory_space<vmem>> -> memref<1x32x200xi32, #tpu.memory_space<vmem>>
    %dma_wait3A_198 = tpu.memref_squeeze %dma_wait3A_197 : memref<1x32x200xi32, #tpu.memory_space<vmem>> -> memref<32x200xi32, #tpu.memory_space<vmem>>
    %dma_wait3A_199 = arith.constant 0 : i32
    %dma_wait3A_200 = arith.constant 0 : i32
    %dma_wait3A_201 = tpu.memref_slice %arg2[%dma_wait3A_199, %dma_wait3A_200] : memref<16384x200xi32, #tpu.memory_space<hbm>> -> memref<32x200xi32, #tpu.memory_space<hbm>>
    %dma_wait3A_202 = arith.constant 0 : i32
    %dma_wait3A_203 = arith.constant 0 : i32
    %dma_wait3A_204 = tpu.memref_slice %arg5[%dma_wait3A_194, %dma_wait3A_202, %dma_wait3A_203] : memref<2x32x200xi32, #tpu.memory_space<vmem>> -> memref<1x32x200xi32, #tpu.memory_space<vmem>>
    %dma_wait3A_205 = tpu.memref_squeeze %dma_wait3A_204 : memref<1x32x200xi32, #tpu.memory_space<vmem>> -> memref<32x200xi32, #tpu.memory_space<vmem>>
    %dma_wait3A_206 = arith.constant 0 : i32
    %dma_wait3A_207 = arith.constant 0 : i32
    %dma_wait3A_208 = tpu.memref_slice %arg2[%dma_wait3A_206, %dma_wait3A_207] : memref<16384x200xi32, #tpu.memory_space<hbm>> -> memref<32x200xi32, #tpu.memory_space<hbm>>
    tpu.wait_dma2 semaphore(%arg9 : memref<!tpu.dma_semaphore, #tpu.memory_space<semaphore_mem>>) src(%dma_wait3A_208 : memref<32x200xi32, #tpu.memory_space<hbm>>) dst(%dma_wait3A_205 : memref<32x200xi32, #tpu.memory_space<vmem>>)
    %dma_wait3A_209 = arith.constant 1 : i32
    %dma_wait3A_210 = arith.constant 0 : i32
    %dma_wait3A_211 = arith.constant 0 : i32
    %dma_wait3A_212 = tpu.memref_slice %arg6[%dma_wait3A_209, %dma_wait3A_210, %dma_wait3A_211] : memref<2x6x6400xf32, #tpu.memory_space<vmem>> -> memref<1x6x6400xf32, #tpu.memory_space<vmem>>
    %dma_wait3A_213 = tpu.memref_squeeze %dma_wait3A_212 : memref<1x6x6400xf32, #tpu.memory_space<vmem>> -> memref<6x6400xf32, #tpu.memory_space<vmem>>
    %dma_wait3A_214 = arith.constant 0 : i32
    %dma_wait3A_215 = arith.constant 0 : i32
    %dma_wait3A_216 = tpu.memref_slice %arg4[%dma_wait3A_214, %dma_wait3A_215] : memref<6x3276800xf32, #tpu.memory_space<hbm>> -> memref<6x6400xf32, #tpu.memory_space<hbm>>
    %dma_wait3A_217 = arith.constant 0 : i32
    %dma_wait3A_218 = arith.constant 0 : i32
    %dma_wait3A_219 = tpu.memref_slice %arg4[%dma_wait3A_217, %dma_wait3A_218] : memref<6x3276800xf32, #tpu.memory_space<hbm>> -> memref<6x6400xf32, #tpu.memory_space<hbm>>
    %dma_wait3A_220 = arith.constant 0 : i32
    %dma_wait3A_221 = arith.constant 0 : i32
    %dma_wait3A_222 = tpu.memref_slice %arg6[%dma_wait3A_209, %dma_wait3A_220, %dma_wait3A_221] : memref<2x6x6400xf32, #tpu.memory_space<vmem>> -> memref<1x6x6400xf32, #tpu.memory_space<vmem>>
    %dma_wait3A_223 = tpu.memref_squeeze %dma_wait3A_222 : memref<1x6x6400xf32, #tpu.memory_space<vmem>> -> memref<6x6400xf32, #tpu.memory_space<vmem>>
    tpu.wait_dma2 semaphore(%arg11 : memref<!tpu.dma_semaphore, #tpu.memory_space<semaphore_mem>>) src(%dma_wait3A_223 : memref<6x6400xf32, #tpu.memory_space<vmem>>) dst(%dma_wait3A_219 : memref<6x6400xf32, #tpu.memory_space<hbm>>)
    return
  }
}

</mosaic_0001>

<sc_bundles>
// kernel: kernel.3.cloned.1.call-start
scs
__scs_entry_jumppad:
0x0: {  	(pc) =	sbr.rel $0x88, $3  }
0x1: {  	(tag) =	ssettag $0x0;
	lr =	simm.s32 $0x1  }
0x2: {  	[smem:$0x3F9F] =	sst lr;
	_ =	strace $0xD0000000  }
0x3: {  	_ = 	snop  }
0x4: {  	_ = 	snop  }
0x5: {  	_ = 	snop  }
0x6: {  	_ = 	snop  }
0x7: {  	_ = 	snop  }
__scs_overlays_trampoline_lowered:
0x8: {  	[smem:$0x3FAE] =	sst s0  }
0x9: {  	[smem:$0x3FAF] =	sst s1  }
0xa: {  	[smem:$0x3FB0] =	sst s2  }
0xb: {  	[smem:$0x3FB1] =	sst s3  }
0xc: {  	[smem:$0x3FB2] =	sst s4  }
0xd: {  	[smem:$0x3FB3] =	sst s5  }
0xe: {  	[smem:$0x3FB4] =	sst s6  }
0xf: {  	[smem:$0x3FB5] =	sst s7  }
0x10: {  	[smem:$0x3FB6] =	sst s8  }
0x11: {  	[smem:$0x3FB7] =	sst s9;
	s0 =	simm.s32 @!p0 $0x0  }
0x12: {  	s1 =	sld [smem:$0x3F9D];
	s0 =	simm.s32 @p0 $0x1  }
0x13: {  	[smem:$0x3FB8] =	sst s0;
	s0 =	simm.s32 @!p1 $0x0  }
0x14: {  	s2 =	sld [smem:$0x3F9C];
	s0 =	simm.s32 @p1 $0x1  }
0x15: {  	[smem:$0x3FB9] =	sst s0;
	s0 =	simm.s32 @!p2 $0x0  }
0x16: {  	s3 =	sld [smem:$0x3FDB];
	s0 =	simm.s32 @p2 $0x1  }
0x17: {  	s4 =	simm.s32 $0x1BF5;
	[smem:$0x3FBB] =	sst s0  }
0x18: {  	s0 =	sld [smem:$0x3F9E];
	_ =	swait.ge [sflag:s4], $0x0  }
0x19: {  	s7 =	sld [smem:$0x3F9F]  }
0x1a: {  	s8 =	sadd.s32 $0xFFFFE003, lr  }
0x1b: {  	s9 =	sadd.s32 $0xFFFFFEF7, lr;
	s5 =	simm.s32 $0xFFFFFFFF;
	p2 =	slt.u32 s8, $0xFFFFF086  }
0x1c: {  	p1 =	slt.u32 s9, $0xF7A;
	s5 =	simm.s32 @!p2 $0x0  }
0x1d: {  	s5 =	simm.s32 @p1 $0x1;
	p0 =	seq.s32 s7, s2  }
0x1e: {  	s7 =	smul.u32 @!p0 $0xF7A, s2;
	p2 =	seq.s32 @!p0 s5, $0x0  }
0x1f: {  	s9 =	smul.u32 $0xF7A, s1;
	s8 =	simm.s32 @!p0 $0x1BF5;
	p2 =	por !p2, p0  }
0x20: {  	[sflag:s8] =	ssyncset.s32 @!p0 $0xFFFFF086;
	s6 =	sadd.s32 @!p0 s3, s7;
	s7 =	simm.s32 @!p0 $0x108  }
0x21: {  	s3 =	sadd.s32 s3, s9;
	s6 =	sadd.s32 @!p0 $0x88, s6;
	s7 =	simm.s32 @p2 $0x1082  }
0x22: {  	[simem:s7], [sflag:s8] =	dma.local @!p0 [hbm:s6], $0xF7A  }
0x23: {  	s9 =	sor.u32 $0xD0000000, s2;
	s6 =	simm.s32 $0x108;
	_ =	swait.ge @!p0 [sflag:s8], $0x0  }
0x24: {  	s3 =	sadd.s32 $0x88, s3;
	s6 =	simm.s32 @!p1 $0x1082;
	[sflag:s4] =	ssyncset.s32 $0xFFFFF086  }
0x25: {  	[simem:s6], [sflag:s4] =	dma.local [hbm:s3], $0xF7A  }
0x26: {  	[smem:$0x3F9F] =	sst s1;
	(tag) =	ssettag s2;
	_ =	strace s9  }
0x27: {  	s1 =	sld [smem:$0x3FAF]  }
0x28: {  	s2 =	sld [smem:$0x3FB0]  }
0x29: {  	s4 =	sld [smem:$0x3FB2]  }
0x2a: {  	p0 =	seq.s32 s5, $0x0;
	s5 =	sld [smem:$0x3FB3]  }
0x2b: {  	s6 =	sld [smem:$0x3FB4]  }
0x2c: {  	s7 =	sld [smem:$0x3FB5]  }
0x2d: {  	s3 =	simm.s32 $0x108;
	s8 =	sld [smem:$0x3FB6]  }
0x2e: {  	s3 =	simm.s32 @!p0 $0x1082;
	s9 =	sld [smem:$0x3FB7]  }
0x2f: {  	lr =	sadd.s32 s0, s3;
	s0 =	sld [smem:$0x3FAE]  }
0x30: {  	s3 =	sld [smem:$0x3FB1]  }
0x31: {  	[smem:$0x3FBA] =	sst s10  }
0x32: {  	s10 =	sld [smem:$0x3FB8];
	_ =	sdelay $0x3  }
0x33: {  	p0 =	seq.s32 s10, $0x1;
	s10 =	sld [smem:$0x3FBA];
	_ =	sdelay $0x3  }
0x34: {  	[smem:$0x3FBA] =	sst s10  }
0x35: {  	s10 =	sld [smem:$0x3FB9];
	_ =	sdelay $0x3  }
0x36: {  	p1 =	seq.s32 s10, $0x1;
	s10 =	sld [smem:$0x3FBA];
	_ =	sdelay $0x3  }
0x37: {  	[smem:$0x3FBA] =	sst s10  }
0x38: {  	s10 =	sld [smem:$0x3FBB]  }
0x39: {  	_ = 	snop;
	(pc) =	sbr.ind lr, $3  }
0x3a: {  	_ = 	snop  }
0x3b: {  	_ = 	snop  }
0x3c: {  	p2 =	seq.s32 s10, $0x1;
	s10 =	sld [smem:$0x3FBA]  }
0x3d: {  	_ =	shalt  }
0x3e: {  	_ =	shalt  }
0x3f: {  	_ =	shalt  }
0x40: {  	_ =	shalt  }
0x41: {  	_ =	shalt  }
0x42: {  	_ =	shalt  }
0x43: {  	_ =	shalt  }
0x44: {  	_ =	shalt  }
0x45: {  	_ =	shalt  }
0x46: {  	_ =	shalt  }
0x47: {  	_ =	shalt  }
0x48: {  	_ =	shalt  }
0x49: {  	_ =	shalt  }
0x4a: {  	_ =	shalt  }
0x4b: {  	_ =	shalt  }
0x4c: {  	_ =	shalt  }
0x4d: {  	_ =	shalt  }
0x4e: {  	_ =	shalt  }
0x4f: {  	_ =	shalt  }
0x50: {  	_ =	shalt  }
0x51: {  	_ =	shalt  }
0x52: {  	_ =	shalt  }
0x53: {  	_ =	shalt  }
0x54: {  	_ =	shalt  }
0x55: {  	_ =	shalt  }
0x56: {  	_ =	shalt  }
0x57: {  	_ =	shalt  }
0x58: {  	_ =	shalt  }
0x59: {  	_ =	shalt  }
0x5a: {  	_ =	shalt  }
0x5b: {  	_ =	shalt  }
0x5c: {  	_ =	shalt  }
0x5d: {  	_ =	shalt  }
0x5e: {  	_ =	shalt  }
0x5f: {  	_ =	shalt  }
0x60: {  	_ =	shalt  }
0x61: {  	_ =	shalt  }
0x62: {  	_ =	shalt  }
0x63: {  	_ =	shalt  }
0x64: {  	_ =	shalt  }
0x65: {  	_ =	shalt  }
0x66: {  	_ =	shalt  }
0x67: {  	_ =	shalt  }
0x68: {  	_ =	shalt  }
0x69: {  	_ =	shalt  }
0x6a: {  	_ =	shalt  }
0x6b: {  	_ =	shalt  }
0x6c: {  	_ =	shalt  }
0x6d: {  	_ =	shalt  }
0x6e: {  	_ =	shalt  }
0x6f: {  	_ =	shalt  }
0x70: {  	_ =	shalt  }
0x71: {  	_ =	shalt  }
0x72: {  	_ =	shalt  }
0x73: {  	_ =	shalt  }
0x74: {  	_ =	shalt  }
0x75: {  	_ =	shalt  }
0x76: {  	_ =	shalt  }
0x77: {  	_ =	shalt  }
0x78: {  	_ =	shalt  }
0x79: {  	_ =	shalt  }
0x7a: {  	_ =	shalt  }
0x7b: {  	_ =	shalt  }
0x7c: {  	_ =	shalt  }
0x7d: {  	_ =	shalt  }
0x7e: {  	_ =	shalt  }
0x7f: {  	_ =	shalt  }
0x80: {  	_ =	shalt  }
0x81: {  	_ =	shalt  }
0x82: {  	_ =	shalt  }
0x83: {  	_ =	shalt  }
0x84: {  	_ =	shalt  }
0x85: {  	_ =	shalt  }
0x86: {  	_ =	shalt  }
0x87: {  	_ =	shalt  }
.Lfunc_end0:
.L_simem_size_0:
called_computation.1_lowered:
.L_overlay_start_0:
0x88: {  	s2 =	sld [smem:$0x3FD9]  }
0x89: {  	s3 =	sld [smem:$0x3FFE];
	_ =	sdelay $0x1  }
0x8a: {  	s1 =	srdreg.scid  }
0x8b: {  	s0 =	sand.u32 $0x1, s1  }
0x8c: {  	s17 =	sshll.u32 s0, $0xA;
	s2 =	sadd.s32 s3, s2  }
0x8d: {  	s2 =	sadd.s32 s2, s17  }
0x8e: {  	[smem:$0x3FC6] =	sst s2  }
0x8f: {  	_ = 	snop  }
0x90: {  	s2 =	sld [smem:$0x3FD0];
	(tm) =	ssettm $0x1  }
0x91: {  	s18 =	sld [smem:$0x3FFB];
	_ =	sdelay $0x3  }
0x92: {  	_ =	strace s18  }
0x93: {  	s3 =	sld [smem:$0x3FFC];
	_ =	sdelay $0x3  }
0x94: {  	_ =	strace s3  }
0x95: {  	s3 =	sld [smem:$0x3FFD];
	_ =	sdelay $0x3  }
0x96: {  	_ =	strace s3  }
0x97: {  	_ =	strace $0x8FFFFFFF  }
0x98: {  	s19 =	sld [smem:$0x3FDB];
	_ =	sdelay $0x1  }
0x99: {  	s4 =	simm.s32 $_scs_section_size  }
0x9a: {  	s5 =	simm.s32 $_size__tile_overlayer_lowered;
	s6 =	simm.s32 $_tile_overlayer_lowered  }
0x9b: {  	s22 =	simm.s32 $0x1BFF;
	s21 =	sshll.u32 s6, $0x1;
	s3 =	sadd.s32 s4, s19  }
0x9c: {  	s7 =	simm.s32 $0x0;
	s20 =	sshll.u32 s5, $0x1;
	s5 =	sadd.s32 s21, s3  }
0x9d: {  	[timem:s7], [sflag:s22] =	dma.local [hbm:s5], s20  }
0x9e: {  	_ =	swait.ge [sflag:s22], s20  }
0x9f: {  	s4 =	ssub.s32 $0x0, s20;
	[sflag:s22] =	ssyncset.done $0x0  }
0xa0: {  	[sflag:s22] =	ssyncadd.s32 s4;
	_ =	sdelay $0x1  }
0xa1: {  	s23 =	simm.s32 $0x1B8B  }
0xa2: {  	_ =	swait.ge [sflag:s23], $0x1  }
0xa3: {  	[sflag:s23] =	ssyncset.done $0x0  }
0xa4: {  	s25 =	simm.s32 $0x1B8E;
	s24 =	sld [smem:$0x3FFE];
	[sflag:s23] =	ssyncadd.s32 $0xFFFFFFFF  }
0xa5: {  	s26 =	simm.s32 $execute0_lowered;
	[smem:$0x3FD2] =	sst s25  }
0xa6: {  	s5 =	sshll.u32 s26, $0x1;
	_ =	strace $0x80000046;
	[dreg:$0x1] =	wrdreg $0xFFFFFFFF  }
0xa7: {  	s28 =	simm.s32 $_size_execute0_lowered;
	s3 =	sadd.s32 s3, s5;
	[dreg:$0x0] =	wrdreg $0x0  }
0xa8: {  	s5 =	sshll.u32 s28, $0x1;
	[dreg:$0x2] =	wrdreg s3  }
0xa9: {  	[dreg:$0x3] =	wrdreg s5  }
0xaa: {  	[dreg:$0x4] =	wrdreg $0xC0  }
0xab: {  	_ =	task [dreg:s7], $0x5FFFF  }
0xac: {  	[dreg:$0x1] =	wrdreg $0xFFFFFFFF  }
0xad: {  	[dreg:$0x0] =	wrdreg $0x60  }
0xae: {  	[dreg:$0x2] =	wrdreg s2  }
0xaf: {  	[dreg:$0x3] =	wrdreg s24  }
0xb0: {  	[dreg:$0x4] =	wrdreg $0x9  }
0xb1: {  	_ =	task.clear_ibuf [dreg:s7], $0x5FFFF;
	_ =	strace $0x90000046  }
0xb2: {  	s29 =	simm.s32 $0x9;
	_ =	strace $0x80000048  }
0xb3: {  	_ =	swait.ge [sflag:s29], $0x1  }
0xb4: {  	[sflag:s29] =	ssyncadd.s32 $0xFFFFFFFF  }
0xb5: {  	_ =	strace $0x90000048  }
0xb6: {  	_ =	sfence  }
0xb7: {  	s30 =	sld [smem:$0x0];
	_ =	sdelay $0x2  }
0xb8: {  	s31 =	sshll.u32 s1, $0xD;
	s1 =	sshrl.u32 s1, $0x2  }
0xb9: {  	s3 =	sand.u32 $0x4000, s31;
	s1 =	sadd.s32 s1, s30  }
0xba: {  	s0 =	sor.u32 s3, s0;
	s1 =	sshll.u32 s1, $0x11  }
0xbb: {  	s0 =	sor.u32 s1, s0  }
0xbc: {  	s0 =	sadd.s32 $0x8F2B, s0  }
0xbd: {  	[sflag:s0] =	ssyncadd.remote.s32 $0x1  }
0xbe: {  	_ =	sfence.sel $0xFFFF  }
0xbf: {  	[dreg:$0x0] =	wrdreg $0xFFFFFFFF;
	(pc) =	sbr.abs _section_cstart, $3  }
0xc0: {  	[dreg:$0x1] =	wrdreg $0xFFFFFFFF  }
0xc1: {  	_ =	task.clear_ibuf [dreg:s7], $0x2FFFF;
	_ =	strace $0x9FFFFFFF  }
0xc2: {  	(tm) =	ssettm $0x7FFFFFFF  }
0xc3: {  	_ =	shalt  }
tec
execute0_lowered:
.L_overlay_start_1:
0x0: {  	(tag) =	ssettag $0x1  }
0x1: {  	s0 =	rddreg [dreg:$0x0]  }
0x2: {  	s1 =	rddreg [dreg:$0x1];
	s2 =	simm.s32 $0x0  }
0x3: {  	s3 =	srdreg.scid;
	s4 =	stileid.u32;
	s12 =	simm.s32 $0x1D000  }
0x4: {  	s15 =	simm.s32 $0x1;
	s3 =	sand.u32 $0x1, s3;
	s4 =	sshll.u32 s4, $0x1  }
0x5: {  	[smem:$0x7FF] =	sst s2;
	s5 =	ssub.s32 $0x2, s3;
	s3 =	sor.u32 s3, s4  }
0x6: {  	s22 =	sadd.s32 $0x800, s1;
	s1 =	sadd.s32 $0xA00, s1;
	s24 =	sshll.u32 s3, $0xE  }
0x7: {  	_ =	strace $0x80000047;
	[dreg:$0x3] =	wrdreg s22;
	s4 =	sadd.s32 s0, s24  }
0x8: {  	s23 =	sshrl.u32 s5, $0x1;
	s6 =	smul.u32 $0xC8000, s3;
	s26 =	sadd.s32 $0x400, s4  }
0x9: {  	s3 =	smul.u32 $0x19000, s3;
	s28 =	sadd.s32 $0x800, s4;
	[dreg:$0x4] =	wrdreg s26  }
0xa: {  	s5 =	ssub.s32 s5, s23;
	s29 =	sadd.s32 $0xC00, s4;
	[dreg:$0x5] =	wrdreg s28  }
0xb: {  	s25 =	sshrl.u32 s6, $0x3;
	s31 =	smax.u32 s5, $0x1;
	[dreg:$0x7] =	wrdreg s29  }
0xc: {  	s0 =	sadd.s32 s1, s25;
	s1 =	sadd.s32 s1, s3;
	[dreg:$0xa] =	wrdreg s31  }
0xd: {  	s17 =	simm.s32 $0x2;
	s0 =	sadd.s32 $0x1900, s0;
	[dreg:$0x6] =	wrdreg s1  }
0xe: {  	s19 =	simm.s32 $0x3;
	s30 =	sadd.s32 $0x1900, s1;
	[dreg:$0x8] =	wrdreg s0  }
0xf: {  	v0 =	vlaneseq.u32;
	v1 =	vimm.s32 $0x0;
	s20 =	simm.s32 $0x4;
	s1 =	simm.s32 $0x0;
	[dreg:$0x9] =	wrdreg s30  }
.LBB2_1:
0x10: {  	s6 =	simm.s32 $0x0  }
0x11: {  	v2 =	vor.u32 s6, v0  }
0x12: {  	v3 =	vmulhi.u32 $0x51EB851F, v2;
	_ =	sdelay $0x1  }
0x13: {  	s3 =	simm.s32 $0x10;
	v3 =	vshrl.u32 v3, $0x6  }
0x14: {  	v4 =	vor.u32 s3, v0;
	v5 =	vmul.u32 $0xFFFFFF38, v3  }
0x15: {  	v7 =	vmov s6;
	v6 =	vmulhi.u32 $0x51EB851F, v4;
	v8 =	vsub.s32 $0x0, v2  }
0x16: {  	vm0 =	veq.s32 v7, v0;
	vm1 =	vne.s32 v5, v8  }
0x17: {  	v5 =	vshrl.u32 v6, $0x6;
	vm0 =	vmand vm0, vm1  }
0x18: {  	s0 =	simm.s32 $0x20;
	v5 =	vmul.u32 $0xFFFFFF38, v5;
	v7 =	vsel vm0, $0xFFFFFFFF, v1  }
0x19: {  	v9 =	vor.u32 s0, v0;
	v8 =	vshll.u32 v6, $0x2;
	v3 =	vadd.s32 v7, v3  }
0x1a: {  	s5 =	simm.s32 $0x30;
	v4 =	vadd.s32 v4, v5;
	v5 =	vshll.u32 v6, $0x1;
	v6 =	vmul.u32 $0xFFFFFF38, v3  }
0x1b: {  	[dreg:$0xb] =	wrdreg s1;
	v10 =	vor.u32 s5, v0;
	v7 =	vand.u32 $0x7FFFF800, v8;
	v8 =	vshll.u32 v4, $0x3  }
0x1c: {  	s25 =	rddreg [dreg:$0x3];
	s26 =	simm.s32 $0x5;
	v5 =	vand.u32 $0x380, v5;
	v8 =	vand.u32 $0xFFFFFC00, v8;
	v2 =	vadd.s32 v2, v6  }
0x1d: {  	[tilespmem:s12], [sflag:$0x5] =	stream.linear.gather [hbm4b:s25+s2], $0x80, $0x38;
	v6 =	vadd.s32 v7, v8;
	v7 =	vshll.u32 v3, $0x8;
	v8 =	vshll.u32 v2, $0x3;
	[tilespmem:$0x1D080] =	vst v63  }
0x1e: {  	_ =	swait.ge [sflag:s26], $0x80;
	v4 =	vand.u32 $0x7F, v4;
	v7 =	vand.u32 $0xFFFFF800, v7;
	v8 =	vand.u32 $0xFFFFFC00, v8  }
0x1f: {  	[sflag:s26] =	ssyncset.done $0x0;
	v3 =	vshll.u32 v3, $0x7;
	v7 =	vadd.s32 v7, v8;
	v8 =	vmulhi.u32 $0x51EB851F, v9  }
0x20: {  	[sflag:s26] =	ssyncadd.s32 $0xFFFFFF80;
	v3 =	vand.u32 $0x380, v3;
	v2 =	vand.u32 $0x7F, v2;
	v5 =	vor.u32 v5, v6  }
0x21: {  	[tilespmem:s2], [sflag:$0x1] =	stream.linear.gather [hbm4b:s4+s2], $0x2000, $0x38;
	v3 =	vor.u32 v3, v7;
	v7 =	vmulhi.u32 $0x51EB851F, v10;
	v8 =	vshrl.u32 v8, $0x6;
	[tilespmem:$0x1D080] =	vst v63  }
0x22: {  	s7 =	simm.s32 $0x2000;
	s28 =	rddreg [dreg:$0x4];
	v4 =	vor.u32 v4, v5;
	v2 =	vor.u32 v2, v3;
	v3 =	vmul.u32 $0xFFFFFF38, v8  }
0x23: {  	v11 =	vmov s0;
	v12 =	vsub.s32 $0x0, v9;
	[tilespmem:s7], [sflag:$0x2] =	stream.linear.gather [hbm4b:s28+s2], $0x2000, $0x38;
	v6 =	vshrl.u32 v7, $0x6;
	[tilespmem:$0x1D080] =	vst v63  }
0x24: {  	vm8 =	veq.s32 v11, v0;
	_ =	swait.ge [sflag:s15], $0x2000;
	vm9 =	vne.s32 v3, v12;
	v3 =	vmul.u32 $0xFFFFFF38, v6  }
0x25: {  	[sflag:s15] =	ssyncset.done $0x0;
	vm0 =	vmand vm8, vm9  }
0x26: {  	[sflag:s15] =	ssyncadd.s32 $0xFFFFE000;
	v5 =	vshll.u32 v7, $0x2;
	v6 =	vsel vm0, $0xFFFFFFFF, v1;
	v3 =	vadd.s32 v10, v3  }
0x27: {  	v4 =	vld.idx.msk [tilespmem:v4+s2+$0x0], $0xffff;
	v10 =	vand.u32 $0x7FFFF800, v5;
	v6 =	vadd.s32 v6, v8;
	v5 =	vshll.u32 v3, $0x3  }
0x28: {  	v7 =	vshll.u32 v7, $0x1;
	v8 =	vmul.u32 $0xFFFFFF38, v6;
	v11 =	vand.u32 $0xFFFFFC00, v5;
	v5 =	vld.idx.msk [tilespmem:v2+s2+$0x0], $0xffff  }
0x29: {  	v2 =	vand.u32 $0x380, v7;
	v7 =	vadd.s32 v10, v11  }
0x2a: {  	v3 =	vand.u32 $0x7F, v3;
	v8 =	vadd.s32 v9, v8;
	v2 =	vor.u32 v2, v7  }
0x2b: {  	v7 =	vshll.u32 v6, $0x8;
	v6 =	vshll.u32 v6, $0x7;
	v9 =	vshll.u32 v8, $0x3  }
0x2c: {  	s29 =	simm.s32 $0x40;
	v7 =	vand.u32 $0xFFFFF800, v7;
	v2 =	vor.u32 v3, v2;
	v9 =	vand.u32 $0xFFFFFC00, v9  }
0x2d: {  	v10 =	vor.u32 s29, v0;
	v6 =	vand.u32 $0x380, v6;
	v7 =	vadd.s32 v7, v9  }
0x2e: {  	v17 =	vmov s29;
	v6 =	vor.u32 v6, v7;
	v7 =	vmulhi.u32 $0x51EB851F, v10  }
0x2f: {  	s8 =	simm.s32 $0x50;
	vm10 =	veq.s32 v17, v0;
	v13 =	vadd.s32 $0x28, v4;
	v8 =	vand.u32 $0x7F, v8;
	v17 =	vld.idx.msk [tilespmem:v4+s12+$0x0], $0xffff  }
0x30: {  	v3 =	vadd.s32 $0x14, v4;
	v9 =	vor.u32 s8, v0;
	v12 =	vshrl.u32 v7, $0x6;
	v7 =	vld.idx.msk [tilespmem:v5+s12+$0x0], $0xffff  }
0x31: {  	s9 =	sand.u32 $0xFC00, s2;
	v6 =	vor.u32 v8, v6;
	v8 =	vmulhi.u32 $0x51EB851F, v9;
	v20 =	vld.idx.msk [tilespmem:v2+s2+$0x0], $0xffff;
	v14 =	vmul.u32 $0xFFFFFF38, v12  }
0x32: {  	s9 =	sadd.s32 $0x4000, s9;
	s3 =	sand.u32 $0x70, s3;
	v18 =	vsub.s32 $0x0, v10;
	v11 =	vadd.s32 $0x14, v5;
	v27 =	vadd.s32 $0x50, v5  }
0x33: {  	s23 =	sor.u32 s3, s9;
	v15 =	vshrl.u32 v8, $0x6;
	v16 =	vshll.u32 v8, $0x2;
	vm11 =	vne.s32 v14, v18  }
0x34: {  	s6 =	sand.u32 $0x60, s6;
	[tilespmem:s23+$0x0] =	vst v17;
	v16 =	vand.u32 $0x7FFFF800, v16;
	v14 =	vmul.u32 $0xFFFFFF38, v15;
	vm0 =	vmand vm10, vm11  }
0x35: {  	s6 =	sor.u32 s6, s9;
	v3 =	vld.idx.msk [tilespmem:v3+s12+$0x0], $0xffff;
	v15 =	vadd.s32 $0x3C, v4;
	v18 =	vadd.s32 $0x28, v5;
	v19 =	vsel vm0, $0xFFFFFFFF, v1  }
0x36: {  	v9 =	vadd.s32 v9, v14;
	[tilespmem:s6+$0x0] =	vst v7;
	v7 =	vld.idx.msk [tilespmem:v6+s2+$0x0], $0xffff;
	v6 =	vshll.u32 v8, $0x1;
	v21 =	vadd.s32 $0x28, v20  }
0x37: {  	v22 =	vadd.s32 $0x3C, v20;
	v12 =	vadd.s32 v19, v12;
	v8 =	vshll.u32 v9, $0x3;
	v11 =	vld.idx.msk [tilespmem:v11+s12+$0x0], $0xffff  }
0x38: {  	v6 =	vand.u32 $0x380, v6;
	v14 =	vmul.u32 $0xFFFFFF38, v12;
	v8 =	vand.u32 $0xFFFFFC00, v8  }
0x39: {  	v9 =	vand.u32 $0x7F, v9;
	v19 =	vadd.s32 $0x50, v4;
	v16 =	vadd.s32 v16, v8  }
0x3a: {  	v8 =	vadd.s32 $0x64, v4;
	v2 =	vadd.s32 v10, v14;
	v4 =	vor.u32 v6, v16  }
0x3b: {  	[tilespmem:s23+$0x80] =	vst v3;
	v6 =	vshll.u32 v12, $0x8;
	v12 =	vshll.u32 v12, $0x7;
	v10 =	vshll.u32 v2, $0x3  }
0x3c: {  	s3 =	simm.s32 $0x60;
	v13 =	vld.idx.msk [tilespmem:v13+s12+$0x0], $0xffff;
	v14 =	vadd.s32 $0x3C, v5;
	v6 =	vand.u32 $0xFFFFF800, v6;
	v10 =	vand.u32 $0xFFFFFC00, v10;
	[tilespmem:s6+$0x80] =	vst v11  }
0x3d: {  	v11 =	vor.u32 s3, v0;
	v6 =	vadd.s32 v6, v10;
	v10 =	vand.u32 $0x380, v12;
	v12 =	vld.idx.msk [tilespmem:v18+s12+$0x0], $0xffff  }
0x3e: {  	s30 =	simm.s32 $0x70;
	v2 =	vand.u32 $0x7F, v2;
	v4 =	vor.u32 v9, v4;
	v17 =	vmulhi.u32 $0x51EB851F, v11  }
0x3f: {  	v9 =	vadd.s32 $0x14, v20;
	v18 =	vor.u32 s30, v0;
	v6 =	vor.u32 v10, v6;
	v16 =	vld.idx.msk [tilespmem:v7+s12+$0x0], $0xffff  }
0x40: {  	s10 =	simm.s32 $0x100;
	v3 =	vld.idx.msk [tilespmem:v20+s12+$0x0], $0xffff;
	v2 =	vor.u32 v2, v6;
	v6 =	vmulhi.u32 $0x51EB851F, v18;
	v17 =	vshrl.u32 v17, $0x6  }
0x41: {  	s10 =	sand.u32 $0xFC00, s10;
	v26 =	vsub.s32 $0x0, v11;
	[tilespmem:s23+$0x100] =	vst v13;
	v10 =	vadd.s32 $0x14, v7;
	v23 =	vmul.u32 $0xFFFFFF38, v17  }
0x42: {  	s0 =	sand.u32 $0x60, s0;
	s10 =	sadd.s32 $0x4000, s10;
	v15 =	vld.idx.msk [tilespmem:v15+s12+$0x0], $0xffff;
	v24 =	vshrl.u32 v6, $0x6;
	v25 =	vshll.u32 v6, $0x2;
	[tilespmem:s6+$0x100] =	vst v12;
	v12 =	vmov s3  }
0x43: {  	s5 =	sand.u32 $0x70, s5;
	s0 =	sor.u32 s0, s10;
	vm13 =	vne.s32 v23, v26;
	v14 =	vld.idx.msk [tilespmem:v14+s12+$0x0], $0xffff;
	vm12 =	veq.s32 v12, v0;
	v12 =	vmul.u32 $0xFFFFFF38, v24  }
0x44: {  	s22 =	sor.u32 s5, s10;
	v5 =	vadd.s32 $0x64, v5;
	[tilespmem:s0+$0x0] =	vst v16;
	v16 =	vand.u32 $0x7FFFF800, v25;
	v25 =	vld.idx.msk [tilespmem:v4+s2+$0x0], $0xffff;
	vm0 =	vmand vm12, vm13  }
0x45: {  	[tilespmem:s22+$0x0] =	vst v3;
	v3 =	vadd.s32 $0x64, v20;
	v2 =	vld.idx.msk [tilespmem:v2+s2+$0x0], $0xffff;
	v24 =	vsel vm0, $0xFFFFFFFF, v1;
	v12 =	vadd.s32 v18, v12  }
0x46: {  	v6 =	vshll.u32 v6, $0x1;
	v10 =	vld.idx.msk [tilespmem:v10+s12+$0x0], $0xffff;
	v17 =	vadd.s32 v24, v17;
	v4 =	vshll.u32 v12, $0x3  }
0x47: {  	v23 =	vadd.s32 $0x28, v7;
	v18 =	vmul.u32 $0xFFFFFF38, v17;
	v4 =	vand.u32 $0xFFFFFC00, v4  }
0x48: {  	v9 =	vld.idx.msk [tilespmem:v9+s12+$0x0], $0xffff;
	v6 =	vand.u32 $0x380, v6;
	v12 =	vand.u32 $0x7F, v12;
	v16 =	vadd.s32 v16, v4  }
0x49: {  	v4 =	vadd.s32 $0x50, v20;
	[tilespmem:s6+$0x180] =	vst v14;
	v14 =	vshll.u32 v17, $0x8;
	v11 =	vadd.s32 v11, v18  }
0x4a: {  	s5 =	simm.s32 $0x80;
	[tilespmem:s23+$0x180] =	vst v15;
	v17 =	vshll.u32 v17, $0x7;
	v6 =	vor.u32 v6, v16;
	v13 =	vld.idx.msk [tilespmem:v27+s12+$0x0], $0xffff;
	v16 =	vshll.u32 v11, $0x3  }
0x4b: {  	v19 =	vld.idx.msk [tilespmem:v19+s12+$0x0], $0xffff;
	v20 =	vor.u32 s5, v0;
	[tilespmem:s0+$0x80] =	vst v10;
	v10 =	vand.u32 $0xFFFFF800, v14;
	v14 =	vand.u32 $0xFFFFFC00, v16  }
0x4c: {  	v18 =	vld.idx.msk [tilespmem:v23+s12+$0x0], $0xffff;
	v12 =	vor.u32 v12, v6;
	v10 =	vadd.s32 v10, v14;
	v14 =	vand.u32 $0x380, v17  }
0x4d: {  	[tilespmem:s22+$0x80] =	vst v9;
	v11 =	vand.u32 $0x7F, v11;
	v16 =	vadd.s32 $0x3C, v7;
	v17 =	vld.idx.msk [tilespmem:v2+s12+$0x0], $0xffff;
	v10 =	vor.u32 v14, v10  }
0x4e: {  	s11 =	simm.s32 $0x90;
	s25 =	simm.s32 $0x200;
	v29 =	vadd.s32 $0x50, v7;
	v21 =	vld.idx.msk [tilespmem:v21+s12+$0x0], $0xffff;
	v14 =	vmulhi.u32 $0x51EB851F, v20;
	v10 =	vor.u32 v11, v10  }
0x4f: {  	s31 =	sand.u32 $0xFC00, s25;
	v26 =	vor.u32 s11, v0;
	v9 =	vadd.s32 $0x28, v25;
	v24 =	vadd.s32 $0x14, v2;
	v23 =	vld.idx.msk [tilespmem:v25+s12+$0x0], $0xffff;
	[tilespmem:s6+$0x200] =	vst v13  }
0x50: {  	s1 =	sand.u32 $0x60, s29;
	s10 =	sadd.s32 $0x4000, s31;
	v63 =	vadd.s32 $0x28, v2;
	v13 =	vmulhi.u32 $0x51EB851F, v26;
	v14 =	vshrl.u32 v14, $0x6;
	v27 =	vld.idx.msk [tilespmem:v5+s12+$0x0], $0xffff  }
0x51: {  	s1 =	sor.u32 s1, s10;
	v6 =	vadd.s32 $0x3C, v25;
	v5 =	vadd.s32 $0x14, v25;
	[tilespmem:s0+$0x100] =	vst v18;
	v12 =	vld.idx.msk [tilespmem:v12+s2+$0x0], $0xffff;
	v11 =	vmul.u32 $0xFFFFFF38, v14  }
0x52: {  	v18 =	vsub.s32 $0x0, v20;
	v15 =	vshrl.u32 v13, $0x6;
	v16 =	vld.idx.msk [tilespmem:v16+s12+$0x0], $0xffff;
	[tilespmem:s1+$0x0] =	vst v17;
	v17 =	vmov s5  }
0x53: {  	s8 =	sand.u32 $0x70, s8;
	v15 =	vmul.u32 $0xFFFFFF38, v15;
	vm14 =	vne.s32 v11, v18;
	vm15 =	veq.s32 v17, v0;
	v11 =	vld.idx.msk [tilespmem:v10+s2+$0x0], $0xffff  }
0x54: {  	s24 =	sor.u32 s8, s10;
	v28 =	vshll.u32 v13, $0x2;
	v13 =	vshll.u32 v13, $0x1;
	v24 =	vld.idx.msk [tilespmem:v24+s12+$0x0], $0xffff;
	vm0 =	vmand vm15, vm14  }
0x55: {  	[tilespmem:s24+$0x0] =	vst v23;
	v13 =	vand.u32 $0x380, v13;
	v23 =	vadd.s32 v26, v15;
	v17 =	vsel vm0, $0xFFFFFFFF, v1  }
0x56: {  	[tilespmem:s22+$0x100] =	vst v21;
	v10 =	vand.u32 $0x7FFFF800, v28;
	v15 =	vld.idx.msk [tilespmem:v5+s12+$0x0], $0xffff;
	v5 =	vshll.u32 v23, $0x3;
	v26 =	vadd.s32 v17, v14  }
0x57: {  	v18 =	vld.idx.msk [tilespmem:v22+s12+$0x0], $0xffff;
	[tilespmem:s0+$0x180] =	vst v16;
	v14 =	vand.u32 $0x7F, v23;
	v5 =	vand.u32 $0xFFFFFC00, v5;
	v21 =	vmul.u32 $0xFFFFFF38, v26  }
0x58: {  	[tilespmem:s23+$0x200] =	vst v19;
	v16 =	vld.idx.msk [tilespmem:v29+s12+$0x0], $0xffff;
	v19 =	vadd.s32 v10, v5;
	v10 =	vadd.s32 $0x50, v25;
	v5 =	vadd.s32 $0x64, v25  }
0x59: {  	s9 =	simm.s32 $0x8;
	v17 =	vld.idx.msk [tilespmem:v8+s12+$0x0], $0xffff;
	[tilespmem:s1+$0x80] =	vst v24;
	v21 =	vadd.s32 v20, v21;
	v20 =	vor.u32 v13, v19;
	v19 =	vadd.s32 $0x64, v7  }
0x5a: {  	s26 =	sand.u32 $0x70, s30;
	s8 =	sand.u32 $0x70, s11;
	[tilespmem:s6+$0x280] =	vst v27;
	s6 =	simm.s32 $0xB0;
	v8 =	vmovc v12;
	v23 =	vshll.u32 v26, $0x8;
	v22 =	vshll.u32 v26, $0x7;
	v13 =	vld.idx.msk [tilespmem:v63+s12+$0x0], $0xffff;
	v7 =	vmovc v11;
	v24 =	vshll.u32 v21, $0x3  }
.LBB2_2:
0x5b: {  	s10 =	sadd.s32 $0xFFFFFFF0, s6;
	s11 =	sand.u32 $0x70, s6;
	v23 =	vand.u32 $0xFFFFF800, v23;
	v24 =	vand.u32 $0xFFFFFC00, v24;
	v11 =	vld.idx.msk [tilespmem:v11+s12+$0x0], $0xffff;
	v25 =	vadd.s32 $0x3C, v2;
	[tilespmem:s24+$0x80] =	vst v15  }
0x5c: {  	s9 =	sadd.s32 $0x2, s9;
	v22 =	vand.u32 $0x380, v22;
	v26 =	vor.u32 s10, v0;
	v15 =	vadd.s32 v23, v24;
	v12 =	vld.idx.msk [tilespmem:v12+s12+$0x0], $0xffff;
	[tilespmem:s22+$0x180] =	vst v18  }
0x5d: {  	s25 =	sadd.s32 $0x100, s25;
	p0 =	slt.u32 s9, $0x18E;
	v18 =	vand.u32 $0x7F, v21;
	v21 =	vadd.s32 $0x14, v7;
	v15 =	vor.u32 v22, v15;
	v22 =	vld.idx.msk [tilespmem:v9+s12+$0x0], $0xffff;
	[tilespmem:s0+$0x200] =	vst v16  }
0x5e: {  	s13 =	sand.u32 $0xFC00, s25;
	v9 =	vmulhi.u32 $0x51EB851F, v26;
	v16 =	vor.u32 s6, v0;
	v15 =	vor.u32 v18, v15;
	v18 =	vld.idx.msk [tilespmem:v19+s12+$0x0], $0xffff;
	[tilespmem:s23+$0x280] =	vst v17;
	s23 =	smov.u32 s22;
	s22 =	smov.u32 s24  }
0x5f: {  	v14 =	vor.u32 v14, v20;
	s14 =	sand.u32 $0x60, s3;
	s3 =	smov.u32 s5;
	s13 =	sadd.s32 $0x4000, s13;
	v17 =	vmulhi.u32 $0x51EB851F, v16;
	v19 =	vadd.s32 $0x14, v8;
	[tilespmem:s1+$0x100] =	vst v13;
	v13 =	vld.idx.msk [tilespmem:v4+s12+$0x0], $0xffff;
	v4 =	vmovc v10  }
0x60: {  	v20 =	vadd.s32 $0x3C, v8;
	s5 =	smov.u32 s10;
	s14 =	sor.u32 s14, s13;
	s24 =	sor.u32 s26, s13;
	v10 =	vshrl.u32 v9, $0x6;
	v9 =	vadd.s32 $0x28, v8;
	v23 =	vld.idx.msk [tilespmem:v25+s12+$0x0], $0xffff  }
0x61: {  	s26 =	smov.u32 s8;
	s8 =	smov.u32 s11;
	v24 =	vmul.u32 $0xFFFFFF38, v10;
	v25 =	vshrl.u32 v17, $0x6;
	v27 =	vshll.u32 v17, $0x2;
	[tilespmem:s14+$0x0] =	vst v11  }
0x62: {  	v29 =	vadd.s32 $0x50, v2;
	v28 =	vsub.s32 $0x0, v26;
	v11 =	vmov s5;
	v21 =	vld.idx.msk [tilespmem:v21+s12+$0x0], $0xffff;
	[tilespmem:s24+$0x0] =	vst v12  }
0x63: {  	vm0 =	veq.s32 v11, v0;
	vm1 =	vne.s32 v24, v28;
	v24 =	vmul.u32 $0xFFFFFF38, v25;
	v11 =	vld.idx.msk [tilespmem:v15+s2+$0x0], $0xffff;
	[tilespmem:s22+$0x100] =	vst v22  }
0x64: {  	v25 =	vadd.s32 $0x28, v7;
	vm0 =	vmand vm0, vm1;
	v22 =	vand.u32 $0x7FFFF800, v27;
	v12 =	vld.idx.msk [tilespmem:v14+s2+$0x0], $0xffff;
	[tilespmem:s0+$0x280] =	vst v18;
	s0 =	smov.u32 s1;
	s1 =	smov.u32 s14  }
0x65: {  	v17 =	vshll.u32 v17, $0x1;
	v14 =	vsel vm0, $0xFFFFFFFF, v1;
	v16 =	vadd.s32 v16, v24;
	v15 =	vld.idx.msk [tilespmem:v19+s12+$0x0], $0xffff;
	[tilespmem:s23+$0x200] =	vst v13  }
.Ltmp0:
0x66: {  	v27 =	vadd.s32 v14, v10;
	v10 =	vshll.u32 v16, $0x3;
	v13 =	vand.u32 $0x380, v17;
	[tilespmem:s0+$0x180] =	vst v23;
	v18 =	vld.idx.msk [tilespmem:v6+s12+$0x0], $0xffff;
	v6 =	vmovc v20;
	(pc) =	sbr.rel @p0 .LBB2_2-.Ltmp0, $4  }
0x67: {  	v14 =	vand.u32 $0x7F, v16;
	v19 =	vmul.u32 $0xFFFFFF38, v27;
	v10 =	vand.u32 $0xFFFFFC00, v10;
	v16 =	vld.idx.msk [tilespmem:v29+s12+$0x0], $0xffff  }
0x68: {  	v20 =	vadd.s32 v22, v10;
	v10 =	vadd.s32 $0x50, v8;
	[tilespmem:s1+$0x80] =	vst v21;
	v17 =	vld.idx.msk [tilespmem:v3+s12+$0x0], $0xffff;
	v3 =	vmovc v5;
	v5 =	vadd.s32 $0x64, v8  }
0x69: {  	v21 =	vadd.s32 v26, v19;
	v20 =	vor.u32 v13, v20;
	v19 =	vadd.s32 $0x64, v2;
	v2 =	vmovc v7;
	v13 =	vld.idx.msk [tilespmem:v25+s12+$0x0], $0xffff  }
0x6a: {  	s6 =	sadd.s32 $0x20, s6;
	v23 =	vshll.u32 v27, $0x8;
	v22 =	vshll.u32 v27, $0x7;
	v7 =	vmovc v11;
	v24 =	vshll.u32 v21, $0x3;
	v8 =	vmovc v12  }
0x6b: {  	v23 =	vand.u32 $0xFFFFF800, v23;
	v24 =	vand.u32 $0xFFFFFC00, v24  }
0x6c: {  	v22 =	vand.u32 $0x380, v22;
	v23 =	vadd.s32 v23, v24  }
0x6d: {  	v21 =	vand.u32 $0x7F, v21;
	v22 =	vor.u32 v22, v23  }
0x6e: {  	v21 =	vor.u32 v21, v22  }
0x6f: {  	v14 =	vor.u32 v14, v20;
	_ =	sdelay $0x3  }
0x70: {  	v20 =	vld.idx.msk [tilespmem:v21+s2+$0x0], $0xffff  }
0x71: {  	v14 =	vld.idx.msk [tilespmem:v14+s2+$0x0], $0xffff;
	_ =	sdelay $0x3  }
0x72: {  	v11 =	vld.idx.msk [tilespmem:v11+s12+$0x0], $0xffff;
	[tilespmem:s24+$0x80] =	vst v15  }
0x73: {  	v12 =	vld.idx.msk [tilespmem:v12+s12+$0x0], $0xffff;
	v15 =	vadd.s32 $0x14, v7;
	s9 =	sadd.s32 $0x100, s25;
	[tilespmem:s22+$0x180] =	vst v18  }
0x74: {  	v18 =	vadd.s32 $0x14, v8;
	v9 =	vld.idx.msk [tilespmem:v9+s12+$0x0], $0xffff;
	s6 =	sand.u32 $0xFC00, s9;
	[tilespmem:s0+$0x200] =	vst v16  }
0x75: {  	s3 =	sand.u32 $0x60, s3;
	s10 =	sadd.s32 $0x4000, s6;
	[tilespmem:s23+$0x280] =	vst v17;
	v16 =	vld.idx.msk [tilespmem:v20+s12+$0x0], $0xffff  }
0x76: {  	s30 =	sadd.s32 $0x100, s9;
	s6 =	sor.u32 s3, s10;
	[tilespmem:s1+$0x100] =	vst v13;
	v17 =	vld.idx.msk [tilespmem:v14+s12+$0x0], $0xffff;
	v21 =	vadd.s32 $0x14, v20  }
0x77: {  	v4 =	vld.idx.msk [tilespmem:v4+s12+$0x0], $0xffff;
	s31 =	sor.u32 s26, s10;
	s3 =	sand.u32 $0xFC00, s30;
	[tilespmem:s6+$0x0] =	vst v11;
	v11 =	vadd.s32 $0x14, v14  }
0x78: {  	s5 =	sand.u32 $0x60, s5;
	s3 =	sadd.s32 $0x4000, s3;
	[tilespmem:s31+$0x0] =	vst v12;
	v15 =	vld.idx.msk [tilespmem:v15+s12+$0x0], $0xffff  }
0x79: {  	v12 =	vadd.s32 $0x28, v7;
	s11 =	sor.u32 s5, s3;
	v13 =	vld.idx.msk [tilespmem:v18+s12+$0x0], $0xffff;
	[tilespmem:s24+$0x100] =	vst v9  }
0x7a: {  	v19 =	vld.idx.msk [tilespmem:v19+s12+$0x0], $0xffff;
	s3 =	sor.u32 s8, s3;
	v18 =	vadd.s32 $0x28, v8;
	[tilespmem:s11+$0x0] =	vst v16  }
0x7b: {  	v22 =	vadd.s32 $0x3C, v2;
	[tilespmem:s3+$0x0] =	vst v17;
	v16 =	vld.idx.msk [tilespmem:v21+s12+$0x0], $0xffff  }
0x7c: {  	[tilespmem:s22+$0x200] =	vst v4;
	v9 =	vadd.s32 $0x28, v20;
	v11 =	vld.idx.msk [tilespmem:v11+s12+$0x0], $0xffff  }
0x7d: {  	v6 =	vld.idx.msk [tilespmem:v6+s12+$0x0], $0xffff;
	[tilespmem:s6+$0x80] =	vst v15;
	v15 =	vadd.s32 $0x28, v14  }
0x7e: {  	[tilespmem:s31+$0x80] =	vst v13;
	v12 =	vld.idx.msk [tilespmem:v12+s12+$0x0], $0xffff  }
0x7f: {  	[tilespmem:s0+$0x280] =	vst v19;
	v13 =	vadd.s32 $0x3C, v7;
	v18 =	vld.idx.msk [tilespmem:v18+s12+$0x0], $0xffff  }
0x80: {  	v19 =	vadd.s32 $0x3C, v8;
	v17 =	vld.idx.msk [tilespmem:v22+s12+$0x0], $0xffff;
	[tilespmem:s11+$0x80] =	vst v16  }
0x81: {  	v21 =	vadd.s32 $0x50, v2;
	[tilespmem:s3+$0x80] =	vst v11;
	v9 =	vld.idx.msk [tilespmem:v9+s12+$0x0], $0xffff  }
0x82: {  	[tilespmem:s24+$0x180] =	vst v6;
	v11 =	vadd.s32 $0x3C, v20;
	v15 =	vld.idx.msk [tilespmem:v15+s12+$0x0], $0xffff  }
0x83: {  	v10 =	vld.idx.msk [tilespmem:v10+s12+$0x0], $0xffff;
	[tilespmem:s6+$0x100] =	vst v12;
	v12 =	vadd.s32 $0x3C, v14  }
0x84: {  	[tilespmem:s31+$0x100] =	vst v18;
	v13 =	vld.idx.msk [tilespmem:v13+s12+$0x0], $0xffff  }
0x85: {  	v4 =	vadd.s32 $0x50, v7;
	[tilespmem:s1+$0x180] =	vst v17;
	v17 =	vld.idx.msk [tilespmem:v19+s12+$0x0], $0xffff  }
0x86: {  	v18 =	vadd.s32 $0x50, v8;
	v16 =	vld.idx.msk [tilespmem:v21+s12+$0x0], $0xffff;
	[tilespmem:s11+$0x100] =	vst v9  }
0x87: {  	[tilespmem:s3+$0x100] =	vst v15;
	v9 =	vld.idx.msk [tilespmem:v11+s12+$0x0], $0xffff  }
0x88: {  	[tilespmem:s24+$0x200] =	vst v10;
	v11 =	vld.idx.msk [tilespmem:v12+s12+$0x0], $0xffff  }
0x89: {  	v6 =	vadd.s32 $0x50, v20;
	[tilespmem:s6+$0x180] =	vst v13  }
0x8a: {  	s7 =	simm.s32 $0x10;
	v4 =	vld.idx.msk [tilespmem:v4+s12+$0x0], $0xffff;
	[tilespmem:s31+$0x180] =	vst v17;
	v12 =	vadd.s32 $0x50, v14  }
0x8b: {  	s10 =	simm.s32 $0x0;
	v2 =	vadd.s32 $0x64, v2;
	v13 =	vld.idx.msk [tilespmem:v18+s12+$0x0], $0xffff;
	v15 =	vor.u32 s7, v0;
	[tilespmem:s1+$0x200] =	vst v16  }
0x8c: {  	v3 =	vld.idx.msk [tilespmem:v3+s12+$0x0], $0xffff;
	v8 =	vadd.s32 $0x64, v8;
	v16 =	vor.u32 s10, v0;
	[tilespmem:s11+$0x180] =	vst v9;
	v9 =	vmulhi.u32 $0x51EB851F, v15  }
0x8d: {  	s26 =	simm.s32 $0x60;
	v7 =	vadd.s32 $0x64, v7;
	v5 =	vld.idx.msk [tilespmem:v5+s12+$0x0], $0xffff;
	[tilespmem:s3+$0x180] =	vst v11;
	v11 =	vmulhi.u32 $0x51EB851F, v16  }
0x8e: {  	v23 =	vor.u32 s26, v0;
	v10 =	vadd.s32 $0x64, v20;
	v18 =	vsub.s32 $0x0, v16;
	v6 =	vld.idx.msk [tilespmem:v6+s12+$0x0], $0xffff  }
0x8f: {  	[tilespmem:s6+$0x200] =	vst v4;
	v14 =	vadd.s32 $0x64, v14;
	v12 =	vld.idx.msk [tilespmem:v12+s12+$0x0], $0xffff;
	v17 =	vshrl.u32 v9, $0x6;
	v11 =	vshrl.u32 v11, $0x6  }
0x90: {  	v2 =	vld.idx.msk [tilespmem:v2+s12+$0x0], $0xffff;
	[tilespmem:s31+$0x200] =	vst v13;
	v13 =	vshll.u32 v9, $0x2;
	v4 =	vmul.u32 $0xFFFFFF38, v17;
	v17 =	vmul.u32 $0xFFFFFF38, v11  }
0x91: {  	[tilespmem:s22+$0x280] =	vst v3;
	v3 =	vld.idx.msk [tilespmem:v8+s12+$0x0], $0xffff;
	v9 =	vshll.u32 v9, $0x1;
	v8 =	vand.u32 $0x7FFFF800, v13;
	v13 =	vmov s10  }
0x92: {  	[tilespmem:s24+$0x280] =	vst v5;
	v7 =	vld.idx.msk [tilespmem:v7+s12+$0x0], $0xffff;
	v9 =	vand.u32 $0x380, v9;
	vm0 =	veq.s32 v13, v0;
	vm1 =	vne.s32 v17, v18  }
0x93: {  	v8 =	vor.u32 v9, v8;
	v4 =	vadd.s32 v15, v4;
	[tilespmem:s11+$0x200] =	vst v6;
	vm0 =	vmand vm0, vm1  }
0x94: {  	s24 =	simm.s32 $0x40;
	[tilespmem:s3+$0x200] =	vst v12;
	v6 =	vld.idx.msk [tilespmem:v10+s12+$0x0], $0xffff;
	v10 =	vand.u32 $0x7F, v4;
	v4 =	vshll.u32 v4, $0x3;
	v9 =	vsel vm0, $0xFFFFFFFF, v1  }
0x95: {  	s13 =	simm.s32 $0x20;
	[tilespmem:s1+$0x280] =	vst v2;
	v2 =	vld.idx.msk [tilespmem:v14+s12+$0x0], $0xffff;
	v14 =	vor.u32 s24, v0;
	v4 =	vand.u32 $0xFFFFFC00, v4;
	v5 =	vor.u32 v10, v8  }
0x96: {  	v8 =	vadd.s32 v9, v11;
	v11 =	vmov s13;
	v15 =	vmulhi.u32 $0x51EB851F, v14  }
0x97: {  	[tilespmem:s6+$0x280] =	vst v7;
	v4 =	vadd.s32 v4, v5;
	v5 =	vmul.u32 $0xFFFFFF38, v8;
	v7 =	vshll.u32 v8, $0x7  }
0x98: {  	[tilespmem:s31+$0x280] =	vst v3;
	vm8 =	veq.s32 v11, v0;
	v3 =	vadd.s32 $0x2000, v4;
	v4 =	vshll.u32 v8, $0x8  }
0x99: {  	s8 =	simm.s32 $0x30;
	v8 =	vor.u32 s13, v0;
	v4 =	vand.u32 $0xFFFFF800, v4;
	[tilespmem:s11+$0x280] =	vst v6;
	v6 =	vand.u32 $0x380, v7  }
0x9a: {  	v5 =	vadd.s32 v16, v5;
	v4 =	vor.u32 v6, v4;
	v6 =	vor.u32 s8, v0  }
0x9b: {  	[tilespmem:s3+$0x280] =	vst v2;
	v2 =	vand.u32 $0x7F, v5;
	v5 =	vshll.u32 v5, $0x3;
	v7 =	vmulhi.u32 $0x51EB851F, v6  }
0x9c: {  	s11 =	simm.s32 $0x0;
	s5 =	rddreg [dreg:$0x5];
	v5 =	vand.u32 $0xFFFFFC00, v5;
	v2 =	vor.u32 v2, v4;
	v4 =	vmulhi.u32 $0x51EB851F, v8  }
0x9d: {  	v15 =	vshrl.u32 v15, $0x6;
	v12 =	vsub.s32 $0x0, v8;
	[tilespmem:s11], [sflag:$0x1] =	stream.linear.gather [hbm4b:s5+s11], $0x2000, $0x38;
	v2 =	vadd.s32 v5, v2;
	[tilespmem:$0x1D080] =	vst v63  }
0x9e: {  	s16 =	simm.s32 $0x4000;
	s14 =	rddreg [dreg:$0x6];
	v5 =	vshrl.u32 v7, $0x6;
	v2 =	vadd.s32 $0x2000, v2;
	v4 =	vshrl.u32 v4, $0x6  }
0x9f: {  	[hbm4b:s14+s11] =	stream.linear.scatter [tilespmem:s16], [sflag:$0x3], $0xC800, $0x38;
	v9 =	vshll.u32 v7, $0x2;
	v5 =	vmul.u32 $0xFFFFFF38, v5;
	v10 =	vmul.u32 $0xFFFFFF38, v4;
	[tilespmem:$0x1D080] =	vst v63  }
0xa0: {  	v19 =	vmul.u32 $0xFFFFFF38, v15;
	v7 =	vshll.u32 v7, $0x1;
	_ =	swait.ge [sflag:s17], $0x2000;
	v9 =	vand.u32 $0x7FFFF800, v9  }
0xa1: {  	[sflag:s17] =	ssyncset.done $0x0;
	v5 =	vadd.s32 v6, v5;
	vm9 =	vne.s32 v10, v12;
	v6 =	vand.u32 $0x380, v7  }
0xa2: {  	[sflag:s17] =	ssyncadd.s32 $0xFFFFE000;
	v7 =	vand.u32 $0x7F, v5;
	vm0 =	vmand vm8, vm9;
	v6 =	vor.u32 v6, v9  }
0xa3: {  	v5 =	vshll.u32 v5, $0x3;
	v9 =	vsel vm0, $0xFFFFFFFF, v1;
	v7 =	vor.u32 v7, v6;
	v6 =	vld.idx.msk [tilespmem:v2+s2+$0x0], $0xffff  }
0xa4: {  	v21 =	vsub.s32 $0x0, v14;
	v5 =	vand.u32 $0xFFFFFC00, v5;
	v4 =	vadd.s32 v9, v4  }
0xa5: {  	vm11 =	vne.s32 v19, v21;
	s5 =	simm.s32 $0x50;
	v3 =	vld.idx.msk [tilespmem:v3+s2+$0x0], $0xffff;
	v2 =	vadd.s32 v5, v7;
	v5 =	vmul.u32 $0xFFFFFF38, v4  }
0xa6: {  	v12 =	vor.u32 s5, v0;
	v9 =	vshll.u32 v4, $0x8;
	v4 =	vshll.u32 v4, $0x7  }
0xa7: {  	v4 =	vand.u32 $0x380, v4;
	v5 =	vadd.s32 v8, v5;
	v8 =	vand.u32 $0xFFFFF800, v9  }
0xa8: {  	v9 =	vshll.u32 v5, $0x3;
	v5 =	vand.u32 $0x7F, v5;
	v4 =	vor.u32 v4, v8  }
0xa9: {  	v2 =	vadd.s32 $0x2000, v2;
	v8 =	vand.u32 $0xFFFFFC00, v9;
	v4 =	vor.u32 v5, v4  }
0xaa: {  	v13 =	vadd.s32 $0x14, v3;
	v7 =	vadd.s32 $0x28, v3;
	v4 =	vadd.s32 v8, v4  }
0xab: {  	v11 =	vadd.s32 $0x50, v3;
	v8 =	vmulhi.u32 $0x51EB851F, v12;
	v4 =	vadd.s32 $0x2000, v4;
	v17 =	vld.idx.msk [tilespmem:v6+s12+$0x0], $0xffff  }
0xac: {  	v10 =	vadd.s32 $0x64, v3;
	v9 =	vadd.s32 $0x14, v6;
	v5 =	vadd.s32 $0x3C, v3  }
0xad: {  	s1 =	sand.u32 $0xFC00, s11;
	v16 =	vshrl.u32 v8, $0x6;
	v18 =	vshll.u32 v8, $0x2;
	v8 =	vshll.u32 v8, $0x1  }
0xae: {  	s0 =	sand.u32 $0x60, s10;
	s18 =	sadd.s32 $0x10800, s1;
	v20 =	vld.idx.msk [tilespmem:v2+s2+$0x0], $0xffff;
	v16 =	vmul.u32 $0xFFFFFF38, v16;
	v2 =	vand.u32 $0x380, v8;
	v8 =	vmov s24  }
0xaf: {  	s21 =	sor.u32 s0, s18;
	v18 =	vand.u32 $0x7FFFF800, v18;
	vm10 =	veq.s32 v8, v0;
	v8 =	vadd.s32 $0x28, v6  }
0xb0: {  	v2 =	vor.u32 v2, v18;
	v16 =	vadd.s32 v12, v16;
	vm0 =	vmand vm10, vm11;
	[tilespmem:s21+$0x0] =	vst v17;
	v12 =	vld.idx.msk [tilespmem:v4+s2+$0x0], $0xffff  }
0xb1: {  	v19 =	vand.u32 $0x7F, v16;
	v4 =	vshll.u32 v16, $0x3;
	v16 =	vsel vm0, $0xFFFFFFFF, v1;
	v17 =	vld.idx.msk [tilespmem:v9+s12+$0x0], $0xffff  }
0xb2: {  	v4 =	vand.u32 $0xFFFFFC00, v4;
	v2 =	vor.u32 v19, v2;
	v15 =	vadd.s32 v16, v15  }
0xb3: {  	v16 =	vadd.s32 $0x14, v20;
	v2 =	vadd.s32 v4, v2;
	v4 =	vmul.u32 $0xFFFFFF38, v15  }
0xb4: {  	s22 =	sadd.s32 $0x10880, s1;
	v3 =	vld.idx.msk [tilespmem:v3+s12+$0x0], $0xffff;
	v18 =	vadd.s32 $0x2000, v2;
	v2 =	vshll.u32 v15, $0x8;
	v15 =	vshll.u32 v15, $0x7  }
0xb5: {  	s23 =	sor.u32 s0, s22;
	v4 =	vadd.s32 v14, v4;
	v2 =	vand.u32 $0xFFFFF800, v2;
	v14 =	vand.u32 $0x380, v15  }
0xb6: {  	v15 =	vshll.u32 v4, $0x3;
	v4 =	vand.u32 $0x7F, v4;
	v2 =	vor.u32 v14, v2;
	[tilespmem:s23+$0x0] =	vst v17  }
0xb7: {  	s30 =	sand.u32 $0x70, s7;
	v9 =	vadd.s32 $0x28, v20;
	v14 =	vand.u32 $0xFFFFFC00, v15;
	v2 =	vor.u32 v4, v2;
	v8 =	vld.idx.msk [tilespmem:v8+s12+$0x0], $0xffff  }
0xb8: {  	s6 =	simm.s32 $0x70;
	s3 =	sor.u32 s30, s18;
	v19 =	vadd.s32 $0x3C, v6;
	v15 =	vadd.s32 $0x14, v12;
	v2 =	vadd.s32 v14, v2  }
0xb9: {  	s25 =	simm.s32 $0x100;
	[tilespmem:s3+$0x0] =	vst v3;
	v17 =	vor.u32 s6, v0;
	v4 =	vadd.s32 $0x50, v20;
	v21 =	vld.idx.msk [tilespmem:v12+s12+$0x0], $0xffff;
	v3 =	vadd.s32 $0x2000, v2  }
0xba: {  	s29 =	sand.u32 $0xFC00, s25;
	s31 =	sadd.s32 $0x10900, s1;
	v14 =	vadd.s32 $0x3C, v20;
	v22 =	vmulhi.u32 $0x51EB851F, v17;
	v2 =	vadd.s32 $0x64, v20;
	v20 =	vld.idx.msk [tilespmem:v20+s12+$0x0], $0xffff  }
0xbb: {  	s28 =	sand.u32 $0x60, s13;
	v52 =	vmov s26;
	v49 =	vmulhi.u32 $0x51EB851F, v23;
	s13 =	sadd.s32 $0x10800, s29;
	s7 =	sor.u32 s0, s31;
	v13 =	vld.idx.msk [tilespmem:v13+s12+$0x0], $0xffff  }
0xbc: {  	v28 =	vsub.s32 $0x0, v23;
	vm12 =	veq.s32 v52, v0;
	s14 =	sor.u32 s28, s13;
	v18 =	vld.idx.msk [tilespmem:v18+s2+$0x0], $0xffff;
	v25 =	vshrl.u32 v22, $0x6;
	[tilespmem:s7+$0x0] =	vst v8  }
0xbd: {  	s16 =	sor.u32 s30, s22;
	s22 =	sand.u32 $0x70, s8;
	s8 =	simm.s32 $0x90;
	v27 =	vshll.u32 v22, $0x2;
	v8 =	vshll.u32 v22, $0x1;
	v22 =	vshrl.u32 v49, $0x6;
	v19 =	vld.idx.msk [tilespmem:v19+s12+$0x0], $0xffff  }
0xbe: {  	s9 =	sor.u32 s22, s13;
	v55 =	vor.u32 s8, v0;
	v25 =	vmul.u32 $0xFFFFFF38, v25;
	[tilespmem:s14+$0x0] =	vst v21;
	v21 =	vmul.u32 $0xFFFFFF38, v22;
	v3 =	vld.idx.msk [tilespmem:v3+s2+$0x0], $0xffff  }
0xbf: {  	v26 =	vadd.s32 $0x50, v6;
	v51 =	vadd.s32 $0x28, v12;
	v50 =	vand.u32 $0x7FFFF800, v27;
	[tilespmem:s9+$0x0] =	vst v20;
	v15 =	vld.idx.msk [tilespmem:v15+s12+$0x0], $0xffff  }
0xc0: {  	v17 =	vadd.s32 v17, v25;
	v8 =	vand.u32 $0x380, v8;
	v16 =	vld.idx.msk [tilespmem:v16+s12+$0x0], $0xffff;
	vm13 =	vne.s32 v21, v28  }
0xc1: {  	s11 =	sadd.s32 $0x10980, s1;
	v29 =	vand.u32 $0x7F, v17;
	v17 =	vshll.u32 v17, $0x3;
	vm0 =	vmand vm12, vm13  }
0xc2: {  	s18 =	sor.u32 s0, s11;
	s21 =	sadd.s32 $0x10880, s29;
	[tilespmem:s16+$0x0] =	vst v13;
	v8 =	vor.u32 v8, v50;
	v13 =	vand.u32 $0xFFFFFC00, v17;
	v17 =	vsel vm0, $0xFFFFFFFF, v1  }
0xc3: {  	v6 =	vadd.s32 $0x64, v6;
	s25 =	sor.u32 s28, s21;
	v7 =	vld.idx.msk [tilespmem:v7+s12+$0x0], $0xffff;
	v8 =	vor.u32 v29, v8;
	[tilespmem:s18+$0x0] =	vst v19;
	v17 =	vadd.s32 v17, v22  }
0xc4: {  	s10 =	sor.u32 s22, s21;
	v21 =	vadd.s32 $0x3C, v12;
	v8 =	vadd.s32 v13, v8;
	v13 =	vld.idx.msk [tilespmem:v26+s12+$0x0], $0xffff;
	v20 =	vmul.u32 $0xFFFFFF38, v17;
	[tilespmem:s25+$0x0] =	vst v15  }
0xc5: {  	v8 =	vadd.s32 $0x2000, v8;
	v15 =	vshll.u32 v17, $0x8;
	v17 =	vshll.u32 v17, $0x7;
	[tilespmem:s10+$0x0] =	vst v16;
	v22 =	vld.idx.msk [tilespmem:v51+s12+$0x0], $0xffff  }
0xc6: {  	v15 =	vand.u32 $0xFFFFF800, v15;
	v17 =	vand.u32 $0x380, v17;
	v59 =	vld.idx.msk [tilespmem:v9+s12+$0x0], $0xffff;
	v20 =	vadd.s32 v23, v20  }
0xc7: {  	s3 =	sor.u32 s30, s31;
	s9 =	sadd.s32 $0x10A00, s1;
	v23 =	vld.idx.msk [tilespmem:v18+s12+$0x0], $0xffff;
	v15 =	vor.u32 v17, v15;
	v53 =	vand.u32 $0x7F, v20;
	v17 =	vshll.u32 v20, $0x3  }
0xc8: {  	v56 =	vmulhi.u32 $0x51EB851F, v55;
	[tilespmem:s3+$0x0] =	vst v7;
	s3 =	simm.s32 $0x80;
	s31 =	sor.u32 s0, s9;
	v20 =	vld.idx.msk [tilespmem:v3+s12+$0x0], $0xffff;
	v7 =	vand.u32 $0xFFFFFC00, v17;
	v15 =	vor.u32 v53, v15  }
0xc9: {  	s13 =	sadd.s32 $0x10900, s29;
	v58 =	vor.u32 s3, v0;
	s14 =	simm.s32 $0x200;
	v17 =	vld.idx.msk [tilespmem:v5+s12+$0x0], $0xffff;
	[tilespmem:s31+$0x0] =	vst v13;
	v13 =	vadd.s32 $0x14, v3;
	v5 =	vadd.s32 v7, v15  }
0xca: {  	s16 =	sor.u32 s28, s13;
	v54 =	vadd.s32 $0x28, v18;
	s23 =	sand.u32 $0xFC00, s14;
	v19 =	vadd.s32 $0x14, v18;
	v7 =	vld.idx.msk [tilespmem:v8+s2+$0x0], $0xffff;
	v57 =	vadd.s32 $0x2000, v5  }
0xcb: {  	s24 =	sand.u32 $0x60, s24;
	s14 =	sadd.s32 $0x10800, s23;
	v8 =	vadd.s32 $0x3C, v18;
	v15 =	vld.idx.msk [tilespmem:v6+s12+$0x0], $0xffff;
	[tilespmem:s16+$0x0] =	vst v22;
	v6 =	vadd.s32 $0x50, v18;
	v22 =	vmulhi.u32 $0x51EB851F, v58  }
0xcc: {  	s7 =	sor.u32 s24, s14;
	v5 =	vadd.s32 $0x64, v18;
	v18 =	vshrl.u32 v56, $0x6;
	v16 =	vld.idx.msk [tilespmem:v21+s12+$0x0], $0xffff;
	v21 =	vadd.s32 $0x50, v12  }
0xcd: {  	s31 =	sor.u32 s22, s13;
	v9 =	vmul.u32 $0xFFFFFF38, v18;
	v18 =	vshll.u32 v56, $0x2;
	[tilespmem:s7+$0x0] =	vst v20;
	v20 =	vshrl.u32 v22, $0x6  }
0xce: {  	s25 =	sand.u32 $0x70, s5;
	s16 =	sor.u32 s30, s11;
	[tilespmem:s31+$0x0] =	vst v59;
	v22 =	vshll.u32 v56, $0x1;
	v60 =	vld.idx.msk [tilespmem:v13+s12+$0x0], $0xffff;
	v13 =	vand.u32 $0x7FFFF800, v18;
	v18 =	vmul.u32 $0xFFFFFF38, v20  }
0xcf: {  	v61 =	vsub.s32 $0x0, v58;
	s10 =	sadd.s32 $0x10980, s29;
	s18 =	sor.u32 s25, s14;
	[tilespmem:s16+$0x0] =	vst v17;
	v17 =	vand.u32 $0x380, v22;
	v22 =	vadd.s32 v55, v9;
	v9 =	vld.idx.msk [tilespmem:v57+s2+$0x0], $0xffff  }
0xd0: {  	s21 =	sor.u32 s28, s10;
	[tilespmem:s18+$0x0] =	vst v23;
	v23 =	vadd.s32 $0x28, v3;
	v11 =	vld.idx.msk [tilespmem:v11+s12+$0x0], $0xffff;
	vm14 =	vne.s32 v18, v61;
	v18 =	vmov s3  }
0xd1: {  	v63 =	vld.idx.msk [tilespmem:v14+s12+$0x0], $0xffff;
	v17 =	vor.u32 v17, v13;
	[tilespmem:s21+$0x0] =	vst v16;
	v16 =	vand.u32 $0x7F, v22;
	vm15 =	veq.s32 v18, v0  }
0xd2: {  	s7 =	sadd.s32 $0x10880, s23;
	v18 =	vshll.u32 v22, $0x3;
	v21 =	vld.idx.msk [tilespmem:v21+s12+$0x0], $0xffff;
	v16 =	vor.u32 v16, v17;
	vm0 =	vmand vm15, vm14  }
0xd3: {  	v62 =	vld.idx.msk [tilespmem:v19+s12+$0x0], $0xffff;
	s13 =	sor.u32 s24, s7;
	v22 =	vadd.s32 $0x64, v12;
	v18 =	vand.u32 $0xFFFFFC00, v18;
	v19 =	vsel vm0, $0xFFFFFFFF, v1  }
0xd4: {  	s9 =	sor.u32 s30, s9;
	s14 =	sadd.s32 $0x10A80, s1;
	v13 =	vld.idx.msk [tilespmem:v7+s12+$0x0], $0xffff;
	v12 =	vadd.s32 $0x14, v7;
	[tilespmem:s13+$0x0] =	vst v60;
	v17 =	vadd.s32 v18, v16;
	v14 =	vadd.s32 v19, v20  }
0xd5: {  	s18 =	sadd.s32 $0x10A00, s29;
	s16 =	sor.u32 s0, s14;
	[tilespmem:s9+$0x0] =	vst v11;
	v11 =	vadd.s32 $0x28, v7;
	v16 =	vld.idx.msk [tilespmem:v23+s12+$0x0], $0xffff;
	v19 =	vadd.s32 $0x2000, v17;
	v18 =	vmul.u32 $0xFFFFFF38, v14  }
0xd6: {  	s1 =	sand.u32 $0x70, s6;
	s6 =	simm.s32 $0x8;
	[tilespmem:s16+$0x0] =	vst v15;
	s21 =	sor.u32 s28, s18;
	v17 =	vld.idx.msk [tilespmem:v10+s12+$0x0], $0xffff;
	v10 =	vadd.s32 $0x3C, v3;
	v15 =	vshll.u32 v14, $0x8;
	v14 =	vshll.u32 v14, $0x7  }
0xd7: {  	s31 =	sor.u32 s22, s10;
	s9 =	sor.u32 s30, s14;
	s30 =	sor.u32 s25, s7;
	v15 =	vand.u32 $0xFFFFF800, v15;
	v14 =	vand.u32 $0x380, v14;
	[tilespmem:s21+$0x0] =	vst v21;
	v20 =	vadd.s32 v58, v18;
	v18 =	vld.idx.msk [tilespmem:v9+s12+$0x0], $0xffff  }
0xd8: {  	s11 =	simm.s32 $0xB0;
	s5 =	sor.u32 s22, s18;
	s13 =	sadd.s32 $0x10900, s23;
	[tilespmem:s30+$0x0] =	vst v62;
	v14 =	vor.u32 v14, v15;
	v15 =	vld.idx.msk [tilespmem:v22+s12+$0x0], $0xffff;
	v23 =	vand.u32 $0x7F, v20;
	v20 =	vshll.u32 v20, $0x3  }
0xd9: {  	s0 =	sand.u32 $0x70, s8;
	s8 =	simm.s32 $0x300;
	[tilespmem:s31+$0x0] =	vst v63;
	s10 =	sor.u32 s24, s13;
	v21 =	vand.u32 $0xFFFFFC00, v20;
	v22 =	vor.u32 v23, v14;
	v20 =	vadd.s32 $0x14, v9;
	v14 =	vld.idx.msk [tilespmem:v54+s12+$0x0], $0xffff  }
.LBB2_4:
0xda: {  	s21 =	sadd.s32 $0xFFFFFFF0, s11;
	v23 =	vor.u32 s11, v0;
	s18 =	sand.u32 $0x70, s11;
	v21 =	vadd.s32 v21, v22;
	v19 =	vld.idx.msk [tilespmem:v19+s2+$0x0], $0xffff;
	s14 =	sand.u32 $0xFC00, s8;
	v22 =	vadd.s32 $0x3C, v7;
	[tilespmem:s10+$0x0] =	vst v16  }
0xdb: {  	s6 =	sadd.s32 $0x2, s6;
	s16 =	sand.u32 $0x60, s26;
	v24 =	vadd.s32 $0x50, v7;
	v16 =	vmulhi.u32 $0x51EB851F, v23;
	v21 =	vadd.s32 $0x2000, v21;
	s10 =	sadd.s32 $0x10800, s14;
	v10 =	vld.idx.msk [tilespmem:v10+s12+$0x0], $0xffff;
	[tilespmem:s9+$0x0] =	vst v17  }
0xdc: {  	v26 =	vadd.s32 $0x64, v7;
	s26 =	sadd.s32 $0x10A80, s29;
	v25 =	vor.u32 s21, v0;
	p0 =	slt.u32 s6, $0x18E;
	s9 =	sor.u32 s16, s10;
	v17 =	vld.idx.msk [tilespmem:v4+s12+$0x0], $0xffff;
	v4 =	vmovc v6;
	v6 =	vmov v24  }
0xdd: {  	s13 =	sor.u32 s25, s13;
	v28 =	vmulhi.u32 $0x51EB851F, v25;
	s10 =	sor.u32 s1, s10;
	v24 =	vshrl.u32 v16, $0x6;
	[tilespmem:s9+$0x0] =	vst v18;
	v18 =	vadd.s32 $0x50, v3;
	s9 =	sor.u32 s28, s26  }
0xde: {  	v27 =	vshll.u32 v16, $0x2;
	v16 =	vshll.u32 v16, $0x1;
	v24 =	vmul.u32 $0xFFFFFF38, v24;
	v20 =	vld.idx.msk [tilespmem:v20+s12+$0x0], $0xffff;
	[tilespmem:s9+$0x0] =	vst v15;
	s9 =	sor.u32 s22, s26;
	s26 =	smov.u32 s3;
	s3 =	smov.u32 s21  }
0xdf: {  	v15 =	vshrl.u32 v28, $0x6;
	v27 =	vand.u32 $0x7FFFF800, v27;
	v16 =	vand.u32 $0x380, v16;
	s22 =	smov.u32 s25;
	s25 =	smov.u32 s1;
	[tilespmem:s10+$0x0] =	vst v13;
	s10 =	sadd.s32 $0x10980, s23  }
0xe0: {  	s1 =	smov.u32 s0;
	v13 =	vmul.u32 $0xFFFFFF38, v15;
	v7 =	vmovc v19;
	v23 =	vadd.s32 v23, v24;
	v21 =	vld.idx.msk [tilespmem:v21+s2+$0x0], $0xffff;
	v24 =	vadd.s32 $0x28, v9;
	s28 =	sor.u32 s24, s10;
	[tilespmem:s13+$0x0] =	vst v14;
	s21 =	sor.u32 s22, s10  }
0xe1: {  	s29 =	smov.u32 s23;
	v28 =	vsub.s32 $0x0, v25;
	s0 =	smov.u32 s18;
	s23 =	smov.u32 s14;
	v14 =	vmov s3;
	v29 =	vand.u32 $0x7F, v23;
	v30 =	vld.idx.msk [tilespmem:v12+s12+$0x0], $0xffff;
	[tilespmem:s28+$0x0] =	vst v10  }
0xe2: {  	s10 =	sadd.s32 $0x10880, s23;
	vm0 =	veq.s32 v14, v0;
	vm1 =	vne.s32 v13, v28;
	v10 =	vshll.u32 v23, $0x3;
	s28 =	smov.u32 s24;
	s24 =	smov.u32 s16;
	v14 =	vld.idx.msk [tilespmem:v18+s12+$0x0], $0xffff;
	[tilespmem:s5+$0x0] =	vst v17  }
0xe3: {  	v12 =	vor.u32 v16, v27;
	vm0 =	vmand vm0, vm1;
	v10 =	vand.u32 $0xFFFFFC00, v10;
	s5 =	sor.u32 s24, s10;
	s10 =	sor.u32 s25, s10;
	v13 =	vld.idx.msk [tilespmem:v19+s12+$0x0], $0xffff  }
0xe4: {  	v12 =	vor.u32 v29, v12;
	v16 =	vsel vm0, $0xFFFFFFFF, v1;
	[tilespmem:s5+$0x0] =	vst v20;
	v20 =	vadd.s32 $0x64, v3;
	v23 =	vld.idx.msk [tilespmem:v8+s12+$0x0], $0xffff;
	v8 =	vmovc v22  }
0xe5: {  	v10 =	vadd.s32 v10, v12;
	v12 =	vadd.s32 $0x14, v7;
	v15 =	vadd.s32 v16, v15;
	v3 =	vmovc v9;
	v16 =	vld.idx.msk [tilespmem:v24+s12+$0x0], $0xffff  }
.Ltmp1:
0xe6: {  	v19 =	vadd.s32 $0x2000, v10;
	s5 =	sadd.s32 $0x10A00, s29;
	v18 =	vmul.u32 $0xFFFFFF38, v15;
	v24 =	vadd.s32 $0x28, v7;
	v17 =	vld.idx.msk [tilespmem:v2+s12+$0x0], $0xffff;
	v2 =	vmovc v5;
	v5 =	vmovc v26;
	(pc) =	sbr.rel @p0 .LBB2_4-.Ltmp1, $4  }
0xe7: {  	v22 =	vshll.u32 v15, $0x8;
	v15 =	vshll.u32 v15, $0x7;
	v10 =	vadd.s32 $0x3C, v3;
	v9 =	vmovc v21;
	[tilespmem:s10+$0x0] =	vst v30;
	s10 =	sor.u32 s28, s5;
	s5 =	sor.u32 s22, s5  }
0xe8: {  	v22 =	vand.u32 $0xFFFFF800, v22;
	v15 =	vand.u32 $0x380, v15;
	v25 =	vadd.s32 v25, v18;
	v18 =	vld.idx.msk [tilespmem:v21+s12+$0x0], $0xffff;
	[tilespmem:s10+$0x0] =	vst v14  }
0xe9: {  	s13 =	sadd.s32 $0x10900, s23;
	v22 =	vor.u32 v15, v22;
	v14 =	vand.u32 $0x7F, v25;
	v21 =	vshll.u32 v25, $0x3;
	v15 =	vld.idx.msk [tilespmem:v20+s12+$0x0], $0xffff  }
0xea: {  	s11 =	sadd.s32 $0x20, s11;
	s8 =	sadd.s32 $0x100, s8;
	s10 =	sor.u32 s24, s13;
	v21 =	vand.u32 $0xFFFFFC00, v21;
	v22 =	vor.u32 v14, v22;
	v20 =	vadd.s32 $0x14, v9;
	v14 =	vld.idx.msk [tilespmem:v11+s12+$0x0], $0xffff;
	[tilespmem:s21+$0x0] =	vst v23;
	v11 =	vmovc v24  }
0xeb: {  	_ = 	snop  }
0xec: {  	v21 =	vadd.s32 v21, v22  }
0xed: {  	v21 =	vadd.s32 $0x2000, v21;
	_ =	sdelay $0x1  }
0xee: {  	v19 =	vld.idx.msk [tilespmem:v19+s2+$0x0], $0xffff;
	_ =	sdelay $0x2  }
0xef: {  	v21 =	vld.idx.msk [tilespmem:v21+s2+$0x0], $0xffff;
	_ =	sdelay $0x4  }
0xf0: {  	v42 =	vld.idx.msk [tilespmem:v19+s12+$0x0], $0xffff  }
0xf1: {  	s6 =	sand.u32 $0xFC00, s8;
	s21 =	sadd.s32 $0x100, s8;
	v43 =	vadd.s32 $0x14, v19  }
0xf2: {  	[tilespmem:s10+$0x0] =	vst v16;
	s11 =	sand.u32 $0x60, s26;
	s18 =	sadd.s32 $0x10800, s6;
	s8 =	sand.u32 $0xFC00, s21  }
0xf3: {  	[tilespmem:s9+$0x0] =	vst v17;
	s26 =	sor.u32 s11, s18;
	s31 =	sadd.s32 $0x10800, s8;
	v41 =	vld.idx.msk [tilespmem:v21+s12+$0x0], $0xffff  }
0xf4: {  	[tilespmem:s26+$0x0] =	vst v18;
	s10 =	sor.u32 s0, s31;
	v23 =	vadd.s32 $0x14, v21  }
0xf5: {  	s9 =	sadd.s32 $0x10A80, s29;
	v4 =	vld.idx.msk [tilespmem:v4+s12+$0x0], $0xffff;
	s30 =	sor.u32 s1, s18;
	[tilespmem:s10+$0x0] =	vst v42  }
0xf6: {  	s3 =	sand.u32 $0x60, s3;
	s7 =	sor.u32 s28, s9;
	[tilespmem:s30+$0x0] =	vst v13;
	v16 =	vld.idx.msk [tilespmem:v43+s12+$0x0], $0xffff  }
0xf7: {  	s14 =	sor.u32 s3, s31;
	[tilespmem:s7+$0x0] =	vst v15;
	v18 =	vld.idx.msk [tilespmem:v20+s12+$0x0], $0xffff;
	v47 =	vadd.s32 $0x28, v19  }
0xf8: {  	v44 =	vadd.s32 $0x28, v9;
	s13 =	sor.u32 s25, s13;
	v12 =	vld.idx.msk [tilespmem:v12+s12+$0x0], $0xffff;
	[tilespmem:s14+$0x0] =	vst v41  }
0xf9: {  	s18 =	sadd.s32 $0x10880, s8;
	[tilespmem:s13+$0x0] =	vst v14;
	v45 =	vld.idx.msk [tilespmem:v23+s12+$0x0], $0xffff  }
0xfa: {  	v10 =	vld.idx.msk [tilespmem:v10+s12+$0x0], $0xffff;
	[tilespmem:s5+$0x0] =	vst v4;
	v46 =	vadd.s32 $0x28, v21;
	s10 =	sor.u32 s0, s18;
	s14 =	sadd.s32 $0x10880, s6  }
0xfb: {  	v8 =	vld.idx.msk [tilespmem:v8+s12+$0x0], $0xffff;
	[tilespmem:s10+$0x0] =	vst v16;
	s16 =	sor.u32 s11, s14  }
0xfc: {  	v48 =	vadd.s32 $0x50, v3;
	s13 =	sor.u32 s1, s14;
	v14 =	vld.idx.msk [tilespmem:v47+s12+$0x0], $0xffff;
	[tilespmem:s16+$0x0] =	vst v18  }
0xfd: {  	s21 =	sor.u32 s3, s18;
	s26 =	sadd.s32 $0x10980, s23;
	v53 =	vadd.s32 $0x3C, v19;
	[tilespmem:s13+$0x0] =	vst v12;
	v13 =	vld.idx.msk [tilespmem:v44+s12+$0x0], $0xffff  }
0xfe: {  	v49 =	vadd.s32 $0x3C, v9;
	s28 =	sor.u32 s24, s26;
	v11 =	vld.idx.msk [tilespmem:v11+s12+$0x0], $0xffff;
	[tilespmem:s21+$0x0] =	vst v45  }
0xff: {  	v50 =	vadd.s32 $0x3C, v7;
	s7 =	sadd.s32 $0x10900, s8;
	s26 =	sor.u32 s25, s26;
	[tilespmem:s28+$0x0] =	vst v10;
	v15 =	vld.idx.msk [tilespmem:v46+s12+$0x0], $0xffff  }
0x100: {  	s29 =	sadd.s32 $0x10900, s6;
	v2 =	vld.idx.msk [tilespmem:v2+s12+$0x0], $0xffff;
	[tilespmem:s26+$0x0] =	vst v8;
	v51 =	vadd.s32 $0x3C, v21;
	s18 =	sor.u32 s0, s7  }
0x101: {  	s30 =	sor.u32 s11, s29;
	v52 =	vld.idx.msk [tilespmem:v48+s12+$0x0], $0xffff;
	[tilespmem:s18+$0x0] =	vst v14  }
0x102: {  	v3 =	vadd.s32 $0x64, v3;
	s31 =	sor.u32 s1, s29;
	v4 =	vld.idx.msk [tilespmem:v53+s12+$0x0], $0xffff;
	[tilespmem:s30+$0x0] =	vst v13  }
0x103: {  	v58 =	vadd.s32 $0x50, v19;
	s13 =	sor.u32 s3, s7;
	[tilespmem:s31+$0x0] =	vst v11;
	v12 =	vld.idx.msk [tilespmem:v49+s12+$0x0], $0xffff  }
0x104: {  	v54 =	vadd.s32 $0x50, v9;
	s9 =	sor.u32 s22, s9;
	s16 =	sadd.s32 $0x10A00, s23;
	v55 =	vld.idx.msk [tilespmem:v50+s12+$0x0], $0xffff;
	[tilespmem:s13+$0x0] =	vst v15  }
0x105: {  	v56 =	vadd.s32 $0x50, v7;
	[tilespmem:s9+$0x0] =	vst v2;
	s21 =	sor.u32 s24, s16;
	s30 =	sadd.s32 $0x10980, s8;
	v10 =	vld.idx.msk [tilespmem:v51+s12+$0x0], $0xffff  }
0x106: {  	s28 =	sadd.s32 $0x10980, s6;
	v57 =	vadd.s32 $0x50, v21;
	v6 =	vld.idx.msk [tilespmem:v6+s12+$0x0], $0xffff;
	[tilespmem:s21+$0x0] =	vst v52;
	s5 =	sor.u32 s0, s30  }
0x107: {  	s29 =	sor.u32 s11, s28;
	v3 =	vld.idx.msk [tilespmem:v3+s12+$0x0], $0xffff;
	[tilespmem:s5+$0x0] =	vst v4  }
0x108: {  	s10 =	sor.u32 s1, s28;
	v4 =	vld.idx.msk [tilespmem:v58+s12+$0x0], $0xffff;
	[tilespmem:s29+$0x0] =	vst v12  }
0x109: {  	v62 =	vadd.s32 $0x64, v19;
	s31 =	sor.u32 s3, s30;
	[tilespmem:s10+$0x0] =	vst v55;
	v11 =	vld.idx.msk [tilespmem:v54+s12+$0x0], $0xffff  }
0x10a: {  	v59 =	vadd.s32 $0x64, v9;
	s7 =	sor.u32 s25, s16;
	s18 =	sadd.s32 $0x10A80, s23;
	v60 =	vld.idx.msk [tilespmem:v56+s12+$0x0], $0xffff;
	[tilespmem:s31+$0x0] =	vst v10  }
0x10b: {  	v61 =	vadd.s32 $0x64, v7;
	s14 =	sadd.s32 $0x10A00, s8;
	[tilespmem:s7+$0x0] =	vst v6;
	s21 =	sor.u32 s24, s18;
	v10 =	vld.idx.msk [tilespmem:v57+s12+$0x0], $0xffff  }
0x10c: {  	v2 =	vadd.s32 $0x64, v21;
	s5 =	sor.u32 s0, s14;
	[tilespmem:s21+$0x0] =	vst v3;
	s10 =	sadd.s32 $0x10A00, s6  }
0x10d: {  	v5 =	vld.idx.msk [tilespmem:v5+s12+$0x0], $0xffff;
	s13 =	sor.u32 s11, s10;
	[tilespmem:s5+$0x0] =	vst v4  }
0x10e: {  	s9 =	sor.u32 s1, s10;
	v3 =	vld.idx.msk [tilespmem:v62+s12+$0x0], $0xffff;
	[tilespmem:s13+$0x0] =	vst v11  }
0x10f: {  	s16 =	sor.u32 s3, s14;
	[tilespmem:s9+$0x0] =	vst v60;
	v63 =	vld.idx.msk [tilespmem:v59+s12+$0x0], $0xffff  }
0x110: {  	v7 =	vld.idx.msk [tilespmem:v61+s12+$0x0], $0xffff;
	[tilespmem:s16+$0x0] =	vst v10  }
0x111: {  	s22 =	sor.u32 s25, s18;
	s25 =	sadd.s32 $0x10A80, s8;
	v2 =	vld.idx.msk [tilespmem:v2+s12+$0x0], $0xffff  }
0x112: {  	s28 =	sor.u32 s0, s25;
	[tilespmem:s22+$0x0] =	vst v5;
	s6 =	sadd.s32 $0x10A80, s6  }
0x113: {  	s23 =	sor.u32 s11, s6;
	[tilespmem:s28+$0x0] =	vst v3  }
0x114: {  	s24 =	sor.u32 s1, s6;
	[tilespmem:s23+$0x0] =	vst v63  }
0x115: {  	s26 =	sor.u32 s3, s25;
	[tilespmem:s24+$0x0] =	vst v7  }
0x116: {  	[tilespmem:s26+$0x0] =	vst v2  }
0x117: {  	s29 =	simm.s32 $0x2000;
	s0 =	rddreg [dreg:$0x7]  }
0x118: {  	[tilespmem:s29], [sflag:$0x2] =	stream.linear.gather [hbm4b:s0+s2], $0x2000, $0x38;
	[tilespmem:$0x1D080] =	vst v63  }
0x119: {  	s22 =	simm.s32 $0x1;
	s31 =	simm.s32 $0x10800;
	s30 =	rddreg [dreg:$0x8]  }
0x11a: {  	[hbm4b:s30+s2] =	stream.linear.scatter [tilespmem:s31], [sflag:$0x4], $0xC800, $0x38;
	[tilespmem:$0x1D080] =	vst v63  }
.LBB2_6:
0x11b: {  	s6 =	simm.s32 $0x0  }
0x11c: {  	v2 =	vor.u32 s6, v0  }
0x11d: {  	v3 =	vmulhi.u32 $0x51EB851F, v2;
	_ =	sdelay $0x1  }
0x11e: {  	s0 =	simm.s32 $0x10;
	v3 =	vshrl.u32 v3, $0x6  }
0x11f: {  	v4 =	vor.u32 s0, v0;
	v5 =	vmul.u32 $0xFFFFFF38, v3  }
0x120: {  	v7 =	vmov s6;
	v6 =	vmulhi.u32 $0x51EB851F, v4;
	v8 =	vsub.s32 $0x0, v2  }
0x121: {  	vm0 =	veq.s32 v7, v0;
	vm1 =	vne.s32 v5, v8  }
0x122: {  	v5 =	vshrl.u32 v6, $0x6;
	vm0 =	vmand vm0, vm1  }
0x123: {  	v5 =	vmul.u32 $0xFFFFFF38, v5;
	v7 =	vsel vm0, $0xFFFFFFFF, v1  }
0x124: {  	v8 =	vshll.u32 v6, $0x2;
	v3 =	vadd.s32 v7, v3  }
0x125: {  	s1 =	simm.s32 $0x20;
	v4 =	vadd.s32 v4, v5;
	v5 =	vshll.u32 v6, $0x1;
	v6 =	vmul.u32 $0xFFFFFF38, v3  }
0x126: {  	s8 =	simm.s32 $0x30;
	v9 =	vor.u32 s1, v0;
	v7 =	vand.u32 $0x7FFFF800, v8;
	v8 =	vshll.u32 v4, $0x3  }
0x127: {  	v10 =	vor.u32 s8, v0;
	v8 =	vand.u32 $0xFFFFFC00, v8;
	v2 =	vadd.s32 v2, v6  }
0x128: {  	v6 =	vadd.s32 v7, v8;
	v7 =	vshll.u32 v3, $0x8;
	v8 =	vshll.u32 v2, $0x3  }
0x129: {  	v11 =	vmov s1;
	v7 =	vand.u32 $0xFFFFF800, v7;
	v8 =	vand.u32 $0xFFFFFC00, v8  }
0x12a: {  	v3 =	vshll.u32 v3, $0x7;
	v7 =	vadd.s32 v7, v8;
	v8 =	vmulhi.u32 $0x51EB851F, v9  }
0x12b: {  	v12 =	vsub.s32 $0x0, v9;
	v3 =	vand.u32 $0x380, v3;
	v2 =	vand.u32 $0x7F, v2  }
0x12c: {  	v3 =	vor.u32 v3, v7;
	v7 =	vmulhi.u32 $0x51EB851F, v10;
	v8 =	vshrl.u32 v8, $0x6  }
0x12d: {  	_ =	swait.ge [sflag:s15], $0x2000;
	v5 =	vand.u32 $0x380, v5;
	v2 =	vor.u32 v2, v3;
	v3 =	vmul.u32 $0xFFFFFF38, v8  }
0x12e: {  	[sflag:s15] =	ssyncset.done $0x0;
	vm8 =	veq.s32 v11, v0;
	v5 =	vor.u32 v5, v6;
	v6 =	vshrl.u32 v7, $0x6  }
0x12f: {  	[sflag:s15] =	ssyncadd.s32 $0xFFFFE000;
	v4 =	vand.u32 $0x7F, v4;
	vm9 =	vne.s32 v3, v12;
	v3 =	vmul.u32 $0xFFFFFF38, v6  }
0x130: {  	_ =	swait.ge [sflag:s19], $0xC800;
	v4 =	vor.u32 v4, v5;
	vm0 =	vmand vm8, vm9  }
0x131: {  	[sflag:s19] =	ssyncset.done $0x0;
	v5 =	vshll.u32 v7, $0x2;
	v6 =	vsel vm0, $0xFFFFFFFF, v1;
	v3 =	vadd.s32 v10, v3  }
0x132: {  	[sflag:s19] =	ssyncadd.s32 $0xFFFF3800;
	v10 =	vand.u32 $0x7FFFF800, v5;
	v6 =	vadd.s32 v6, v8;
	v5 =	vshll.u32 v3, $0x3  }
0x133: {  	v7 =	vshll.u32 v7, $0x1;
	v8 =	vmul.u32 $0xFFFFFF38, v6;
	v11 =	vand.u32 $0xFFFFFC00, v5;
	v5 =	vld.idx.msk [tilespmem:v2+s2+$0x0], $0xffff  }
0x134: {  	v2 =	vand.u32 $0x380, v7;
	v7 =	vadd.s32 v10, v11  }
0x135: {  	v4 =	vld.idx.msk [tilespmem:v4+s2+$0x0], $0xffff;
	v3 =	vand.u32 $0x7F, v3;
	v8 =	vadd.s32 v9, v8;
	v2 =	vor.u32 v2, v7  }
0x136: {  	v7 =	vshll.u32 v6, $0x8;
	v6 =	vshll.u32 v6, $0x7;
	v9 =	vshll.u32 v8, $0x3  }
0x137: {  	s3 =	simm.s32 $0x40;
	v7 =	vand.u32 $0xFFFFF800, v7;
	v2 =	vor.u32 v3, v2;
	v9 =	vand.u32 $0xFFFFFC00, v9  }
0x138: {  	v10 =	vor.u32 s3, v0;
	v6 =	vand.u32 $0x380, v6;
	v7 =	vadd.s32 v7, v9  }
0x139: {  	v17 =	vmov s3;
	v6 =	vor.u32 v6, v7;
	v7 =	vmulhi.u32 $0x51EB851F, v10  }
0x13a: {  	s5 =	simm.s32 $0x50;
	vm10 =	veq.s32 v17, v0;
	v13 =	vadd.s32 $0x28, v4;
	v18 =	vsub.s32 $0x0, v10  }
0x13b: {  	v8 =	vand.u32 $0x7F, v8;
	v9 =	vor.u32 s5, v0;
	v12 =	vshrl.u32 v7, $0x6;
	v7 =	vld.idx.msk [tilespmem:v5+s12+$0x0], $0xffff  }
0x13c: {  	v6 =	vor.u32 v8, v6;
	v8 =	vmulhi.u32 $0x51EB851F, v9;
	v20 =	vld.idx.msk [tilespmem:v2+s2+$0x0], $0xffff;
	v14 =	vmul.u32 $0xFFFFFF38, v12  }
0x13d: {  	s9 =	simm.s32 $0x0;
	v3 =	vadd.s32 $0x14, v4;
	v11 =	vadd.s32 $0x14, v5;
	v27 =	vadd.s32 $0x50, v5  }
0x13e: {  	s9 =	sand.u32 $0xFC00, s9;
	v17 =	vld.idx.msk [tilespmem:v4+s12+$0x0], $0xffff;
	v15 =	vshrl.u32 v8, $0x6;
	v16 =	vshll.u32 v8, $0x2;
	vm11 =	vne.s32 v14, v18  }
0x13f: {  	s6 =	sand.u32 $0x60, s6;
	s9 =	sadd.s32 $0x4000, s9;
	v16 =	vand.u32 $0x7FFFF800, v16;
	v14 =	vmul.u32 $0xFFFFFF38, v15;
	vm0 =	vmand vm10, vm11  }
0x140: {  	s6 =	sor.u32 s6, s9;
	v15 =	vadd.s32 $0x3C, v4;
	v18 =	vadd.s32 $0x28, v5;
	v19 =	vsel vm0, $0xFFFFFFFF, v1  }
0x141: {  	s0 =	sand.u32 $0x70, s0;
	v9 =	vadd.s32 v9, v14;
	[tilespmem:s6+$0x0] =	vst v7;
	v7 =	vld.idx.msk [tilespmem:v6+s2+$0x0], $0xffff;
	v6 =	vshll.u32 v8, $0x1;
	v21 =	vadd.s32 $0x28, v20  }
0x142: {  	s0 =	sor.u32 s0, s9;
	v22 =	vadd.s32 $0x3C, v20;
	v12 =	vadd.s32 v19, v12;
	v8 =	vshll.u32 v9, $0x3;
	v11 =	vld.idx.msk [tilespmem:v11+s12+$0x0], $0xffff  }
0x143: {  	[tilespmem:s0+$0x0] =	vst v17;
	v6 =	vand.u32 $0x380, v6;
	v14 =	vmul.u32 $0xFFFFFF38, v12;
	v8 =	vand.u32 $0xFFFFFC00, v8  }
0x144: {  	v3 =	vld.idx.msk [tilespmem:v3+s12+$0x0], $0xffff;
	v9 =	vand.u32 $0x7F, v9;
	v19 =	vadd.s32 $0x50, v4;
	v16 =	vadd.s32 v16, v8  }
0x145: {  	v8 =	vadd.s32 $0x64, v4;
	v2 =	vadd.s32 v10, v14;
	v4 =	vor.u32 v6, v16  }
0x146: {  	v6 =	vshll.u32 v12, $0x8;
	v12 =	vshll.u32 v12, $0x7;
	v10 =	vshll.u32 v2, $0x3  }
0x147: {  	s24 =	simm.s32 $0x60;
	v14 =	vadd.s32 $0x3C, v5;
	v6 =	vand.u32 $0xFFFFF800, v6;
	v10 =	vand.u32 $0xFFFFFC00, v10;
	[tilespmem:s6+$0x80] =	vst v11  }
0x148: {  	v11 =	vor.u32 s24, v0;
	v6 =	vadd.s32 v6, v10;
	v10 =	vand.u32 $0x380, v12;
	v12 =	vld.idx.msk [tilespmem:v18+s12+$0x0], $0xffff  }
0x149: {  	s29 =	simm.s32 $0x70;
	[tilespmem:s0+$0x80] =	vst v3;
	v3 =	vld.idx.msk [tilespmem:v20+s12+$0x0], $0xffff;
	v2 =	vand.u32 $0x7F, v2;
	v17 =	vmulhi.u32 $0x51EB851F, v11;
	v6 =	vor.u32 v10, v6  }
0x14a: {  	s10 =	simm.s32 $0x100;
	v5 =	vadd.s32 $0x64, v5;
	v18 =	vor.u32 s29, v0;
	v16 =	vld.idx.msk [tilespmem:v7+s12+$0x0], $0xffff;
	v2 =	vor.u32 v2, v6  }
0x14b: {  	s10 =	sand.u32 $0xFC00, s10;
	v10 =	vadd.s32 $0x14, v7;
	v6 =	vmulhi.u32 $0x51EB851F, v18;
	v17 =	vshrl.u32 v17, $0x6  }
0x14c: {  	s8 =	sand.u32 $0x70, s8;
	s10 =	sadd.s32 $0x4000, s10;
	v13 =	vld.idx.msk [tilespmem:v13+s12+$0x0], $0xffff;
	v4 =	vor.u32 v9, v4;
	v9 =	vadd.s32 $0x14, v20;
	v23 =	vmul.u32 $0xFFFFFF38, v17  }
0x14d: {  	s1 =	sand.u32 $0x60, s1;
	s23 =	sor.u32 s8, s10;
	v26 =	vsub.s32 $0x0, v11;
	v24 =	vshrl.u32 v6, $0x6;
	[tilespmem:s6+$0x100] =	vst v12;
	v12 =	vmov s24  }
0x14e: {  	s1 =	sor.u32 s1, s10;
	[tilespmem:s23+$0x0] =	vst v3;
	vm13 =	vne.s32 v23, v26;
	v14 =	vld.idx.msk [tilespmem:v14+s12+$0x0], $0xffff;
	vm12 =	veq.s32 v12, v0;
	v12 =	vmul.u32 $0xFFFFFF38, v24  }
0x14f: {  	v3 =	vadd.s32 $0x64, v20;
	v25 =	vshll.u32 v6, $0x2;
	[tilespmem:s1+$0x0] =	vst v16;
	vm0 =	vmand vm12, vm13;
	v2 =	vld.idx.msk [tilespmem:v2+s2+$0x0], $0xffff  }
0x150: {  	v6 =	vshll.u32 v6, $0x1;
	v10 =	vld.idx.msk [tilespmem:v10+s12+$0x0], $0xffff;
	v24 =	vsel vm0, $0xFFFFFFFF, v1;
	v12 =	vadd.s32 v18, v12  }
0x151: {  	[tilespmem:s0+$0x100] =	vst v13;
	v23 =	vadd.s32 $0x28, v7;
	v18 =	vld.idx.msk [tilespmem:v4+s2+$0x0], $0xffff;
	v17 =	vadd.s32 v24, v17;
	v4 =	vshll.u32 v12, $0x3  }
0x152: {  	v15 =	vld.idx.msk [tilespmem:v15+s12+$0x0], $0xffff;
	v16 =	vand.u32 $0x7FFFF800, v25;
	v24 =	vmul.u32 $0xFFFFFF38, v17;
	v4 =	vand.u32 $0xFFFFFC00, v4  }
0x153: {  	v9 =	vld.idx.msk [tilespmem:v9+s12+$0x0], $0xffff;
	v6 =	vand.u32 $0x380, v6;
	v16 =	vadd.s32 v16, v4;
	v4 =	vadd.s32 $0x50, v20  }
0x154: {  	[tilespmem:s6+$0x180] =	vst v14;
	v14 =	vshll.u32 v17, $0x8;
	v17 =	vshll.u32 v17, $0x7;
	v11 =	vadd.s32 v11, v24  }
0x155: {  	s25 =	simm.s32 $0x80;
	v6 =	vor.u32 v6, v16;
	v13 =	vld.idx.msk [tilespmem:v27+s12+$0x0], $0xffff;
	[tilespmem:s1+$0x80] =	vst v10;
	v10 =	vand.u32 $0xFFFFF800, v14;
	v16 =	vshll.u32 v11, $0x3  }
0x156: {  	v25 =	vadd.s32 $0x14, v2;
	v20 =	vld.idx.msk [tilespmem:v23+s12+$0x0], $0xffff;
	v23 =	vor.u32 s25, v0;
	v14 =	vand.u32 $0xFFFFFC00, v16  }
0x157: {  	[tilespmem:s0+$0x180] =	vst v15;
	v16 =	vadd.s32 $0x3C, v7;
	v10 =	vadd.s32 v10, v14;
	v14 =	vand.u32 $0x380, v17;
	v17 =	vld.idx.msk [tilespmem:v2+s12+$0x0], $0xffff  }
0x158: {  	s30 =	simm.s32 $0x90;
	s26 =	simm.s32 $0x200;
	v19 =	vld.idx.msk [tilespmem:v19+s12+$0x0], $0xffff;
	[tilespmem:s23+$0x80] =	vst v9;
	v11 =	vand.u32 $0x7F, v11;
	v10 =	vor.u32 v14, v10;
	v14 =	vmulhi.u32 $0x51EB851F, v23  }
0x159: {  	s31 =	sand.u32 $0xFC00, s26;
	v26 =	vor.u32 s30, v0;
	v12 =	vand.u32 $0x7F, v12;
	v21 =	vld.idx.msk [tilespmem:v21+s12+$0x0], $0xffff;
	v10 =	vor.u32 v11, v10  }
0x15a: {  	s10 =	sadd.s32 $0x4000, s31;
	s3 =	sand.u32 $0x60, s3;
	v63 =	vadd.s32 $0x28, v2;
	v6 =	vor.u32 v12, v6;
	v24 =	vld.idx.msk [tilespmem:v18+s12+$0x0], $0xffff;
	[tilespmem:s6+$0x200] =	vst v13;
	v27 =	vshrl.u32 v14, $0x6  }
0x15b: {  	s3 =	sor.u32 s3, s10;
	v9 =	vadd.s32 $0x28, v18;
	v13 =	vmulhi.u32 $0x51EB851F, v26;
	v15 =	vld.idx.msk [tilespmem:v5+s12+$0x0], $0xffff;
	[tilespmem:s1+$0x100] =	vst v20;
	v11 =	vmul.u32 $0xFFFFFF38, v27  }
0x15c: {  	v14 =	vadd.s32 $0x14, v18;
	v5 =	vadd.s32 $0x3C, v18;
	v20 =	vsub.s32 $0x0, v23;
	v16 =	vld.idx.msk [tilespmem:v16+s12+$0x0], $0xffff;
	[tilespmem:s3+$0x0] =	vst v17  }
0x15d: {  	v12 =	vshrl.u32 v13, $0x6;
	v17 =	vmov s25;
	vm14 =	vne.s32 v11, v20;
	v20 =	vld.idx.msk [tilespmem:v25+s12+$0x0], $0xffff  }
0x15e: {  	s5 =	sand.u32 $0x70, s5;
	v25 =	vadd.s32 $0x50, v7;
	vm15 =	veq.s32 v17, v0;
	v17 =	vmul.u32 $0xFFFFFF38, v12;
	v11 =	vld.idx.msk [tilespmem:v10+s2+$0x0], $0xffff  }
0x15f: {  	s5 =	sor.u32 s5, s10;
	v28 =	vshll.u32 v13, $0x2;
	v13 =	vshll.u32 v13, $0x1;
	v12 =	vld.idx.msk [tilespmem:v6+s2+$0x0], $0xffff;
	vm0 =	vmand vm15, vm14  }
0x160: {  	[tilespmem:s5+$0x0] =	vst v24;
	v24 =	vand.u32 $0x380, v13;
	v6 =	vsel vm0, $0xFFFFFFFF, v1;
	v17 =	vadd.s32 v26, v17  }
0x161: {  	[tilespmem:s23+$0x100] =	vst v21;
	v10 =	vand.u32 $0x7FFFF800, v28;
	v14 =	vld.idx.msk [tilespmem:v14+s12+$0x0], $0xffff;
	v26 =	vadd.s32 v6, v27;
	v6 =	vshll.u32 v17, $0x3  }
0x162: {  	[tilespmem:s1+$0x180] =	vst v16;
	v16 =	vld.idx.msk [tilespmem:v22+s12+$0x0], $0xffff;
	v13 =	vand.u32 $0x7F, v17;
	v21 =	vmul.u32 $0xFFFFFF38, v26;
	v6 =	vand.u32 $0xFFFFFC00, v6  }
0x163: {  	[tilespmem:s0+$0x200] =	vst v19;
	v17 =	vld.idx.msk [tilespmem:v25+s12+$0x0], $0xffff;
	v22 =	vadd.s32 v10, v6;
	v10 =	vadd.s32 $0x50, v18;
	v6 =	vadd.s32 $0x64, v18  }
0x164: {  	s28 =	sand.u32 $0x70, s29;
	v19 =	vld.idx.msk [tilespmem:v8+s12+$0x0], $0xffff;
	[tilespmem:s3+$0x80] =	vst v20;
	v18 =	vadd.s32 $0x64, v7;
	v21 =	vadd.s32 v23, v21;
	v20 =	vor.u32 v24, v22  }
0x165: {  	s8 =	sand.u32 $0x70, s30;
	s9 =	simm.s32 $0x8;
	[tilespmem:s6+$0x280] =	vst v15;
	s6 =	simm.s32 $0xB0;
	v8 =	vmovc v12;
	v15 =	vld.idx.msk [tilespmem:v63+s12+$0x0], $0xffff;
	v23 =	vshll.u32 v26, $0x8;
	v22 =	vshll.u32 v26, $0x7;
	v7 =	vmovc v11;
	v24 =	vshll.u32 v21, $0x3  }
.LBB2_7:
0x166: {  	s10 =	sadd.s32 $0xFFFFFFF0, s6;
	s11 =	sand.u32 $0x70, s6;
	v23 =	vand.u32 $0xFFFFF800, v23;
	v24 =	vand.u32 $0xFFFFFC00, v24;
	v11 =	vld.idx.msk [tilespmem:v11+s12+$0x0], $0xffff;
	v25 =	vadd.s32 $0x3C, v2;
	[tilespmem:s5+$0x80] =	vst v14  }
0x167: {  	s9 =	sadd.s32 $0x2, s9;
	v22 =	vand.u32 $0x380, v22;
	v26 =	vor.u32 s10, v0;
	v14 =	vadd.s32 v23, v24;
	v12 =	vld.idx.msk [tilespmem:v12+s12+$0x0], $0xffff;
	[tilespmem:s23+$0x180] =	vst v16  }
0x168: {  	s26 =	sadd.s32 $0x100, s26;
	p0 =	slt.u32 s9, $0x18E;
	v16 =	vand.u32 $0x7F, v21;
	v21 =	vadd.s32 $0x14, v7;
	v14 =	vor.u32 v22, v14;
	v22 =	vld.idx.msk [tilespmem:v9+s12+$0x0], $0xffff;
	[tilespmem:s1+$0x200] =	vst v17  }
0x169: {  	s13 =	sand.u32 $0xFC00, s26;
	v9 =	vmulhi.u32 $0x51EB851F, v26;
	v17 =	vor.u32 s6, v0;
	v14 =	vor.u32 v16, v14;
	v16 =	vld.idx.msk [tilespmem:v18+s12+$0x0], $0xffff;
	[tilespmem:s0+$0x280] =	vst v19;
	s0 =	smov.u32 s23;
	s23 =	smov.u32 s5  }
0x16a: {  	v13 =	vor.u32 v13, v20;
	s13 =	sadd.s32 $0x4000, s13;
	v18 =	vmulhi.u32 $0x51EB851F, v17;
	s5 =	sand.u32 $0x60, s24;
	v19 =	vadd.s32 $0x14, v8;
	s24 =	smov.u32 s25;
	[tilespmem:s3+$0x100] =	vst v15;
	v15 =	vld.idx.msk [tilespmem:v4+s12+$0x0], $0xffff;
	v4 =	vmovc v10  }
0x16b: {  	v20 =	vadd.s32 $0x3C, v8;
	s25 =	smov.u32 s10;
	v10 =	vshrl.u32 v9, $0x6;
	s14 =	sor.u32 s5, s13;
	s5 =	sor.u32 s28, s13;
	v9 =	vadd.s32 $0x28, v8;
	v23 =	vld.idx.msk [tilespmem:v25+s12+$0x0], $0xffff  }
0x16c: {  	s28 =	smov.u32 s8;
	s8 =	smov.u32 s11;
	v24 =	vmul.u32 $0xFFFFFF38, v10;
	v25 =	vshrl.u32 v18, $0x6;
	v27 =	vshll.u32 v18, $0x2;
	[tilespmem:s14+$0x0] =	vst v11  }
0x16d: {  	v29 =	vadd.s32 $0x50, v2;
	v28 =	vsub.s32 $0x0, v26;
	v11 =	vmov s25;
	v21 =	vld.idx.msk [tilespmem:v21+s12+$0x0], $0xffff;
	[tilespmem:s5+$0x0] =	vst v12  }
0x16e: {  	vm0 =	veq.s32 v11, v0;
	vm1 =	vne.s32 v24, v28;
	v24 =	vmul.u32 $0xFFFFFF38, v25;
	v11 =	vld.idx.msk [tilespmem:v14+s2+$0x0], $0xffff;
	[tilespmem:s23+$0x100] =	vst v22  }
0x16f: {  	v25 =	vadd.s32 $0x28, v7;
	vm0 =	vmand vm0, vm1;
	v22 =	vand.u32 $0x7FFFF800, v27;
	v12 =	vld.idx.msk [tilespmem:v13+s2+$0x0], $0xffff;
	[tilespmem:s1+$0x280] =	vst v16;
	s1 =	smov.u32 s3;
	s3 =	smov.u32 s14  }
0x170: {  	v13 =	vsel vm0, $0xFFFFFFFF, v1;
	v17 =	vadd.s32 v17, v24;
	v16 =	vshll.u32 v18, $0x1;
	v14 =	vld.idx.msk [tilespmem:v19+s12+$0x0], $0xffff;
	[tilespmem:s0+$0x200] =	vst v15  }
.Ltmp2:
0x171: {  	v27 =	vadd.s32 v13, v10;
	v10 =	vshll.u32 v17, $0x3;
	v15 =	vand.u32 $0x380, v16;
	[tilespmem:s1+$0x180] =	vst v23;
	v16 =	vld.idx.msk [tilespmem:v5+s12+$0x0], $0xffff;
	v5 =	vmovc v20;
	(pc) =	sbr.rel @p0 .LBB2_7-.Ltmp2, $4  }
0x172: {  	v13 =	vand.u32 $0x7F, v17;
	v18 =	vmul.u32 $0xFFFFFF38, v27;
	v10 =	vand.u32 $0xFFFFFC00, v10;
	v17 =	vld.idx.msk [tilespmem:v29+s12+$0x0], $0xffff  }
0x173: {  	v20 =	vadd.s32 v22, v10;
	v10 =	vadd.s32 $0x50, v8;
	[tilespmem:s3+$0x80] =	vst v21;
	v19 =	vld.idx.msk [tilespmem:v3+s12+$0x0], $0xffff;
	v3 =	vmovc v6;
	v6 =	vadd.s32 $0x64, v8  }
0x174: {  	v21 =	vadd.s32 v26, v18;
	v20 =	vor.u32 v15, v20;
	v18 =	vadd.s32 $0x64, v2;
	v2 =	vmovc v7;
	v15 =	vld.idx.msk [tilespmem:v25+s12+$0x0], $0xffff  }
0x175: {  	s6 =	sadd.s32 $0x20, s6;
	v23 =	vshll.u32 v27, $0x8;
	v22 =	vshll.u32 v27, $0x7;
	v7 =	vmovc v11;
	v24 =	vshll.u32 v21, $0x3;
	v8 =	vmovc v12  }
0x176: {  	v23 =	vand.u32 $0xFFFFF800, v23;
	v24 =	vand.u32 $0xFFFFFC00, v24  }
0x177: {  	v22 =	vand.u32 $0x380, v22;
	v23 =	vadd.s32 v23, v24  }
0x178: {  	v21 =	vand.u32 $0x7F, v21;
	v13 =	vor.u32 v13, v20;
	v22 =	vor.u32 v22, v23  }
0x179: {  	v21 =	vor.u32 v21, v22;
	_ =	sdelay $0x3  }
0x17a: {  	v13 =	vld.idx.msk [tilespmem:v13+s2+$0x0], $0xffff  }
0x17b: {  	v20 =	vld.idx.msk [tilespmem:v21+s2+$0x0], $0xffff;
	_ =	sdelay $0x3  }
0x17c: {  	v11 =	vld.idx.msk [tilespmem:v11+s12+$0x0], $0xffff;
	[tilespmem:s5+$0x80] =	vst v14  }
0x17d: {  	v12 =	vld.idx.msk [tilespmem:v12+s12+$0x0], $0xffff;
	[tilespmem:s23+$0x180] =	vst v16;
	v14 =	vadd.s32 $0x14, v7;
	s6 =	sadd.s32 $0x100, s26  }
0x17e: {  	[tilespmem:s1+$0x200] =	vst v17;
	s9 =	sand.u32 $0xFC00, s6;
	v9 =	vld.idx.msk [tilespmem:v9+s12+$0x0], $0xffff  }
0x17f: {  	v16 =	vadd.s32 $0x14, v8;
	s16 =	sand.u32 $0x60, s24;
	[tilespmem:s0+$0x280] =	vst v19;
	s9 =	sadd.s32 $0x4000, s9;
	v19 =	vld.idx.msk [tilespmem:v13+s12+$0x0], $0xffff  }
0x180: {  	s6 =	sadd.s32 $0x100, s6;
	[tilespmem:s3+$0x100] =	vst v15;
	s11 =	sor.u32 s16, s9;
	v15 =	vadd.s32 $0x14, v13;
	v17 =	vld.idx.msk [tilespmem:v20+s12+$0x0], $0xffff  }
0x181: {  	s18 =	sand.u32 $0xFC00, s6;
	v18 =	vld.idx.msk [tilespmem:v18+s12+$0x0], $0xffff;
	s9 =	sor.u32 s28, s9;
	[tilespmem:s11+$0x0] =	vst v11;
	v21 =	vadd.s32 $0x14, v20  }
0x182: {  	s0 =	sadd.s32 $0x4000, s18;
	v11 =	vadd.s32 $0x3C, v2;
	[tilespmem:s9+$0x0] =	vst v12;
	v14 =	vld.idx.msk [tilespmem:v14+s12+$0x0], $0xffff  }
0x183: {  	s21 =	sand.u32 $0x60, s25;
	v4 =	vld.idx.msk [tilespmem:v4+s12+$0x0], $0xffff;
	s24 =	sor.u32 s8, s0;
	v12 =	vadd.s32 $0x28, v7;
	[tilespmem:s5+$0x100] =	vst v9  }
0x184: {  	s13 =	sor.u32 s21, s0;
	v16 =	vld.idx.msk [tilespmem:v16+s12+$0x0], $0xffff;
	[tilespmem:s24+$0x0] =	vst v19  }
0x185: {  	v15 =	vld.idx.msk [tilespmem:v15+s12+$0x0], $0xffff;
	[tilespmem:s13+$0x0] =	vst v17;
	v17 =	vadd.s32 $0x28, v8  }
0x186: {  	[tilespmem:s1+$0x280] =	vst v18;
	v18 =	vadd.s32 $0x28, v13;
	v21 =	vld.idx.msk [tilespmem:v21+s12+$0x0], $0xffff  }
0x187: {  	v11 =	vld.idx.msk [tilespmem:v11+s12+$0x0], $0xffff;
	[tilespmem:s11+$0x80] =	vst v14;
	v9 =	vadd.s32 $0x28, v20  }
0x188: {  	[tilespmem:s23+$0x200] =	vst v4;
	v14 =	vadd.s32 $0x50, v2;
	v12 =	vld.idx.msk [tilespmem:v12+s12+$0x0], $0xffff  }
0x189: {  	v5 =	vld.idx.msk [tilespmem:v5+s12+$0x0], $0xffff;
	[tilespmem:s9+$0x80] =	vst v16;
	v16 =	vadd.s32 $0x3C, v7  }
0x18a: {  	[tilespmem:s24+$0x80] =	vst v15;
	v17 =	vld.idx.msk [tilespmem:v17+s12+$0x0], $0xffff  }
0x18b: {  	v19 =	vadd.s32 $0x3C, v8;
	v15 =	vld.idx.msk [tilespmem:v18+s12+$0x0], $0xffff;
	[tilespmem:s13+$0x80] =	vst v21  }
0x18c: {  	[tilespmem:s3+$0x180] =	vst v11;
	v11 =	vadd.s32 $0x3C, v13;
	v9 =	vld.idx.msk [tilespmem:v9+s12+$0x0], $0xffff  }
0x18d: {  	v4 =	vadd.s32 $0x3C, v20;
	v14 =	vld.idx.msk [tilespmem:v14+s12+$0x0], $0xffff;
	[tilespmem:s11+$0x100] =	vst v12  }
0x18e: {  	[tilespmem:s5+$0x180] =	vst v5;
	v12 =	vld.idx.msk [tilespmem:v16+s12+$0x0], $0xffff  }
0x18f: {  	v3 =	vld.idx.msk [tilespmem:v3+s12+$0x0], $0xffff;
	v16 =	vadd.s32 $0x50, v7;
	[tilespmem:s9+$0x100] =	vst v17  }
0x190: {  	v2 =	vadd.s32 $0x64, v2;
	[tilespmem:s24+$0x100] =	vst v15;
	v17 =	vld.idx.msk [tilespmem:v19+s12+$0x0], $0xffff  }
0x191: {  	v11 =	vld.idx.msk [tilespmem:v11+s12+$0x0], $0xffff;
	[tilespmem:s13+$0x100] =	vst v9;
	v9 =	vadd.s32 $0x50, v8  }
0x192: {  	[tilespmem:s3+$0x200] =	vst v14;
	v14 =	vadd.s32 $0x50, v13;
	v4 =	vld.idx.msk [tilespmem:v4+s12+$0x0], $0xffff  }
0x193: {  	v5 =	vadd.s32 $0x50, v20;
	v10 =	vld.idx.msk [tilespmem:v10+s12+$0x0], $0xffff;
	[tilespmem:s11+$0x180] =	vst v12  }
0x194: {  	[tilespmem:s23+$0x280] =	vst v3;
	v12 =	vld.idx.msk [tilespmem:v16+s12+$0x0], $0xffff  }
0x195: {  	v7 =	vadd.s32 $0x64, v7;
	v2 =	vld.idx.msk [tilespmem:v2+s12+$0x0], $0xffff;
	[tilespmem:s9+$0x180] =	vst v17  }
0x196: {  	[tilespmem:s24+$0x180] =	vst v11;
	v9 =	vld.idx.msk [tilespmem:v9+s12+$0x0], $0xffff  }
0x197: {  	[tilespmem:s13+$0x180] =	vst v4;
	v4 =	vadd.s32 $0x64, v8;
	v8 =	vld.idx.msk [tilespmem:v14+s12+$0x0], $0xffff  }
0x198: {  	[tilespmem:s5+$0x200] =	vst v10;
	v10 =	vadd.s32 $0x64, v13;
	v5 =	vld.idx.msk [tilespmem:v5+s12+$0x0], $0xffff  }
0x199: {  	v3 =	vadd.s32 $0x64, v20;
	[tilespmem:s11+$0x200] =	vst v12  }
0x19a: {  	s25 =	simm.s32 $0x10;
	s30 =	simm.s32 $0x60;
	[tilespmem:s3+$0x280] =	vst v2;
	v7 =	vld.idx.msk [tilespmem:v7+s12+$0x0], $0xffff  }
0x19b: {  	v28 =	vmov s30;
	s8 =	simm.s32 $0x0;
	v6 =	vld.idx.msk [tilespmem:v6+s12+$0x0], $0xffff;
	v11 =	vor.u32 s25, v0;
	[tilespmem:s9+$0x200] =	vst v9  }
0x19c: {  	v23 =	vor.u32 s30, v0;
	s28 =	simm.s32 $0x40;
	v12 =	vor.u32 s8, v0;
	v9 =	vmulhi.u32 $0x51EB851F, v11;
	v4 =	vld.idx.msk [tilespmem:v4+s12+$0x0], $0xffff;
	[tilespmem:s24+$0x200] =	vst v8  }
0x19d: {  	vm12 =	veq.s32 v28, v0;
	v20 =	vmov s28;
	[tilespmem:s13+$0x200] =	vst v5;
	v5 =	vmulhi.u32 $0x51EB851F, v12;
	v2 =	vld.idx.msk [tilespmem:v10+s12+$0x0], $0xffff  }
0x19e: {  	v48 =	vmulhi.u32 $0x51EB851F, v23;
	vm10 =	veq.s32 v20, v0;
	v13 =	vsub.s32 $0x0, v12;
	v3 =	vld.idx.msk [tilespmem:v3+s12+$0x0], $0xffff  }
0x19f: {  	[tilespmem:s11+$0x280] =	vst v7;
	v7 =	vmov s8;
	v8 =	vshrl.u32 v9, $0x6;
	v5 =	vshrl.u32 v5, $0x6  }
0x1a0: {  	s23 =	sshll.u32 s22, $0xB;
	[tilespmem:s5+$0x280] =	vst v6;
	vm0 =	veq.s32 v7, v0;
	v8 =	vmul.u32 $0xFFFFFF38, v8;
	v10 =	vmul.u32 $0xFFFFFF38, v5  }
0x1a1: {  	s10 =	sadd.s32 $0x800, s23;
	v14 =	vor.u32 s28, v0;
	v6 =	vshll.u32 v9, $0x2;
	v9 =	vshll.u32 v9, $0x1;
	[tilespmem:s9+$0x280] =	vst v4  }
0x1a2: {  	s3 =	sand.u32 $0x3800, s10;
	v6 =	vand.u32 $0x7FFFF800, v6;
	v4 =	vadd.s32 v11, v8;
	vm1 =	vne.s32 v10, v13;
	[tilespmem:s24+$0x280] =	vst v2  }
0x1a3: {  	s11 =	sadd.s32 s3, s4;
	v7 =	vand.u32 $0x7F, v4;
	s24 =	smul.u32 $0x3200, s22;
	[tilespmem:s13+$0x280] =	vst v3;
	v3 =	vand.u32 $0x380, v9;
	vm0 =	vmand vm0, vm1;
	s13 =	simm.s32 $0x0  }
0x1a4: {  	v2 =	vshll.u32 v4, $0x3;
	v3 =	vor.u32 v3, v6;
	v4 =	vsel vm0, $0xFFFFFFFF, v1;
	[tilespmem:s13], [sflag:$0x1] =	stream.linear.gather [hbm4b:s11+s13], $0x2000, $0x38;
	[tilespmem:$0x1D080] =	vst v63  }
0x1a5: {  	s18 =	simm.s32 $0x20;
	v2 =	vand.u32 $0xFFFFFC00, v2;
	s14 =	rddreg [dreg:$0x6];
	v3 =	vor.u32 v7, v3;
	v4 =	vadd.s32 v4, v5  }
0x1a6: {  	s16 =	simm.s32 $0x4000;
	v8 =	vor.u32 s18, v0;
	s5 =	sadd.s32 s24, s14;
	v2 =	vadd.s32 v2, v3;
	v3 =	vmul.u32 $0xFFFFFF38, v4  }
0x1a7: {  	v11 =	vmov s18;
	[hbm4b:s5+s13] =	stream.linear.scatter [tilespmem:s16], [sflag:$0x3], $0xC800, $0x38;
	v5 =	vshll.u32 v4, $0x8;
	v4 =	vshll.u32 v4, $0x7;
	[tilespmem:$0x1D080] =	vst v63  }
0x1a8: {  	s5 =	simm.s32 $0x30;
	v5 =	vand.u32 $0xFFFFF800, v5;
	v4 =	vand.u32 $0x380, v4;
	v3 =	vadd.s32 v12, v3  }
0x1a9: {  	v4 =	vor.u32 v4, v5;
	v5 =	vor.u32 s5, v0;
	v6 =	vand.u32 $0x7F, v3  }
0x1aa: {  	v3 =	vshll.u32 v3, $0x3;
	v4 =	vor.u32 v6, v4;
	v6 =	vmulhi.u32 $0x51EB851F, v8  }
0x1ab: {  	vm8 =	veq.s32 v11, v0;
	v7 =	vmulhi.u32 $0x51EB851F, v5;
	v3 =	vand.u32 $0xFFFFFC00, v3  }
0x1ac: {  	v2 =	vadd.s32 $0x2000, v2;
	_ =	swait.ge [sflag:s17], $0x2000;
	v3 =	vadd.s32 v3, v4;
	v6 =	vshrl.u32 v6, $0x6  }
0x1ad: {  	[sflag:s17] =	ssyncset.done $0x0;
	v4 =	vshrl.u32 v7, $0x6;
	v3 =	vadd.s32 $0x2000, v3;
	v10 =	vmul.u32 $0xFFFFFF38, v6  }
0x1ae: {  	v12 =	vsub.s32 $0x0, v8;
	[sflag:s17] =	ssyncadd.s32 $0xFFFFE000;
	v9 =	vshll.u32 v7, $0x2;
	v4 =	vmul.u32 $0xFFFFFF38, v4  }
0x1af: {  	_ =	swait.ge [sflag:s20], $0xC800;
	v7 =	vshll.u32 v7, $0x1;
	v9 =	vand.u32 $0x7FFFF800, v9;
	vm9 =	vne.s32 v10, v12  }
0x1b0: {  	[sflag:s20] =	ssyncset.done $0x0;
	v4 =	vadd.s32 v5, v4;
	v5 =	vand.u32 $0x380, v7;
	vm0 =	vmand vm8, vm9  }
0x1b1: {  	v15 =	vmulhi.u32 $0x51EB851F, v14;
	[sflag:s20] =	ssyncadd.s32 $0xFFFF3800;
	v5 =	vor.u32 v5, v9;
	v9 =	vsel vm0, $0xFFFFFFFF, v1  }
0x1b2: {  	v7 =	vand.u32 $0x7F, v4;
	v4 =	vshll.u32 v4, $0x3;
	v9 =	vadd.s32 v9, v6;
	v6 =	vld.idx.msk [tilespmem:v3+s2+$0x0], $0xffff  }
0x1b3: {  	v21 =	vsub.s32 $0x0, v14;
	v4 =	vand.u32 $0xFFFFFC00, v4;
	v5 =	vor.u32 v7, v5  }
0x1b4: {  	v15 =	vshrl.u32 v15, $0x6;
	v3 =	vadd.s32 v4, v5;
	v4 =	vmul.u32 $0xFFFFFF38, v9  }
0x1b5: {  	v19 =	vmul.u32 $0xFFFFFF38, v15;
	v2 =	vld.idx.msk [tilespmem:v2+s2+$0x0], $0xffff;
	v5 =	vshll.u32 v9, $0x8;
	v9 =	vshll.u32 v9, $0x7  }
0x1b6: {  	v5 =	vand.u32 $0xFFFFF800, v5;
	v4 =	vadd.s32 v8, v4;
	v8 =	vand.u32 $0x380, v9  }
0x1b7: {  	v9 =	vshll.u32 v4, $0x3;
	v4 =	vand.u32 $0x7F, v4;
	v5 =	vor.u32 v8, v5  }
0x1b8: {  	s29 =	simm.s32 $0x50;
	vm11 =	vne.s32 v19, v21;
	v8 =	vand.u32 $0xFFFFFC00, v9;
	v4 =	vor.u32 v4, v5  }
0x1b9: {  	v12 =	vor.u32 s29, v0;
	v3 =	vadd.s32 $0x2000, v3;
	v4 =	vadd.s32 v8, v4  }
0x1ba: {  	v13 =	vadd.s32 $0x14, v2;
	v8 =	vmulhi.u32 $0x51EB851F, v12;
	v4 =	vadd.s32 $0x2000, v4;
	v17 =	vld.idx.msk [tilespmem:v6+s12+$0x0], $0xffff  }
0x1bb: {  	v7 =	vadd.s32 $0x28, v2;
	v11 =	vadd.s32 $0x50, v2;
	v9 =	vadd.s32 $0x14, v6  }
0x1bc: {  	s3 =	sand.u32 $0xFC00, s13;
	v10 =	vadd.s32 $0x64, v2;
	v5 =	vadd.s32 $0x3C, v2;
	v16 =	vshrl.u32 v8, $0x6  }
0x1bd: {  	s1 =	sand.u32 $0x60, s8;
	s10 =	sadd.s32 $0x10800, s3;
	v2 =	vld.idx.msk [tilespmem:v2+s12+$0x0], $0xffff;
	v18 =	vshll.u32 v8, $0x2;
	v8 =	vshll.u32 v8, $0x1;
	v16 =	vmul.u32 $0xFFFFFF38, v16  }
0x1be: {  	s26 =	sor.u32 s1, s10;
	vm0 =	vmand vm10, vm11;
	v3 =	vld.idx.msk [tilespmem:v3+s2+$0x0], $0xffff;
	v18 =	vand.u32 $0x7FFFF800, v18;
	v8 =	vand.u32 $0x380, v8  }
0x1bf: {  	v19 =	vadd.s32 $0x28, v6;
	v8 =	vor.u32 v8, v18;
	v16 =	vadd.s32 v12, v16;
	v12 =	vld.idx.msk [tilespmem:v4+s2+$0x0], $0xffff;
	[tilespmem:s26+$0x0] =	vst v17  }
0x1c0: {  	v20 =	vand.u32 $0x7F, v16;
	v4 =	vshll.u32 v16, $0x3;
	v16 =	vsel vm0, $0xFFFFFFFF, v1;
	v17 =	vld.idx.msk [tilespmem:v9+s12+$0x0], $0xffff  }
0x1c1: {  	s6 =	sand.u32 $0x70, s25;
	v4 =	vand.u32 $0xFFFFFC00, v4;
	v8 =	vor.u32 v20, v8;
	v15 =	vadd.s32 v16, v15  }
0x1c2: {  	v29 =	vsub.s32 $0x0, v23;
	s0 =	sor.u32 s6, s10;
	v4 =	vadd.s32 v4, v8;
	v16 =	vmul.u32 $0xFFFFFF38, v15  }
0x1c3: {  	s7 =	sadd.s32 $0x10880, s3;
	v27 =	vadd.s32 $0x50, v6;
	[tilespmem:s0+$0x0] =	vst v2;
	v2 =	vadd.s32 $0x64, v3;
	v18 =	vadd.s32 $0x2000, v4  }
0x1c4: {  	s21 =	sor.u32 s1, s7;
	v4 =	vshll.u32 v15, $0x8;
	v15 =	vshll.u32 v15, $0x7;
	v14 =	vadd.s32 v14, v16  }
0x1c5: {  	s25 =	simm.s32 $0x100;
	v4 =	vand.u32 $0xFFFFF800, v4;
	v15 =	vand.u32 $0x380, v15;
	v16 =	vshll.u32 v14, $0x3;
	[tilespmem:s21+$0x0] =	vst v17  }
0x1c6: {  	s0 =	sand.u32 $0xFC00, s25;
	s25 =	sand.u32 $0x70, s5;
	s5 =	simm.s32 $0x80;
	v14 =	vand.u32 $0x7F, v14;
	v4 =	vor.u32 v15, v4;
	v15 =	vand.u32 $0xFFFFFC00, v16;
	v16 =	vld.idx.msk [tilespmem:v19+s12+$0x0], $0xffff  }
0x1c7: {  	s8 =	simm.s32 $0x70;
	v58 =	vor.u32 s5, v0;
	v20 =	vadd.s32 $0x3C, v6;
	v4 =	vor.u32 v14, v4;
	v21 =	vld.idx.msk [tilespmem:v12+s12+$0x0], $0xffff  }
0x1c8: {  	v17 =	vadd.s32 $0x14, v12;
	v4 =	vadd.s32 v15, v4;
	v19 =	vor.u32 s8, v0  }
0x1c9: {  	v13 =	vld.idx.msk [tilespmem:v13+s12+$0x0], $0xffff;
	s26 =	sadd.s32 $0x10900, s3;
	v8 =	vadd.s32 $0x14, v3;
	v22 =	vadd.s32 $0x2000, v4;
	v15 =	vmulhi.u32 $0x51EB851F, v19  }
0x1ca: {  	s31 =	sand.u32 $0x60, s18;
	s16 =	sadd.s32 $0x10800, s0;
	v9 =	vadd.s32 $0x28, v3;
	v26 =	vld.idx.msk [tilespmem:v3+s12+$0x0], $0xffff;
	s14 =	sor.u32 s1, s26;
	v14 =	vadd.s32 $0x3C, v3;
	v4 =	vadd.s32 $0x50, v3  }
0x1cb: {  	s18 =	sor.u32 s31, s16;
	v18 =	vld.idx.msk [tilespmem:v18+s2+$0x0], $0xffff;
	v25 =	vshrl.u32 v15, $0x6;
	v49 =	vshll.u32 v15, $0x2;
	[tilespmem:s14+$0x0] =	vst v16;
	v16 =	vshrl.u32 v48, $0x6  }
0x1cc: {  	v15 =	vshll.u32 v15, $0x1;
	v3 =	vmul.u32 $0xFFFFFF38, v25;
	[tilespmem:s18+$0x0] =	vst v21;
	v20 =	vld.idx.msk [tilespmem:v20+s12+$0x0], $0xffff;
	v21 =	vmul.u32 $0xFFFFFF38, v16  }
0x1cd: {  	v51 =	vadd.s32 $0x28, v12;
	v50 =	vand.u32 $0x7FFFF800, v49;
	v15 =	vand.u32 $0x380, v15;
	v17 =	vld.idx.msk [tilespmem:v17+s12+$0x0], $0xffff  }
0x1ce: {  	v15 =	vor.u32 v15, v50;
	v19 =	vadd.s32 v19, v3;
	v3 =	vld.idx.msk [tilespmem:v22+s2+$0x0], $0xffff;
	vm13 =	vne.s32 v21, v29  }
0x1cf: {  	s11 =	sor.u32 s6, s7;
	s21 =	sadd.s32 $0x10980, s3;
	v22 =	vand.u32 $0x7F, v19;
	v19 =	vshll.u32 v19, $0x3;
	vm0 =	vmand vm12, vm13  }
0x1d0: {  	[tilespmem:s11+$0x0] =	vst v13;
	s7 =	sor.u32 s1, s21;
	v13 =	vand.u32 $0xFFFFFC00, v19;
	v15 =	vor.u32 v22, v15;
	v19 =	vsel vm0, $0xFFFFFFFF, v1  }
0x1d1: {  	v61 =	vmov s5;
	s9 =	sor.u32 s25, s16;
	v7 =	vld.idx.msk [tilespmem:v7+s12+$0x0], $0xffff;
	s14 =	sadd.s32 $0x10880, s0;
	v13 =	vadd.s32 v13, v15;
	[tilespmem:s7+$0x0] =	vst v20;
	v16 =	vadd.s32 v19, v16  }
0x1d2: {  	v6 =	vadd.s32 $0x64, v6;
	[tilespmem:s9+$0x0] =	vst v26;
	s9 =	sor.u32 s31, s14;
	v13 =	vadd.s32 $0x2000, v13;
	v15 =	vld.idx.msk [tilespmem:v27+s12+$0x0], $0xffff;
	v20 =	vmul.u32 $0xFFFFFF38, v16  }
0x1d3: {  	v21 =	vld.idx.msk [tilespmem:v8+s12+$0x0], $0xffff;
	[tilespmem:s9+$0x0] =	vst v17;
	v17 =	vadd.s32 $0x3C, v12;
	v8 =	vshll.u32 v16, $0x8;
	v16 =	vshll.u32 v16, $0x7  }
0x1d4: {  	v22 =	vld.idx.msk [tilespmem:v51+s12+$0x0], $0xffff;
	v8 =	vand.u32 $0xFFFFF800, v8;
	v16 =	vand.u32 $0x380, v16;
	v20 =	vadd.s32 v23, v20  }
0x1d5: {  	s10 =	sor.u32 s6, s26;
	s11 =	sadd.s32 $0x10A00, s3;
	v23 =	vld.idx.msk [tilespmem:v18+s12+$0x0], $0xffff;
	v8 =	vor.u32 v16, v8;
	v52 =	vand.u32 $0x7F, v20;
	v16 =	vshll.u32 v20, $0x3  }
0x1d6: {  	v60 =	vsub.s32 $0x0, v58;
	s16 =	sor.u32 s1, s11;
	[tilespmem:s10+$0x0] =	vst v7;
	s9 =	simm.s32 $0x90;
	v20 =	vld.idx.msk [tilespmem:v3+s12+$0x0], $0xffff;
	v7 =	vand.u32 $0xFFFFFC00, v16;
	v8 =	vor.u32 v52, v8  }
0x1d7: {  	s10 =	sadd.s32 $0x10900, s0;
	v54 =	vor.u32 s9, v0;
	v16 =	vld.idx.msk [tilespmem:v5+s12+$0x0], $0xffff;
	[tilespmem:s16+$0x0] =	vst v15;
	v15 =	vadd.s32 $0x14, v3;
	s16 =	simm.s32 $0x200;
	v5 =	vadd.s32 v7, v8  }
0x1d8: {  	v53 =	vadd.s32 $0x28, v18;
	s18 =	sor.u32 s31, s10;
	v56 =	vmulhi.u32 $0x51EB851F, v54;
	v7 =	vld.idx.msk [tilespmem:v13+s2+$0x0], $0xffff;
	s26 =	sand.u32 $0xFC00, s16;
	v57 =	vadd.s32 $0x2000, v5  }
0x1d9: {  	s28 =	sand.u32 $0x60, s28;
	s14 =	sor.u32 s25, s14;
	v19 =	vadd.s32 $0x14, v18;
	v8 =	vadd.s32 $0x3C, v18;
	[tilespmem:s18+$0x0] =	vst v22;
	v13 =	vmulhi.u32 $0x51EB851F, v58;
	v55 =	vld.idx.msk [tilespmem:v6+s12+$0x0], $0xffff;
	s16 =	sadd.s32 $0x10800, s26  }
0x1da: {  	[tilespmem:s14+$0x0] =	vst v21;
	v6 =	vadd.s32 $0x50, v18;
	v17 =	vld.idx.msk [tilespmem:v17+s12+$0x0], $0xffff;
	v5 =	vadd.s32 $0x64, v18;
	v18 =	vshrl.u32 v56, $0x6;
	s18 =	sor.u32 s28, s16  }
0x1db: {  	v21 =	vadd.s32 $0x50, v12;
	v22 =	vshrl.u32 v13, $0x6;
	[tilespmem:s18+$0x0] =	vst v20;
	v20 =	vld.idx.msk [tilespmem:v9+s12+$0x0], $0xffff;
	v9 =	vmul.u32 $0xFFFFFF38, v18  }
0x1dc: {  	s29 =	sand.u32 $0x70, s29;
	vm15 =	veq.s32 v61, v0;
	s13 =	sor.u32 s6, s21;
	v13 =	vshll.u32 v56, $0x1;
	v59 =	vmul.u32 $0xFFFFFF38, v22;
	v15 =	vld.idx.msk [tilespmem:v15+s12+$0x0], $0xffff  }
0x1dd: {  	s14 =	sadd.s32 $0x10980, s0;
	s21 =	sor.u32 s29, s16;
	v13 =	vand.u32 $0x380, v13;
	v18 =	vshll.u32 v56, $0x2;
	[tilespmem:s13+$0x0] =	vst v16;
	v16 =	vadd.s32 v54, v9;
	v9 =	vld.idx.msk [tilespmem:v57+s2+$0x0], $0xffff  }
0x1de: {  	s7 =	sor.u32 s31, s14;
	[tilespmem:s21+$0x0] =	vst v23;
	v23 =	vadd.s32 $0x28, v3;
	v18 =	vand.u32 $0x7FFFF800, v18;
	v11 =	vld.idx.msk [tilespmem:v11+s12+$0x0], $0xffff;
	vm14 =	vne.s32 v59, v60  }
0x1df: {  	v62 =	vld.idx.msk [tilespmem:v19+s12+$0x0], $0xffff;
	[tilespmem:s7+$0x0] =	vst v17;
	vm0 =	vmand vm15, vm14;
	v18 =	vor.u32 v13, v18  }
0x1e0: {  	s10 =	sor.u32 s25, s10;
	s13 =	sadd.s32 $0x10880, s26;
	v17 =	vand.u32 $0x7F, v16;
	v16 =	vshll.u32 v16, $0x3;
	v21 =	vld.idx.msk [tilespmem:v21+s12+$0x0], $0xffff;
	v19 =	vsel vm0, $0xFFFFFFFF, v1  }
0x1e1: {  	s16 =	sor.u32 s28, s13;
	v16 =	vand.u32 $0xFFFFFC00, v16;
	v13 =	vld.idx.msk [tilespmem:v7+s12+$0x0], $0xffff;
	v17 =	vor.u32 v17, v18;
	[tilespmem:s10+$0x0] =	vst v20;
	v20 =	vadd.s32 $0x64, v12  }
0x1e2: {  	s11 =	sor.u32 s6, s11;
	s18 =	sadd.s32 $0x10A80, s3;
	v12 =	vadd.s32 $0x14, v7;
	[tilespmem:s16+$0x0] =	vst v15;
	v63 =	vld.idx.msk [tilespmem:v14+s12+$0x0], $0xffff;
	v14 =	vadd.s32 v19, v22;
	v15 =	vadd.s32 v16, v17  }
0x1e3: {  	s21 =	sor.u32 s1, s18;
	s7 =	sadd.s32 $0x10A00, s0;
	[tilespmem:s11+$0x0] =	vst v11;
	v11 =	vadd.s32 $0x28, v7;
	v16 =	vld.idx.msk [tilespmem:v23+s12+$0x0], $0xffff;
	v18 =	vmul.u32 $0xFFFFFF38, v14;
	v19 =	vadd.s32 $0x2000, v15  }
0x1e4: {  	s3 =	sand.u32 $0x70, s8;
	s8 =	simm.s32 $0x8;
	[tilespmem:s21+$0x0] =	vst v55;
	s10 =	sor.u32 s31, s7;
	v17 =	vld.idx.msk [tilespmem:v10+s12+$0x0], $0xffff;
	v15 =	vshll.u32 v14, $0x8;
	v14 =	vshll.u32 v14, $0x7;
	v10 =	vadd.s32 $0x3C, v3  }
0x1e5: {  	s1 =	sand.u32 $0x70, s9;
	s13 =	sor.u32 s29, s13;
	s9 =	simm.s32 $0x300;
	v15 =	vand.u32 $0xFFFFF800, v15;
	v14 =	vand.u32 $0x380, v14;
	[tilespmem:s10+$0x0] =	vst v21;
	v22 =	vadd.s32 v58, v18;
	v18 =	vld.idx.msk [tilespmem:v9+s12+$0x0], $0xffff  }
0x1e6: {  	s21 =	sadd.s32 $0x10900, s26;
	s11 =	sor.u32 s6, s18;
	s16 =	sor.u32 s25, s14;
	[tilespmem:s13+$0x0] =	vst v62;
	v14 =	vor.u32 v14, v15;
	v23 =	vand.u32 $0x7F, v22;
	v21 =	vshll.u32 v22, $0x3;
	v15 =	vld.idx.msk [tilespmem:v20+s12+$0x0], $0xffff  }
0x1e7: {  	s6 =	sor.u32 s25, s7;
	s13 =	simm.s32 $0xB0;
	s18 =	sor.u32 s28, s21;
	v20 =	vadd.s32 $0x14, v9;
	v21 =	vand.u32 $0xFFFFFC00, v21;
	v22 =	vor.u32 v23, v14;
	v14 =	vld.idx.msk [tilespmem:v53+s12+$0x0], $0xffff;
	[tilespmem:s16+$0x0] =	vst v63  }
.LBB2_9:
0x1e8: {  	s16 =	sadd.s32 $0xFFFFFFF0, s13;
	v23 =	vor.u32 s13, v0;
	s14 =	sand.u32 $0x70, s13;
	v21 =	vadd.s32 v21, v22;
	v19 =	vld.idx.msk [tilespmem:v19+s2+$0x0], $0xffff;
	s10 =	sand.u32 $0xFC00, s9;
	v22 =	vadd.s32 $0x3C, v7;
	[tilespmem:s18+$0x0] =	vst v16  }
0x1e9: {  	s8 =	sadd.s32 $0x2, s8;
	s18 =	sand.u32 $0x60, s30;
	v24 =	vadd.s32 $0x50, v7;
	v16 =	vmulhi.u32 $0x51EB851F, v23;
	v21 =	vadd.s32 $0x2000, v21;
	s30 =	sadd.s32 $0x10800, s10;
	v10 =	vld.idx.msk [tilespmem:v10+s12+$0x0], $0xffff;
	[tilespmem:s11+$0x0] =	vst v17  }
0x1ea: {  	v26 =	vadd.s32 $0x64, v7;
	s0 =	sadd.s32 $0x10A80, s0;
	v25 =	vor.u32 s16, v0;
	p0 =	slt.u32 s8, $0x18E;
	s11 =	sor.u32 s18, s30;
	v17 =	vld.idx.msk [tilespmem:v4+s12+$0x0], $0xffff;
	v4 =	vmovc v6;
	v6 =	vmov v24  }
0x1eb: {  	s21 =	sor.u32 s29, s21;
	v28 =	vmulhi.u32 $0x51EB851F, v25;
	s7 =	sor.u32 s3, s30;
	v24 =	vshrl.u32 v16, $0x6;
	[tilespmem:s11+$0x0] =	vst v18;
	v18 =	vadd.s32 $0x50, v3;
	s11 =	sor.u32 s31, s0  }
0x1ec: {  	s30 =	smov.u32 s5;
	s5 =	smov.u32 s16;
	v27 =	vshll.u32 v16, $0x2;
	v16 =	vshll.u32 v16, $0x1;
	v24 =	vmul.u32 $0xFFFFFF38, v24;
	v20 =	vld.idx.msk [tilespmem:v20+s12+$0x0], $0xffff;
	[tilespmem:s11+$0x0] =	vst v15;
	s11 =	sor.u32 s25, s0  }
0x1ed: {  	v15 =	vshrl.u32 v28, $0x6;
	v27 =	vand.u32 $0x7FFFF800, v27;
	v16 =	vand.u32 $0x380, v16;
	s0 =	sadd.s32 $0x10980, s26;
	s25 =	smov.u32 s29;
	s29 =	smov.u32 s3;
	[tilespmem:s7+$0x0] =	vst v13  }
0x1ee: {  	s3 =	smov.u32 s1;
	v13 =	vmul.u32 $0xFFFFFF38, v15;
	s7 =	sor.u32 s28, s0;
	s16 =	sor.u32 s25, s0;
	v7 =	vmovc v19;
	v23 =	vadd.s32 v23, v24;
	v21 =	vld.idx.msk [tilespmem:v21+s2+$0x0], $0xffff;
	v24 =	vadd.s32 $0x28, v9;
	[tilespmem:s21+$0x0] =	vst v14  }
0x1ef: {  	v28 =	vsub.s32 $0x0, v25;
	s1 =	smov.u32 s14;
	s0 =	smov.u32 s26;
	s26 =	smov.u32 s10;
	v14 =	vmov s5;
	v29 =	vand.u32 $0x7F, v23;
	v30 =	vld.idx.msk [tilespmem:v12+s12+$0x0], $0xffff;
	[tilespmem:s7+$0x0] =	vst v10  }
0x1f0: {  	s31 =	smov.u32 s28;
	s28 =	smov.u32 s18;
	vm0 =	veq.s32 v14, v0;
	vm1 =	vne.s32 v13, v28;
	v10 =	vshll.u32 v23, $0x3;
	s7 =	sadd.s32 $0x10880, s26;
	v14 =	vld.idx.msk [tilespmem:v18+s12+$0x0], $0xffff;
	[tilespmem:s6+$0x0] =	vst v17  }
0x1f1: {  	v12 =	vor.u32 v16, v27;
	vm0 =	vmand vm0, vm1;
	v10 =	vand.u32 $0xFFFFFC00, v10;
	s6 =	sor.u32 s28, s7;
	s7 =	sor.u32 s29, s7;
	v13 =	vld.idx.msk [tilespmem:v19+s12+$0x0], $0xffff  }
0x1f2: {  	v12 =	vor.u32 v29, v12;
	v16 =	vsel vm0, $0xFFFFFFFF, v1;
	[tilespmem:s6+$0x0] =	vst v20;
	v20 =	vadd.s32 $0x64, v3;
	v23 =	vld.idx.msk [tilespmem:v8+s12+$0x0], $0xffff;
	v8 =	vmovc v22  }
0x1f3: {  	v10 =	vadd.s32 v10, v12;
	v12 =	vadd.s32 $0x14, v7;
	v15 =	vadd.s32 v16, v15;
	v3 =	vmovc v9;
	v16 =	vld.idx.msk [tilespmem:v24+s12+$0x0], $0xffff  }
.Ltmp3:
0x1f4: {  	v19 =	vadd.s32 $0x2000, v10;
	s6 =	sadd.s32 $0x10A00, s0;
	v18 =	vmul.u32 $0xFFFFFF38, v15;
	v24 =	vadd.s32 $0x28, v7;
	v17 =	vld.idx.msk [tilespmem:v2+s12+$0x0], $0xffff;
	v2 =	vmovc v5;
	v5 =	vmovc v26;
	(pc) =	sbr.rel @p0 .LBB2_9-.Ltmp3, $4  }
0x1f5: {  	v22 =	vshll.u32 v15, $0x8;
	v15 =	vshll.u32 v15, $0x7;
	v10 =	vadd.s32 $0x3C, v3;
	v9 =	vmovc v21;
	[tilespmem:s7+$0x0] =	vst v30;
	s7 =	sor.u32 s31, s6;
	s6 =	sor.u32 s25, s6  }
0x1f6: {  	v22 =	vand.u32 $0xFFFFF800, v22;
	v15 =	vand.u32 $0x380, v15;
	v25 =	vadd.s32 v25, v18;
	v18 =	vld.idx.msk [tilespmem:v21+s12+$0x0], $0xffff;
	[tilespmem:s7+$0x0] =	vst v14  }
0x1f7: {  	s21 =	sadd.s32 $0x10900, s26;
	v22 =	vor.u32 v15, v22;
	v14 =	vand.u32 $0x7F, v25;
	v21 =	vshll.u32 v25, $0x3;
	v15 =	vld.idx.msk [tilespmem:v20+s12+$0x0], $0xffff  }
0x1f8: {  	s13 =	sadd.s32 $0x20, s13;
	s9 =	sadd.s32 $0x100, s9;
	s18 =	sor.u32 s28, s21;
	v21 =	vand.u32 $0xFFFFFC00, v21;
	v22 =	vor.u32 v14, v22;
	v20 =	vadd.s32 $0x14, v9;
	v14 =	vld.idx.msk [tilespmem:v11+s12+$0x0], $0xffff;
	[tilespmem:s16+$0x0] =	vst v23;
	v11 =	vmovc v24  }
0x1f9: {  	v21 =	vadd.s32 v21, v22  }
0x1fa: {  	v21 =	vadd.s32 $0x2000, v21;
	_ =	sdelay $0x3  }
0x1fb: {  	v19 =	vld.idx.msk [tilespmem:v19+s2+$0x0], $0xffff  }
0x1fc: {  	v21 =	vld.idx.msk [tilespmem:v21+s2+$0x0], $0xffff;
	_ =	sdelay $0x5  }
0x1fd: {  	s8 =	sand.u32 $0xFC00, s9  }
0x1fe: {  	[tilespmem:s18+$0x0] =	vst v16;
	s13 =	sand.u32 $0x60, s30;
	s7 =	sadd.s32 $0x10800, s8;
	v42 =	vld.idx.msk [tilespmem:v19+s12+$0x0], $0xffff  }
0x1ff: {  	s16 =	sadd.s32 $0x100, s9;
	[tilespmem:s11+$0x0] =	vst v17;
	s10 =	sor.u32 s13, s7;
	s7 =	sor.u32 s3, s7;
	v43 =	vadd.s32 $0x14, v19;
	v41 =	vld.idx.msk [tilespmem:v21+s12+$0x0], $0xffff  }
0x200: {  	s0 =	sadd.s32 $0x10A80, s0;
	v4 =	vld.idx.msk [tilespmem:v4+s12+$0x0], $0xffff;
	s9 =	sand.u32 $0xFC00, s16;
	[tilespmem:s7+$0x0] =	vst v13;
	v23 =	vadd.s32 $0x14, v21  }
0x201: {  	s14 =	sor.u32 s31, s0;
	s18 =	sadd.s32 $0x10800, s9;
	[tilespmem:s10+$0x0] =	vst v18;
	v12 =	vld.idx.msk [tilespmem:v12+s12+$0x0], $0xffff  }
0x202: {  	s5 =	sand.u32 $0x60, s5;
	s11 =	sor.u32 s1, s18;
	[tilespmem:s14+$0x0] =	vst v15;
	v18 =	vld.idx.msk [tilespmem:v20+s12+$0x0], $0xffff  }
0x203: {  	v44 =	vadd.s32 $0x28, v9;
	s30 =	sor.u32 s5, s18;
	[tilespmem:s11+$0x0] =	vst v42  }
0x204: {  	s18 =	sadd.s32 $0x10880, s8;
	v16 =	vld.idx.msk [tilespmem:v43+s12+$0x0], $0xffff;
	[tilespmem:s30+$0x0] =	vst v41  }
0x205: {  	s10 =	sor.u32 s3, s18;
	v47 =	vadd.s32 $0x28, v19;
	[tilespmem:s6+$0x0] =	vst v4;
	v45 =	vld.idx.msk [tilespmem:v23+s12+$0x0], $0xffff  }
0x206: {  	s16 =	sor.u32 s29, s21;
	s21 =	sor.u32 s13, s18;
	v2 =	vld.idx.msk [tilespmem:v2+s12+$0x0], $0xffff;
	[tilespmem:s10+$0x0] =	vst v12;
	v46 =	vadd.s32 $0x28, v21  }
0x207: {  	[tilespmem:s21+$0x0] =	vst v18;
	v11 =	vld.idx.msk [tilespmem:v11+s12+$0x0], $0xffff;
	s30 =	sadd.s32 $0x10880, s9  }
0x208: {  	v50 =	vadd.s32 $0x3C, v7;
	[tilespmem:s16+$0x0] =	vst v14;
	v13 =	vld.idx.msk [tilespmem:v44+s12+$0x0], $0xffff;
	s7 =	sor.u32 s1, s30  }
0x209: {  	v49 =	vadd.s32 $0x3C, v9;
	v10 =	vld.idx.msk [tilespmem:v10+s12+$0x0], $0xffff;
	s31 =	sor.u32 s5, s30;
	[tilespmem:s7+$0x0] =	vst v16  }
0x20a: {  	v48 =	vadd.s32 $0x50, v3;
	s0 =	sor.u32 s25, s0;
	s16 =	sadd.s32 $0x10900, s8;
	v14 =	vld.idx.msk [tilespmem:v47+s12+$0x0], $0xffff;
	[tilespmem:s31+$0x0] =	vst v45  }
0x20b: {  	v53 =	vadd.s32 $0x3C, v19;
	s21 =	sor.u32 s3, s16;
	[tilespmem:s0+$0x0] =	vst v2;
	v15 =	vld.idx.msk [tilespmem:v46+s12+$0x0], $0xffff  }
0x20c: {  	s18 =	sor.u32 s13, s16;
	v8 =	vld.idx.msk [tilespmem:v8+s12+$0x0], $0xffff;
	v51 =	vadd.s32 $0x3C, v21;
	s11 =	sadd.s32 $0x10980, s26;
	[tilespmem:s21+$0x0] =	vst v11  }
0x20d: {  	s14 =	sor.u32 s28, s11;
	[tilespmem:s18+$0x0] =	vst v13;
	v55 =	vld.idx.msk [tilespmem:v50+s12+$0x0], $0xffff;
	s30 =	sadd.s32 $0x10900, s9  }
0x20e: {  	v56 =	vadd.s32 $0x50, v7;
	[tilespmem:s14+$0x0] =	vst v10;
	v12 =	vld.idx.msk [tilespmem:v49+s12+$0x0], $0xffff;
	s14 =	sor.u32 s1, s30  }
0x20f: {  	v54 =	vadd.s32 $0x50, v9;
	v52 =	vld.idx.msk [tilespmem:v48+s12+$0x0], $0xffff;
	s31 =	sor.u32 s5, s30;
	[tilespmem:s14+$0x0] =	vst v14  }
0x210: {  	v3 =	vadd.s32 $0x64, v3;
	s18 =	sor.u32 s29, s11;
	s21 =	sadd.s32 $0x10980, s8;
	v4 =	vld.idx.msk [tilespmem:v53+s12+$0x0], $0xffff;
	[tilespmem:s31+$0x0] =	vst v15  }
0x211: {  	v58 =	vadd.s32 $0x50, v19;
	[tilespmem:s18+$0x0] =	vst v8;
	s7 =	sor.u32 s3, s21;
	v10 =	vld.idx.msk [tilespmem:v51+s12+$0x0], $0xffff  }
0x212: {  	s10 =	sadd.s32 $0x10A00, s26;
	v57 =	vadd.s32 $0x50, v21;
	v6 =	vld.idx.msk [tilespmem:v6+s12+$0x0], $0xffff;
	[tilespmem:s7+$0x0] =	vst v55;
	s30 =	sor.u32 s13, s21  }
0x213: {  	s16 =	sor.u32 s28, s10;
	v60 =	vld.idx.msk [tilespmem:v56+s12+$0x0], $0xffff;
	[tilespmem:s30+$0x0] =	vst v12;
	s31 =	sadd.s32 $0x10980, s9  }
0x214: {  	[tilespmem:s16+$0x0] =	vst v52;
	v11 =	vld.idx.msk [tilespmem:v54+s12+$0x0], $0xffff;
	s6 =	sor.u32 s1, s31  }
0x215: {  	v59 =	vadd.s32 $0x64, v9;
	v3 =	vld.idx.msk [tilespmem:v3+s12+$0x0], $0xffff;
	s11 =	sor.u32 s5, s31;
	[tilespmem:s6+$0x0] =	vst v4  }
0x216: {  	v61 =	vadd.s32 $0x64, v7;
	s16 =	sadd.s32 $0x10A00, s8;
	s14 =	sor.u32 s29, s10;
	v4 =	vld.idx.msk [tilespmem:v58+s12+$0x0], $0xffff;
	[tilespmem:s11+$0x0] =	vst v10  }
0x217: {  	v62 =	vadd.s32 $0x64, v19;
	s0 =	sor.u32 s3, s16;
	[tilespmem:s14+$0x0] =	vst v6;
	v10 =	vld.idx.msk [tilespmem:v57+s12+$0x0], $0xffff  }
0x218: {  	v2 =	vadd.s32 $0x64, v21;
	s18 =	sor.u32 s13, s16;
	s30 =	sadd.s32 $0x10A80, s26;
	[tilespmem:s0+$0x0] =	vst v60  }
0x219: {  	s21 =	sadd.s32 $0x10A00, s9;
	v5 =	vld.idx.msk [tilespmem:v5+s12+$0x0], $0xffff;
	[tilespmem:s18+$0x0] =	vst v11;
	s31 =	sor.u32 s28, s30  }
0x21a: {  	v63 =	vld.idx.msk [tilespmem:v59+s12+$0x0], $0xffff;
	s6 =	sor.u32 s1, s21;
	[tilespmem:s31+$0x0] =	vst v3  }
0x21b: {  	s25 =	sor.u32 s5, s21;
	v7 =	vld.idx.msk [tilespmem:v61+s12+$0x0], $0xffff;
	[tilespmem:s6+$0x0] =	vst v4  }
0x21c: {  	v3 =	vld.idx.msk [tilespmem:v62+s12+$0x0], $0xffff;
	[tilespmem:s25+$0x0] =	vst v10  }
0x21d: {  	s10 =	sor.u32 s29, s30;
	s11 =	sadd.s32 $0x10A80, s8;
	v2 =	vld.idx.msk [tilespmem:v2+s12+$0x0], $0xffff  }
0x21e: {  	[tilespmem:s10+$0x0] =	vst v5;
	s14 =	sor.u32 s13, s11  }
0x21f: {  	s18 =	sadd.s32 $0x10A80, s9;
	s16 =	sor.u32 s3, s11;
	[tilespmem:s14+$0x0] =	vst v63  }
0x220: {  	s23 =	sadd.s32 $0xC00, s23;
	s22 =	sadd.s32 $0x1, s22;
	[tilespmem:s16+$0x0] =	vst v7;
	s25 =	sor.u32 s1, s18  }
0x221: {  	p0 =	sne.s32 s22, $0x8;
	s26 =	sand.u32 $0x3C00, s23;
	s21 =	sor.u32 s5, s18;
	[tilespmem:s25+$0x0] =	vst v3  }
.Ltmp4:
0x222: {  	s29 =	simm.s32 $0x2000;
	s28 =	sadd.s32 s26, s4;
	[tilespmem:s21+$0x0] =	vst v2;
	(pc) =	sbr.rel @p0 .LBB2_6-.Ltmp4, $4  }
0x223: {  	[tilespmem:s29], [sflag:$0x2] =	stream.linear.gather [hbm4b:s28+s2], $0x2000, $0x38;
	[tilespmem:$0x1D080] =	vst v63  }
0x224: {  	s30 =	rddreg [dreg:$0x9]  }
0x225: {  	s31 =	simm.s32 $0x10800;
	s0 =	sadd.s32 s24, s30  }
0x226: {  	[hbm4b:s0+s2] =	stream.linear.scatter [tilespmem:s31], [sflag:$0x4], $0xC800, $0x38;
	[tilespmem:$0x1D080] =	vst v63  }
0x227: {  	_ =	swait.ge [sflag:s15], $0x2000  }
0x228: {  	[sflag:s15] =	ssyncset.done $0x0  }
0x229: {  	[sflag:s15] =	ssyncadd.s32 $0xFFFFE000  }
0x22a: {  	_ =	swait.ge [sflag:s19], $0xC800  }
0x22b: {  	[sflag:s19] =	ssyncset.done $0x0  }
0x22c: {  	[sflag:s19] =	ssyncadd.s32 $0xFFFF3800  }
0x22d: {  	_ =	swait.ge [sflag:s17], $0x2000  }
0x22e: {  	[sflag:s17] =	ssyncset.done $0x0  }
0x22f: {  	[sflag:s17] =	ssyncadd.s32 $0xFFFFE000  }
0x230: {  	_ =	swait.ge [sflag:s20], $0xC800  }
0x231: {  	s1 =	rddreg [dreg:$0xb]  }
0x232: {  	s0 =	rddreg [dreg:$0xa];
	s1 =	sadd.s32 $0x1, s1  }
0x233: {  	p0 =	sne.s32 s1, s0  }
.Ltmp5:
0x234: {  	_ = 	snop;
	(pc) =	sbr.rel @p0 .LBB2_1-.Ltmp5, $3  }
0x235: {  	_ =	sdelay $0x1  }
0x236: {  	[sflag:s20] =	ssyncset.done $0x0  }
0x237: {  	[sflag:s20] =	ssyncadd.s32 $0xFFFF3800  }
0x238: {  	_ =	sfence.sel $0x180000  }
0x239: {  	[bflag:$0x0] =	sbarrier.arrive $0xFFFF  }
0x23a: {  	_ =	strace $0x90000047  }
0x23b: {  	s0 =	stileid.u32;
	[bflag:$0x2] =	sbarrier.arrive $0xFFFF  }
0x23c: {  	p0 =	sne.s32 s0, $0x0;
	s0 =	rddreg [dreg:$0x2]  }
0x23d: {  	s0 =	sadd.s32 @!p0 $0x100000, s0  }
0x23e: {  	[sflag:s0] =	ssyncadd.tile.s32 @!p0 $0x1;
	_ =	shalt  }
.Lfunc_end2:
_tile_overlayer_lowered:
.L_overlay_start_2:
0x23f: {  	(tag) =	ssettag $0x2  }
0x240: {  	s0 =	rddreg [dreg:$0x0];
	s2 =	stileid.u32  }
0x241: {  	s1 =	rddreg [dreg:$0x1];
	p0 =	sne.s32 s2, $0x0  }
0x242: {  	s3 =	rddreg [dreg:$0x2];
	[bflag:$0x3] =	sbarrier.arrive $0xFFFF;
	s2 =	simm.s32 @!p0 $0x1C05  }
0x243: {  	[timem:s3], [sflag:s2] =	dma.local @!p0 [hbm:s0], s1  }
0x244: {  	s0 =	simm.s32 @!p0 $0x5  }
0x245: {  	_ =	swait.ge @!p0 [sflag:s0], s1  }
0x246: {  	s1 =	ssub.s32 @!p0 $0x0, s1;
	[sflag:s0] =	ssyncset.done @!p0 $0x0  }
0x247: {  	[sflag:s0] =	ssyncadd.s32 @!p0 s1  }
0x248: {  	[bflag:$0x3] =	sbarrier.arrive $0xFFFF  }
0x249: {  	_ =	shalt  }

// kernel: sparse-core-data-format-call.cloned.1.call-start
scs
called_computation_lowered:
.L_overlay_start_0:
0x0: {  	s2 =	sld [smem:$0x3FD9]  }
0x1: {  	s3 =	sld [smem:$0x3FFE];
	_ =	sdelay $0x1  }
0x2: {  	s1 =	srdreg.scid  }
0x3: {  	s0 =	sand.u32 $0x1, s1  }
0x4: {  	s18 =	sshll.u32 s0, $0xA;
	s2 =	sadd.s32 s3, s2  }
0x5: {  	s2 =	sadd.s32 s2, s18  }
0x6: {  	[smem:$0x3FC6] =	sst s2  }
0x7: {  	_ = 	snop  }
0x8: {  	s2 =	sld [smem:$0x3FD0];
	(tm) =	ssettm $0x1  }
0x9: {  	s19 =	sld [smem:$0x3FFB];
	_ =	sdelay $0x3  }
0xa: {  	_ =	strace s19  }
0xb: {  	s3 =	sld [smem:$0x3FFC];
	_ =	sdelay $0x3  }
0xc: {  	_ =	strace s3  }
0xd: {  	s3 =	sld [smem:$0x3FFD];
	_ =	sdelay $0x3  }
0xe: {  	_ =	strace s3  }
0xf: {  	_ =	strace $0x8FFFFFFF  }
0x10: {  	s20 =	sld [smem:$0x3FDB];
	_ =	sdelay $0x1  }
0x11: {  	s4 =	simm.s32 $_scs_section_size  }
0x12: {  	s5 =	simm.s32 $_size__tile_overlayer_lowered;
	s6 =	simm.s32 $_tile_overlayer_lowered  }
0x13: {  	s23 =	simm.s32 $0x1BFF;
	s22 =	sshll.u32 s6, $0x1;
	s3 =	sadd.s32 s4, s20  }
0x14: {  	s7 =	simm.s32 $0x0;
	s21 =	sshll.u32 s5, $0x1;
	s5 =	sadd.s32 s22, s3  }
0x15: {  	[timem:s7], [sflag:s23] =	dma.local [hbm:s5], s21  }
0x16: {  	_ =	swait.ge [sflag:s23], s21  }
0x17: {  	s4 =	ssub.s32 $0x0, s21;
	[sflag:s23] =	ssyncset.done $0x0  }
0x18: {  	[sflag:s23] =	ssyncadd.s32 s4;
	_ =	sdelay $0x1  }
0x19: {  	s24 =	simm.s32 $0x1B8B  }
0x1a: {  	_ =	swait.ge [sflag:s24], $0x1  }
0x1b: {  	[sflag:s24] =	ssyncset.done $0x0  }
0x1c: {  	s26 =	simm.s32 $0x1B8E;
	s25 =	sld [smem:$0x3FFE];
	[sflag:s24] =	ssyncadd.s32 $0xFFFFFFFF  }
0x1d: {  	s27 =	simm.s32 $execute0_lowered;
	[smem:$0x3FD2] =	sst s26  }
0x1e: {  	s5 =	sshll.u32 s27, $0x1;
	_ =	strace $0x80000049;
	[dreg:$0x1] =	wrdreg $0xFFFFFFFF  }
0x1f: {  	s28 =	simm.s32 $_size_execute0_lowered;
	s3 =	sadd.s32 s3, s5;
	[dreg:$0x0] =	wrdreg $0x0  }
0x20: {  	s5 =	sshll.u32 s28, $0x1;
	[dreg:$0x2] =	wrdreg s3  }
0x21: {  	[dreg:$0x3] =	wrdreg s5  }
0x22: {  	[dreg:$0x4] =	wrdreg $0xC0  }
0x23: {  	_ =	task [dreg:s7], $0x5FFFF  }
0x24: {  	[dreg:$0x1] =	wrdreg $0xFFFFFFFF  }
0x25: {  	[dreg:$0x0] =	wrdreg $0x60  }
0x26: {  	[dreg:$0x2] =	wrdreg s25  }
0x27: {  	[dreg:$0x3] =	wrdreg s2  }
0x28: {  	[dreg:$0x4] =	wrdreg $0x9  }
0x29: {  	_ =	task.clear_ibuf [dreg:s7], $0x5FFFF;
	_ =	strace $0x90000049  }
0x2a: {  	s29 =	simm.s32 $0x9;
	_ =	strace $0x8000004B  }
0x2b: {  	_ =	swait.ge [sflag:s29], $0x1  }
0x2c: {  	[sflag:s29] =	ssyncadd.s32 $0xFFFFFFFF  }
0x2d: {  	_ =	strace $0x9000004B  }
0x2e: {  	_ =	sfence  }
0x2f: {  	s30 =	sld [smem:$0x0];
	_ =	sdelay $0x2  }
0x30: {  	s31 =	sshll.u32 s1, $0xD;
	s1 =	sshrl.u32 s1, $0x2  }
0x31: {  	s3 =	sand.u32 $0x4000, s31;
	s1 =	sadd.s32 s1, s30  }
0x32: {  	s0 =	sor.u32 s3, s0;
	s1 =	sshll.u32 s1, $0x11  }
0x33: {  	s0 =	sor.u32 s1, s0  }
0x34: {  	s0 =	sadd.s32 $0x8F2B, s0  }
0x35: {  	[sflag:s0] =	ssyncadd.remote.s32 $0x1  }
0x36: {  	_ =	sfence.sel $0xFFFF  }
0x37: {  	[dreg:$0x0] =	wrdreg $0xFFFFFFFF;
	(pc) =	sbr.abs _section_cstart, $3  }
0x38: {  	[dreg:$0x1] =	wrdreg $0xFFFFFFFF  }
0x39: {  	_ =	task.clear_ibuf [dreg:s7], $0x2FFFF;
	_ =	strace $0x9FFFFFFF  }
0x3a: {  	(tm) =	ssettm $0x7FFFFFFF  }
0x3b: {  	_ =	shalt  }
tec
execute0_lowered:
.L_overlay_start_1:
0x0: {  	(tag) =	ssettag $0x1  }
0x1: {  	s5 =	rddreg [dreg:$0x0]  }
0x2: {  	s0 =	srdreg.scid;
	s2 =	rddreg [dreg:$0x1]  }
0x3: {  	s4 =	simm.s32 $0x1;
	s8 =	simm.s32 $0x2;
	s1 =	sshll.u32 s0, $0x4  }
0x4: {  	s14 =	simm.s32 $0x0;
	s0 =	stileid.u32;
	s1 =	sand.u32 $0x10, s1  }
0x5: {  	s15 =	simm.s32 $0x0;
	s9 =	simm.s32 $0x0;
	s1 =	sor.u32 s0, s1  }
0x6: {  	s10 =	simm.s32 $0x0;
	s12 =	simm.s32 $0x0;
	s3 =	sshll.u32 s1, $0xB  }
0x7: {  	s13 =	simm.s32 $0x0;
	s5 =	sadd.s32 $0xA00, s5;
	s6 =	ssub.s32 $0x320000, s3  }
.Ltmp0:
0x8: {  	s1 =	rddreg [dreg:$0x2];
	s7 =	sand.u32 $0xF800, s6;
	(pc) =	sbr.rel .LBB1_1-.Ltmp0, $4  }
0x9: {  	_ =	strace $0x8000004A;
	p0 =	sne.s32 s7, $0x0;
	s7 =	simm.s32 $0x1  }
0xa: {  	[sflag:s4] =	ssyncpa.u1 $0x0;
	s6 =	sshrl.u32 s6, $0x10;
	s7 =	simm.s32 @!p0 $0x0  }
0xb: {  	s11 =	smov.u32 s3;
	[sflag:s8] =	ssyncpa.u1 $0x0;
	s6 =	sadd.s32 s7, s6  }
0xc: {  	s8 =	simm.s32 $0x320000;
	p0 =	por $0x0, $0x0;
	s7 =	sadd.s32 $0x1, s6  }
.LBB1_7:
0xd: {  	p1 =	slt.u32 s13, $0x2  }
0xe: {  	s17 =	smov.u32 s15;
	p2 =	sgt.s32 @!p1 s15, $0xFFFFFFFE;
	s16 =	sshra.s32 @!p1 s15, $0x1F  }
0xf: {  	p3 =	sgt.s32 @!p1 s14, $0x31F800;
	s18 =	sshra.s32 @!p1 s14, $0x1F;
	p2 =	por !p2, p1  }
0x10: {  	s15 =	sand.u32 @!p1 s16, s15;
	p3 =	por !p3, p1;
	s16 =	smov.u32 s14  }
0x11: {  	s14 =	sand.u32 @!p1 s18, s14;
	s17 =	simm.s32 @p2 $0xFFFFFFFE;
	s16 =	simm.s32 @p3 $0x31F800  }
0x12: {  	s15 =	ssub.s32 @!p1 s17, s15;
	s14 =	ssub.s32 @!p1 s16, s14  }
0x13: {  	s18 =	smov.u32 s12;
	s16 =	sadd.s32 @!p1 $0x2, s15;
	s17 =	sadd.s32 @!p1 $0xFFCE0800, s14  }
0x14: {  	s15 =	ssub.s32 @!p1 $0x6, s15;
	p2 =	sgt.s32 @!p1 s16, $0x7;
	p3 =	sgt.s32 @!p1 s17, $0x7FF  }
0x15: {  	s14 =	ssub.s32 @!p1 $0x320000, s14;
	p2 =	por !p2, p1;
	p3 =	por !p3, p1  }
0x16: {  	s16 =	sadd.s32 $0x10000, s11;
	s15 =	simm.s32 @!p2 $0x0;
	s14 =	simm.s32 @!p3 $0x0  }
0x17: {  	p2 =	sgt.s32 s16, $0x31FFFF;
	s14 =	smul.u32 @!p1 s15, s14;
	s15 =	sadd.s32 $0x8, s12  }
0x18: {  	s18 =	smov.u32 @p2 s15  }
0x19: {  	s16 =	smov.u32 @p2 s3;
	p2 =	sgt.s32 s18, $0x5  }
0x1a: {  	s18 =	simm.s32 @p2 $0x0;
	p2 =	sne.s32 s13, s7  }
.Ltmp1:
0x1b: {  	p0 =	por !p0, !p0;
	s17 =	simm.s32 @!p1 $0x2;
	(pc) =	sbr.rel @!p2 .LBB1_8-.Ltmp1, $4  }
0x1c: {  	s15 =	smov.u32 s10;
	s10 =	smov.u32 s12;
	s14 =	sand.u32 @!p1 $0x3FFFFFFF, s14  }
0x1d: {  	_ =	swait.ge @!p1 [sflag:s17], s14;
	s19 =	ssub.s32 @!p1 $0x0, s14;
	s14 =	smov.u32 s9  }
0x1e: {  	s13 =	sadd.s32 $0x1, s13;
	s9 =	smov.u32 s11;
	[sflag:s17] =	ssyncset.done @!p1 $0x0  }
0x1f: {  	s11 =	smov.u32 s16;
	s12 =	smov.u32 s18;
	[sflag:s17] =	ssyncadd.s32 @!p1 s19  }
.LBB1_1:
0x20: {  	p1 =	sge.u32 s13, s6  }
0x21: {  	s16 =	sshrl.u32 @!p1 s12, $0x3  }
0x22: {  	s17 =	sshll.u32 @!p1 s11, $0x3;
	s18 =	sshll.u32 @!p1 s12, $0x7;
	s16 =	smul.u32 @!p1 $0x1900000, s16  }
0x23: {  	s19 =	sand.u32 @!p1 $0x7F, s11;
	s17 =	sand.u32 @!p1 $0xFFFFFC00, s17;
	s18 =	sand.u32 @!p1 $0x380, s18  }
0x24: {  	s16 =	sadd.s32 @!p1 s16, s17;
	s17 =	sor.u32 @!p1 s19, s18  }
0x25: {  	s17 =	sor.u32 @!p1 s16, s17  }
0x26: {  	s18 =	smulhi.u32 @!p1 $0x51EB851F, s17;
	_ =	sdelay $0x1  }
0x27: {  	s16 =	smulhi.u32 @!p1 $0x51EB851F, s16;
	s18 =	sshrl.u32 @!p1 s18, $0x14  }
0x28: {  	s18 =	smul.u32 @!p1 $0x320000, s18  }
0x29: {  	s16 =	sshrl.u32 @!p1 s16, $0x14  }
0x2a: {  	s16 =	sand.u32 @!p1 $0x7, s16;
	s17 =	ssub.s32 @!p1 s17, s18  }
0x2b: {  	s16 =	smul.u32 @!p1 $0x64000, s16;
	s18 =	sxor.u32 @!p1 $0xFFFFFFFF, s13;
	s19 =	sshrl.u32 @!p1 s17, $0x3  }
0x2c: {  	s31 =	sadd.s32 $0xFFFFFFFF, s13;
	s18 =	sshll.u32 @!p1 s18, $0xE;
	s19 =	sadd.s32 @!p1 s5, s19  }
0x2d: {  	s17 =	sand.u32 @!p1 $0x7, s17;
	s18 =	sand.u32 @!p1 $0x4000, s18;
	s16 =	sadd.s32 @!p1 s16, s19  }
0x2e: {  	[tilespmem:s18], [sflag:$0x1] =	stream.linear.gather @!p1 [hbm4b:s16+s17], $0x4000, $0x38;
	[tilespmem:$0x10000] =	vst v63  }
0x2f: {  	p1 =	sge.u32 s31, s6  }
.Ltmp2:
0x30: {  	_ = 	snop;
	(pc) =	sbr.rel @p1 .LBB1_7-.Ltmp2, $1  }
0x31: {  	_ =	sdelay $0x3  }
0x32: {  	s16 =	simm.s32 $0x1;
	_ =	swait.ge [sflag:s4], $0x4000;
	s19 =	sshll.u32 s13, $0xE  }
0x33: {  	s16 =	simm.s32 @!p0 $0x0;
	[sflag:s4] =	ssyncset.done $0x0;
	s31 =	sand.u32 $0x4000, s19  }
0x34: {  	s19 =	simm.s32 $0x0;
	s16 =	sshll.u32 s16, $0xE;
	[sflag:s4] =	ssyncadd.s32 $0xFFFFC000  }
0x35: {  	s17 =	sor.u32 $0x8100, s16;
	s18 =	sor.u32 $0x800, s16;
	s16 =	sor.u32 $0x8000, s31  }
.LBB1_3:
0x36: {  	v0 =	vld [tilespmem:s18+$0x470]  }
0x37: {  	v1 =	vld [tilespmem:s18+$0xFFFFF810]  }
0x38: {  	v2 =	vld [tilespmem:s18+$0xFFFFF820]  }
0x39: {  	v3 =	vld [tilespmem:s18+$0xFFFFF830]  }
0x3a: {  	v4 =	vld [tilespmem:s18+$0xFFFFF840]  }
0x3b: {  	v5 =	vld [tilespmem:s18+$0xFFFFF850];
	[tilespmem:s17+$0xF0] =	vst v0  }
0x3c: {  	[tilespmem:s17+$0xFFFFFF10] =	vst v1;
	v0 =	vld [tilespmem:s18+$0xFFFFF860]  }
0x3d: {  	[tilespmem:s17+$0xFFFFFF20] =	vst v2;
	v1 =	vld [tilespmem:s18+$0xFFFFF870]  }
0x3e: {  	[tilespmem:s17+$0xFFFFFF30] =	vst v3;
	v2 =	vld [tilespmem:s18+$0xFFFFFC00]  }
0x3f: {  	[tilespmem:s17+$0xFFFFFF40] =	vst v4;
	v3 =	vld [tilespmem:s18+$0xFFFFFC10]  }
0x40: {  	[tilespmem:s17+$0xFFFFFF50] =	vst v5;
	v4 =	vld [tilespmem:s18+$0xFFFFFC20]  }
0x41: {  	v5 =	vld [tilespmem:s18+$0x420];
	[tilespmem:s17+$0xFFFFFF60] =	vst v0  }
0x42: {  	v0 =	vld [tilespmem:s18+$0xFFFFFC30];
	[tilespmem:s17+$0xFFFFFF70] =	vst v1  }
0x43: {  	v1 =	vld [tilespmem:s18+$0xFFFFFC40];
	[tilespmem:s17+$0xFFFFFF80] =	vst v2  }
0x44: {  	[tilespmem:s17+$0xFFFFFF90] =	vst v3;
	v3 =	vld [tilespmem:s18+$0xFFFFFC60]  }
0x45: {  	[tilespmem:s17+$0xFFFFFFA0] =	vst v4;
	v4 =	vld [tilespmem:s18+$0xFFFFFC70]  }
0x46: {  	v2 =	vld [tilespmem:s18+$0xFFFFFC50];
	[tilespmem:s17+$0xA0] =	vst v5  }
0x47: {  	[tilespmem:s17+$0xFFFFFFB0] =	vst v0;
	v0 =	vld [tilespmem:s18+$0x0]  }
0x48: {  	[tilespmem:s17+$0xFFFFFFC0] =	vst v1;
	v1 =	vld [tilespmem:s18+$0x10]  }
0x49: {  	[tilespmem:s17+$0xFFFFFFE0] =	vst v3;
	v3 =	vld [tilespmem:s18+$0x30]  }
0x4a: {  	[tilespmem:s17+$0xFFFFFFF0] =	vst v4;
	v4 =	vld [tilespmem:s18+$0x40]  }
0x4b: {  	[tilespmem:s17+$0xFFFFFFD0] =	vst v2;
	v2 =	vld [tilespmem:s18+$0x20]  }
0x4c: {  	[tilespmem:s17+$0x0] =	vst v0;
	v0 =	vld [tilespmem:s18+$0x50]  }
0x4d: {  	[tilespmem:s17+$0x10] =	vst v1;
	v1 =	vld [tilespmem:s18+$0x60]  }
0x4e: {  	[tilespmem:s17+$0x30] =	vst v3;
	v3 =	vld [tilespmem:s18+$0x400]  }
0x4f: {  	[tilespmem:s17+$0x40] =	vst v4;
	v4 =	vld [tilespmem:s18+$0x410]  }
0x50: {  	[tilespmem:s17+$0x20] =	vst v2;
	v2 =	vld [tilespmem:s18+$0x70]  }
0x51: {  	[tilespmem:s17+$0x50] =	vst v0;
	v0 =	vld [tilespmem:s18+$0x430]  }
0x52: {  	[tilespmem:s17+$0x60] =	vst v1;
	v1 =	vld [tilespmem:s18+$0x440]  }
0x53: {  	[tilespmem:s17+$0x80] =	vst v3;
	v3 =	vld [tilespmem:s18+$0x450]  }
0x54: {  	[tilespmem:s17+$0x90] =	vst v4;
	v4 =	vld [tilespmem:s18+$0x460]  }
0x55: {  	s21 =	simm.s32 $0x0;
	s22 =	sadd.s32 $0x1000, s18;
	s20 =	smov.u32 s17;
	[tilespmem:s17+$0x70] =	vst v2;
	v2 =	vld [tilespmem:s18+$0xFFFFF800]  }
.LBB1_4:
0x56: {  	v5 =	vld [tilespmem:s22+$0x470];
	s21 =	sadd.s32 $0x200, s21;
	[tilespmem:s20+$0xB0] =	vst v0  }
0x57: {  	v0 =	vld [tilespmem:s22+$0xFFFFF810];
	p1 =	slt.u32 s21, $0x600;
	[tilespmem:s20+$0xC0] =	vst v1  }
0x58: {  	v1 =	vld [tilespmem:s22+$0xFFFFF820];
	[tilespmem:s20+$0xD0] =	vst v3  }
0x59: {  	v3 =	vld [tilespmem:s22+$0xFFFFF830];
	[tilespmem:s20+$0xE0] =	vst v4  }
0x5a: {  	v4 =	vld [tilespmem:s22+$0xFFFFF840];
	[tilespmem:s20+$0xFFFFFF00] =	vst v2;
	s20 =	sadd.s32 $0x200, s20  }
0x5b: {  	v2 =	vld [tilespmem:s22+$0xFFFFF850];
	[tilespmem:s20+$0xF0] =	vst v5  }
0x5c: {  	[tilespmem:s20+$0xFFFFFF10] =	vst v0;
	v0 =	vld [tilespmem:s22+$0xFFFFF860]  }
0x5d: {  	[tilespmem:s20+$0xFFFFFF20] =	vst v1;
	v1 =	vld [tilespmem:s22+$0xFFFFF870]  }
0x5e: {  	[tilespmem:s20+$0xFFFFFF30] =	vst v3;
	v3 =	vld [tilespmem:s22+$0xFFFFFC00]  }
0x5f: {  	[tilespmem:s20+$0xFFFFFF40] =	vst v4;
	v4 =	vld [tilespmem:s22+$0xFFFFFC10]  }
0x60: {  	[tilespmem:s20+$0xFFFFFF50] =	vst v2;
	v2 =	vld [tilespmem:s22+$0xFFFFFC20]  }
0x61: {  	[tilespmem:s20+$0xFFFFFF60] =	vst v0;
	v0 =	vld [tilespmem:s22+$0xFFFFFC30]  }
0x62: {  	[tilespmem:s20+$0xFFFFFF70] =	vst v1;
	v1 =	vld [tilespmem:s22+$0xFFFFFC40]  }
0x63: {  	[tilespmem:s20+$0xFFFFFF80] =	vst v3;
	v3 =	vld [tilespmem:s22+$0xFFFFFC50]  }
0x64: {  	[tilespmem:s20+$0xFFFFFF90] =	vst v4;
	v4 =	vld [tilespmem:s22+$0xFFFFFC60]  }
0x65: {  	[tilespmem:s20+$0xFFFFFFA0] =	vst v2;
	v2 =	vld [tilespmem:s22+$0xFFFFFC70]  }
0x66: {  	[tilespmem:s20+$0xFFFFFFB0] =	vst v0;
	v0 =	vld [tilespmem:s22+$0x0]  }
0x67: {  	[tilespmem:s20+$0xFFFFFFC0] =	vst v1;
	v1 =	vld [tilespmem:s22+$0x10]  }
0x68: {  	[tilespmem:s20+$0xFFFFFFD0] =	vst v3;
	v3 =	vld [tilespmem:s22+$0x20]  }
0x69: {  	[tilespmem:s20+$0xFFFFFFE0] =	vst v4;
	v4 =	vld [tilespmem:s22+$0x30]  }
0x6a: {  	[tilespmem:s20+$0xFFFFFFF0] =	vst v2;
	v2 =	vld [tilespmem:s22+$0x40]  }
0x6b: {  	[tilespmem:s20+$0x0] =	vst v0;
	v0 =	vld [tilespmem:s22+$0x50]  }
0x6c: {  	[tilespmem:s20+$0x10] =	vst v1;
	v1 =	vld [tilespmem:s22+$0x60]  }
0x6d: {  	[tilespmem:s20+$0x20] =	vst v3;
	v3 =	vld [tilespmem:s22+$0x70]  }
0x6e: {  	[tilespmem:s20+$0x30] =	vst v4;
	v4 =	vld [tilespmem:s22+$0x400]  }
0x6f: {  	[tilespmem:s20+$0x40] =	vst v2;
	v2 =	vld [tilespmem:s22+$0x410]  }
0x70: {  	[tilespmem:s20+$0x50] =	vst v0;
	v5 =	vld [tilespmem:s22+$0x420]  }
.Ltmp3:
0x71: {  	[tilespmem:s20+$0x60] =	vst v1;
	v0 =	vld [tilespmem:s22+$0x430];
	(pc) =	sbr.rel @p1 .LBB1_4-.Ltmp3, $4  }
0x72: {  	[tilespmem:s20+$0x70] =	vst v3;
	v1 =	vld [tilespmem:s22+$0x440]  }
0x73: {  	[tilespmem:s20+$0x80] =	vst v4;
	v3 =	vld [tilespmem:s22+$0x450]  }
0x74: {  	[tilespmem:s20+$0x90] =	vst v2;
	v4 =	vld [tilespmem:s22+$0x460]  }
0x75: {  	v2 =	vld [tilespmem:s22+$0xFFFFF800];
	[tilespmem:s20+$0xA0] =	vst v5;
	s22 =	sadd.s32 $0x1000, s22  }
0x76: {  	s19 =	sadd.s32 $0x1, s19  }
0x77: {  	p1 =	sne.s32 s19, $0x8  }
.Ltmp4:
0x78: {  	[tilespmem:s20+$0xB0] =	vst v0;
	(pc) =	sbr.rel @p1 .LBB1_3-.Ltmp4, $4  }
0x79: {  	[tilespmem:s20+$0xC0] =	vst v1  }
0x7a: {  	[tilespmem:s20+$0xD0] =	vst v3  }
0x7b: {  	[tilespmem:s20+$0xE0] =	vst v4  }
0x7c: {  	s17 =	sadd.s32 $0x800, s17;
	s18 =	sadd.s32 $0x80, s18;
	[tilespmem:s20+$0xFFFFFF00] =	vst v2  }
0x7d: {  	p1 =	sgt.s32 s10, $0xFFFFFFFE;
	s17 =	smov.u32 s10  }
0x7e: {  	s18 =	sshra.s32 s10, $0x1F;
	s19 =	smulhi.u32 $0x51EB851F, s9;
	s20 =	sshra.s32 s9, $0x1F  }
0x7f: {  	s30 =	smul.u32 $0x64000, s10;
	s17 =	simm.s32 @!p1 $0xFFFFFFFE;
	s18 =	sand.u32 s18, s10  }
0x80: {  	p1 =	sgt.s32 s9, $0x31F800;
	s17 =	ssub.s32 s17, s18;
	s18 =	smov.u32 s9  }
0x81: {  	s20 =	sand.u32 s20, s9;
	s19 =	sshrl.u32 s19, $0x14;
	s18 =	simm.s32 @!p1 $0x31F800  }
0x82: {  	s19 =	smul.u32 $0x320000, s19;
	s28 =	sadd.s32 $0x2, s17;
	s18 =	ssub.s32 s18, s20  }
0x83: {  	s17 =	ssub.s32 $0x6, s17;
	p1 =	sgt.s32 s28, $0x7;
	s29 =	sadd.s32 $0xFFCE0800, s18  }
0x84: {  	s17 =	simm.s32 @p1 $0x0;
	s18 =	ssub.s32 $0x320000, s18;
	p1 =	sgt.s32 s29, $0x7FF  }
.Ltmp5:
0x85: {  	s19 =	ssub.s32 s9, s19;
	s18 =	simm.s32 @p1 $0x0;
	(pc) =	sbr.rel .LBB1_7-.Ltmp5, $4  }
0x86: {  	s31 =	sand.u32 $0x7, s19;
	s17 =	smul.u32 s17, s18  }
0x87: {  	s20 =	sadd.s32 s2, s30;
	s19 =	sshrl.u32 s19, $0x3;
	s18 =	sshll.u32 s31, $0x12  }
0x88: {  	s19 =	sadd.s32 s19, s20;
	s18 =	sor.u32 $0x800, s18;
	s17 =	sand.u32 $0x3FFFFFFF, s17  }
0x89: {  	[hbm4b:s19+s18] =	stream.strided.scatter [tilespmem:s16], [sflag:$0x2], s17, s8, s18, $0x38;
	[tilespmem:$0x10000] =	vst v63  }
.LBB1_8:
0x8a: {  	_ =	sfence.sel $0x180000  }
0x8b: {  	s2 =	simm.s32 $0x1;
	[bflag:$0x0] =	sbarrier.arrive $0xFFFF  }
0x8c: {  	s31 =	simm.s32 $0x2;
	[sflag:s2] =	ssyncpa.u1 $0x1  }
0x8d: {  	[sflag:s31] =	ssyncpa.u1 $0x1  }
0x8e: {  	p0 =	sne.s32 s0, $0x0;
	_ =	strace $0x9000004A  }
0x8f: {  	s0 =	sadd.s32 @!p0 $0x100000, s1;
	[bflag:$0x2] =	sbarrier.arrive $0xFFFF  }
0x90: {  	[sflag:s0] =	ssyncadd.tile.s32 @!p0 $0x1;
	_ =	shalt  }
.Lfunc_end1:
_tile_overlayer_lowered:
.L_overlay_start_2:
0x91: {  	(tag) =	ssettag $0x2  }
0x92: {  	s0 =	rddreg [dreg:$0x0];
	s2 =	stileid.u32  }
0x93: {  	s1 =	rddreg [dreg:$0x1];
	p0 =	sne.s32 s2, $0x0  }
0x94: {  	s3 =	rddreg [dreg:$0x2];
	[bflag:$0x3] =	sbarrier.arrive $0xFFFF;
	s2 =	simm.s32 @!p0 $0x1C01  }
0x95: {  	[timem:s3], [sflag:s2] =	dma.local @!p0 [hbm:s0], s1  }
0x96: {  	s0 =	simm.s32 @!p0 $0x1  }
0x97: {  	_ =	swait.ge @!p0 [sflag:s0], s1  }
0x98: {  	s1 =	ssub.s32 @!p0 $0x0, s1;
	[sflag:s0] =	ssyncset.done @!p0 $0x0  }
0x99: {  	[sflag:s0] =	ssyncadd.s32 @!p0 s1  }
0x9a: {  	[bflag:$0x3] =	sbarrier.arrive $0xFFFF  }
0x9b: {  	_ =	shalt  }

</sc_bundles>
